<compile_context>
chip_gen: v7x
topology: tpu7x:2x2x1
jax: 0.10.2.dev20260603
libtpu: 0.0.44.dev20260713+nightly
codegen_flags: <defaults>
</compile_context>

<pallas_src>
import functools

import jax
import jax.numpy as jnp
from jax import lax
from jax.experimental import pallas as pl
from jax.experimental.pallas import tpu as pltpu
from jax.experimental.pallas import tpu_sc as plsc


def _temporal_indices():
    key = jax.random.key(42)
    gap = jax.random.randint(key, (4,), 4, 16, dtype=jnp.int32)
    gap = jnp.sort(gap)
    return jnp.concatenate((jnp.zeros((1,), dtype=gap.dtype), gap))


def _sc_gather(x3, idx):
    GT, H, W = x3.shape
    T = 32
    G = GT // T
    OT = 5
    NQ = 4
    HQ = H // NQ
    R = G * OT
    NCHUNK = R * NQ

    info = plsc.get_sparse_core_info()
    NC, NS = info.num_cores, info.num_subcores
    NW = NC * NS
    PER_W = NCHUNK // NW

    idx_s = [idx[j] for j in range(OT)]

    mesh = plsc.VectorSubcoreMesh(core_axis_name="c", subcore_axis_name="s")
    NBUF = 8
    DEPTH = 4

    @functools.partial(
        pl.kernel,
        out_type=jax.ShapeDtypeStruct((R, H, W), jnp.float32),
        mesh=mesh,
        scratch_types=(
            [pltpu.VMEM((NBUF, HQ, W), jnp.float32)]
            + [pltpu.SemaphoreType.DMA] * (2 * NBUF)
        ),
    )
    def body(x_hbm, out_hbm, bufs, *sems):
        isems, osems = sems[:NBUF], sems[NBUF:]
        w = lax.axis_index("s") * NC + lax.axis_index("c")

        def slabs(i):
            k = w * PER_W + i
            r = k >> 2
            q = k & 3
            g = (r * 52429) >> 18
            t = r - 5 * g
            st = idx_s[0]
            for j in range(1, OT):
                st = jnp.where(t == j, idx_s[j], st)
            src_row = g * T + st
            return (
                x_hbm.at[src_row, pl.ds(q * HQ, HQ), :],
                out_hbm.at[r, pl.ds(q * HQ, HQ), :],
            )

        ins = [None] * PER_W
        outs = [None] * PER_W

        def start_in(i):
            src, _ = slabs(i)
            ins[i] = pltpu.async_copy(src, bufs.at[i % NBUF], isems[i % NBUF])

        for i in range(min(DEPTH, PER_W)):
            start_in(i)
        for i in range(PER_W):
            nxt = i + DEPTH
            if nxt < PER_W:
                if nxt >= NBUF:
                    outs[nxt - NBUF].wait()
                start_in(nxt)
            ins[i].wait()
            _, dst = slabs(i)
            outs[i] = pltpu.async_copy(bufs.at[i % NBUF], dst, osems[i % NBUF])
        for i in range(max(0, PER_W - NBUF), PER_W):
            outs[i].wait()

    return body(x3)


def kernel(x):
    B, C, T, H, W = x.shape
    idx = _temporal_indices()
    OT = idx.shape[0]
    x3 = x.reshape(B * C * T, H, W)
    out3 = _sc_gather(x3, idx)
    return out3.reshape(B, C, OT, H, W)

# --- scband reference (transcript-rebuilt; emitter-appended) ---
"""Pipeline reference for scband-random-temporal-subsample-2774548873601 (READ-ONLY COPY).

The authoritative reference and input builder live on the scoring server;
editing this copy changes nothing except your own understanding.
"""

import jax, jax.numpy as jnp
import numpy as np

MIN_GAP = 4
MAX_GAP = 16
TEMPORAL_DIM = -3
REPEATED_SAMPLING = 4


def setup_inputs(seed: int = 0) -> dict:
    key = jax.random.key(seed)
    x = jax.random.normal(key, (8, 3, 32, 224, 224), dtype=jnp.float32)
    return {"x": x}


def reference(x):
    # Faithful translation of random_temporal_subsample:
    # gap = randint(min_gap, max_gap, (repeated_sampling,)); gap = sort(gap)
    # indices = cat([0], gap); out = index_select(video, temporal_dim, indices)
    # Randomness is made deterministic with a fixed key.
    key = jax.random.key(42)
    gap = jax.random.randint(key, (REPEATED_SAMPLING,), MIN_GAP, MAX_GAP, dtype=jnp.int32)
    gap = jnp.sort(gap)
    idx = jnp.concatenate((jnp.zeros((1,), dtype=gap.dtype), gap))
    return jnp.take(x, idx, axis=TEMPORAL_DIM)

if __name__ == "__main__":
    import jax
    _d = setup_inputs()
    print(jax.jit(kernel)(*tuple(_d.values())))

</pallas_src>

<mosaic_0001>
#map = affine_map<(d0, d1) -> (0, 0, 0)>
#map1 = affine_map<(d0, d1) -> (0)>
module attributes {stable_mosaic.version = 14 : i64} {
  func.func @_rewritten_body(%arg0: i32, %arg1: i32, %arg2: memref<768x224x224xf32, #tpu.memory_space<hbm>>, %arg3: memref<1xi32, #tpu.memory_space<hbm>>, %arg4: memref<1xi32, #tpu.memory_space<hbm>>, %arg5: memref<1xi32, #tpu.memory_space<hbm>>, %arg6: memref<1xi32, #tpu.memory_space<hbm>>, %arg7: memref<1xi32, #tpu.memory_space<hbm>>, %arg8: memref<120x224x224xf32, #tpu.memory_space<hbm>>, %arg9: memref<8x56x224xf32, #tpu.memory_space<vmem>>, %arg10: memref<!tpu.dma_semaphore, #tpu.memory_space<semaphore_mem>>, %arg11: memref<!tpu.dma_semaphore, #tpu.memory_space<semaphore_mem>>, %arg12: memref<!tpu.dma_semaphore, #tpu.memory_space<semaphore_mem>>, %arg13: memref<!tpu.dma_semaphore, #tpu.memory_space<semaphore_mem>>, %arg14: memref<!tpu.dma_semaphore, #tpu.memory_space<semaphore_mem>>, %arg15: memref<!tpu.dma_semaphore, #tpu.memory_space<semaphore_mem>>, %arg16: memref<!tpu.dma_semaphore, #tpu.memory_space<semaphore_mem>>, %arg17: memref<!tpu.dma_semaphore, #tpu.memory_space<semaphore_mem>>, %arg18: memref<!tpu.dma_semaphore, #tpu.memory_space<semaphore_mem>>, %arg19: memref<!tpu.dma_semaphore, #tpu.memory_space<semaphore_mem>>, %arg20: memref<!tpu.dma_semaphore, #tpu.memory_space<semaphore_mem>>, %arg21: memref<!tpu.dma_semaphore, #tpu.memory_space<semaphore_mem>>, %arg22: memref<!tpu.dma_semaphore, #tpu.memory_space<semaphore_mem>>, %arg23: memref<!tpu.dma_semaphore, #tpu.memory_space<semaphore_mem>>, %arg24: memref<!tpu.dma_semaphore, #tpu.memory_space<semaphore_mem>>, %arg25: memref<!tpu.dma_semaphore, #tpu.memory_space<semaphore_mem>>) attributes {dimension_semantics = [#tpu.dimension_semantics<core_parallel>, #tpu.dimension_semantics<subcore_parallel>], iteration_bounds = array<i64: 2, 16>, scalar_prefetch = 0 : i64, scratch_operands = 17 : i64, tpu.core_type = #tpu.core_type<sc_vector_subcore>, window_params = [{transform_indices = #map}, {transform_indices = #map1}, {transform_indices = #map1}, {transform_indices = #map1}, {transform_indices = #map1}, {transform_indices = #map1}, {transform_indices = #map}]} {
    %empty_ref3A = memref.alloca() : memref<16xi32, #tpu.memory_space<vmem>>
    %empty_ref3A_0 = memref.alloca() : memref<16xi32, #tpu.memory_space<vmem>>
    %empty_ref3A_1 = memref.alloca() : memref<16xi32, #tpu.memory_space<vmem>>
    %empty_ref3A_2 = memref.alloca() : memref<16xi32, #tpu.memory_space<vmem>>
    %empty_ref3A_3 = memref.alloca() : memref<16xi32, #tpu.memory_space<vmem>>
    "tpu.region"() ({
      %run_scoped3A = tpu.sem_alloc : memref<!tpu.dma_semaphore, #tpu.memory_space<semaphore_mem>>
      %dma_start3A_1940 = arith.constant 0 : i32
      %dma_start3A_1941 = tpu.memref_slice %empty_ref3A[%dma_start3A_1940] : memref<16xi32, #tpu.memory_space<vmem>> -> memref<1xi32, #tpu.memory_space<vmem>>
      %dma_start3A_1942 = arith.constant 0 : i32
      %dma_start3A_1943 = tpu.memref_slice %empty_ref3A[%dma_start3A_1942] : memref<16xi32, #tpu.memory_space<vmem>> -> memref<1xi32, #tpu.memory_space<vmem>>
      tpu.enqueue_dma source(%arg3 : memref<1xi32, #tpu.memory_space<hbm>>) target(%dma_start3A_1943 : memref<1xi32, #tpu.memory_space<vmem>>) target_semaphore(%run_scoped3A : memref<!tpu.dma_semaphore, #tpu.memory_space<semaphore_mem>>)
      %dma_start3A_1944 = arith.constant 0 : i32
      %dma_start3A_1945 = tpu.memref_slice %empty_ref3A_0[%dma_start3A_1944] : memref<16xi32, #tpu.memory_space<vmem>> -> memref<1xi32, #tpu.memory_space<vmem>>
      %dma_start3A_1946 = arith.constant 0 : i32
      %dma_start3A_1947 = tpu.memref_slice %empty_ref3A_0[%dma_start3A_1946] : memref<16xi32, #tpu.memory_space<vmem>> -> memref<1xi32, #tpu.memory_space<vmem>>
      tpu.enqueue_dma source(%arg4 : memref<1xi32, #tpu.memory_space<hbm>>) target(%dma_start3A_1947 : memref<1xi32, #tpu.memory_space<vmem>>) target_semaphore(%run_scoped3A : memref<!tpu.dma_semaphore, #tpu.memory_space<semaphore_mem>>)
      %dma_start3A_1948 = arith.constant 0 : i32
      %dma_start3A_1949 = tpu.memref_slice %empty_ref3A_1[%dma_start3A_1948] : memref<16xi32, #tpu.memory_space<vmem>> -> memref<1xi32, #tpu.memory_space<vmem>>
      %dma_start3A_1950 = arith.constant 0 : i32
      %dma_start3A_1951 = tpu.memref_slice %empty_ref3A_1[%dma_start3A_1950] : memref<16xi32, #tpu.memory_space<vmem>> -> memref<1xi32, #tpu.memory_space<vmem>>
      tpu.enqueue_dma source(%arg5 : memref<1xi32, #tpu.memory_space<hbm>>) target(%dma_start3A_1951 : memref<1xi32, #tpu.memory_space<vmem>>) target_semaphore(%run_scoped3A : memref<!tpu.dma_semaphore, #tpu.memory_space<semaphore_mem>>)
      %dma_start3A_1952 = arith.constant 0 : i32
      %dma_start3A_1953 = tpu.memref_slice %empty_ref3A_2[%dma_start3A_1952] : memref<16xi32, #tpu.memory_space<vmem>> -> memref<1xi32, #tpu.memory_space<vmem>>
      %dma_start3A_1954 = arith.constant 0 : i32
      %dma_start3A_1955 = tpu.memref_slice %empty_ref3A_2[%dma_start3A_1954] : memref<16xi32, #tpu.memory_space<vmem>> -> memref<1xi32, #tpu.memory_space<vmem>>
      tpu.enqueue_dma source(%arg6 : memref<1xi32, #tpu.memory_space<hbm>>) target(%dma_start3A_1955 : memref<1xi32, #tpu.memory_space<vmem>>) target_semaphore(%run_scoped3A : memref<!tpu.dma_semaphore, #tpu.memory_space<semaphore_mem>>)
      %dma_start3A_1956 = arith.constant 0 : i32
      %dma_start3A_1957 = tpu.memref_slice %empty_ref3A_3[%dma_start3A_1956] : memref<16xi32, #tpu.memory_space<vmem>> -> memref<1xi32, #tpu.memory_space<vmem>>
      %dma_start3A_1958 = arith.constant 0 : i32
      %dma_start3A_1959 = tpu.memref_slice %empty_ref3A_3[%dma_start3A_1958] : memref<16xi32, #tpu.memory_space<vmem>> -> memref<1xi32, #tpu.memory_space<vmem>>
      tpu.enqueue_dma source(%arg7 : memref<1xi32, #tpu.memory_space<hbm>>) target(%dma_start3A_1959 : memref<1xi32, #tpu.memory_space<vmem>>) target_semaphore(%run_scoped3A : memref<!tpu.dma_semaphore, #tpu.memory_space<semaphore_mem>>)
      %dma_wait3A_1960 = arith.constant 0 : i32
      %dma_wait3A_1961 = tpu.memref_slice %empty_ref3A[%dma_wait3A_1960] : memref<16xi32, #tpu.memory_space<vmem>> -> memref<1xi32, #tpu.memory_space<vmem>>
      %dma_wait3A_1962 = arith.constant 0 : i32
      %dma_wait3A_1963 = tpu.memref_slice %empty_ref3A[%dma_wait3A_1962] : memref<16xi32, #tpu.memory_space<vmem>> -> memref<1xi32, #tpu.memory_space<vmem>>
      tpu.wait_dma2 semaphore(%run_scoped3A : memref<!tpu.dma_semaphore, #tpu.memory_space<semaphore_mem>>) src(%arg3 : memref<1xi32, #tpu.memory_space<hbm>>) dst(%dma_wait3A_1963 : memref<1xi32, #tpu.memory_space<vmem>>)
      %dma_wait3A_1964 = arith.constant 0 : i32
      %dma_wait3A_1965 = tpu.memref_slice %empty_ref3A_0[%dma_wait3A_1964] : memref<16xi32, #tpu.memory_space<vmem>> -> memref<1xi32, #tpu.memory_space<vmem>>
      %dma_wait3A_1966 = arith.constant 0 : i32
      %dma_wait3A_1967 = tpu.memref_slice %empty_ref3A_0[%dma_wait3A_1966] : memref<16xi32, #tpu.memory_space<vmem>> -> memref<1xi32, #tpu.memory_space<vmem>>
      tpu.wait_dma2 semaphore(%run_scoped3A : memref<!tpu.dma_semaphore, #tpu.memory_space<semaphore_mem>>) src(%arg4 : memref<1xi32, #tpu.memory_space<hbm>>) dst(%dma_wait3A_1967 : memref<1xi32, #tpu.memory_space<vmem>>)
      %dma_wait3A_1968 = arith.constant 0 : i32
      %dma_wait3A_1969 = tpu.memref_slice %empty_ref3A_1[%dma_wait3A_1968] : memref<16xi32, #tpu.memory_space<vmem>> -> memref<1xi32, #tpu.memory_space<vmem>>
      %dma_wait3A_1970 = arith.constant 0 : i32
      %dma_wait3A_1971 = tpu.memref_slice %empty_ref3A_1[%dma_wait3A_1970] : memref<16xi32, #tpu.memory_space<vmem>> -> memref<1xi32, #tpu.memory_space<vmem>>
      tpu.wait_dma2 semaphore(%run_scoped3A : memref<!tpu.dma_semaphore, #tpu.memory_space<semaphore_mem>>) src(%arg5 : memref<1xi32, #tpu.memory_space<hbm>>) dst(%dma_wait3A_1971 : memref<1xi32, #tpu.memory_space<vmem>>)
      %dma_wait3A_1972 = arith.constant 0 : i32
      %dma_wait3A_1973 = tpu.memref_slice %empty_ref3A_2[%dma_wait3A_1972] : memref<16xi32, #tpu.memory_space<vmem>> -> memref<1xi32, #tpu.memory_space<vmem>>
      %dma_wait3A_1974 = arith.constant 0 : i32
      %dma_wait3A_1975 = tpu.memref_slice %empty_ref3A_2[%dma_wait3A_1974] : memref<16xi32, #tpu.memory_space<vmem>> -> memref<1xi32, #tpu.memory_space<vmem>>
      tpu.wait_dma2 semaphore(%run_scoped3A : memref<!tpu.dma_semaphore, #tpu.memory_space<semaphore_mem>>) src(%arg6 : memref<1xi32, #tpu.memory_space<hbm>>) dst(%dma_wait3A_1975 : memref<1xi32, #tpu.memory_space<vmem>>)
      %dma_wait3A_1976 = arith.constant 0 : i32
      %dma_wait3A_1977 = tpu.memref_slice %empty_ref3A_3[%dma_wait3A_1976] : memref<16xi32, #tpu.memory_space<vmem>> -> memref<1xi32, #tpu.memory_space<vmem>>
      %dma_wait3A_1978 = arith.constant 0 : i32
      %dma_wait3A_1979 = tpu.memref_slice %empty_ref3A_3[%dma_wait3A_1978] : memref<16xi32, #tpu.memory_space<vmem>> -> memref<1xi32, #tpu.memory_space<vmem>>
      tpu.wait_dma2 semaphore(%run_scoped3A : memref<!tpu.dma_semaphore, #tpu.memory_space<semaphore_mem>>) src(%arg7 : memref<1xi32, #tpu.memory_space<hbm>>) dst(%dma_wait3A_1979 : memref<1xi32, #tpu.memory_space<vmem>>)
      tpu.yield
    }) : () -> ()
    %get3A = arith.constant 0 : index
    %get3A_4 = tpu.vector_load %empty_ref3A[%get3A] {strides = array<i32>} : memref<16xi32, #tpu.memory_space<vmem>>, vector<16xi32>,
    %get3A_5 = vector.shape_cast %get3A_4 : vector<16xi32> to vector<16xi32>
    %slice3A = vector.extract_strided_slice %get3A_5 {offsets = [0], sizes = [1], strides = [1]} : vector<16xi32> to vector<1xi32>
    %squeeze3A = vector.extract %slice3A[0] : i32 from vector<1xi32>
    %get3A_6 = arith.constant 0 : index
    %get3A_7 = tpu.vector_load %empty_ref3A_0[%get3A_6] {strides = array<i32>} : memref<16xi32, #tpu.memory_space<vmem>>, vector<16xi32>,
    %get3A_8 = vector.shape_cast %get3A_7 : vector<16xi32> to vector<16xi32>
    %slice3A_9 = vector.extract_strided_slice %get3A_8 {offsets = [0], sizes = [1], strides = [1]} : vector<16xi32> to vector<1xi32>
    %squeeze3A_10 = vector.extract %slice3A_9[0] : i32 from vector<1xi32>
    %get3A_11 = arith.constant 0 : index
    %get3A_12 = tpu.vector_load %empty_ref3A_1[%get3A_11] {strides = array<i32>} : memref<16xi32, #tpu.memory_space<vmem>>, vector<16xi32>,
    %get3A_13 = vector.shape_cast %get3A_12 : vector<16xi32> to vector<16xi32>
    %slice3A_14 = vector.extract_strided_slice %get3A_13 {offsets = [0], sizes = [1], strides = [1]} : vector<16xi32> to vector<1xi32>
    %squeeze3A_15 = vector.extract %slice3A_14[0] : i32 from vector<1xi32>
    %get3A_16 = arith.constant 0 : index
    %get3A_17 = tpu.vector_load %empty_ref3A_2[%get3A_16] {strides = array<i32>} : memref<16xi32, #tpu.memory_space<vmem>>, vector<16xi32>,
    %get3A_18 = vector.shape_cast %get3A_17 : vector<16xi32> to vector<16xi32>
    %slice3A_19 = vector.extract_strided_slice %get3A_18 {offsets = [0], sizes = [1], strides = [1]} : vector<16xi32> to vector<1xi32>
    %squeeze3A_20 = vector.extract %slice3A_19[0] : i32 from vector<1xi32>
    %get3A_21 = arith.constant 0 : index
    %get3A_22 = tpu.vector_load %empty_ref3A_3[%get3A_21] {strides = array<i32>} : memref<16xi32, #tpu.memory_space<vmem>>, vector<16xi32>,
    %get3A_23 = vector.shape_cast %get3A_22 : vector<16xi32> to vector<16xi32>
    %slice3A_24 = vector.extract_strided_slice %get3A_23 {offsets = [0], sizes = [1], strides = [1]} : vector<16xi32> to vector<1xi32>
    %squeeze3A_25 = vector.extract %slice3A_24[0] : i32 from vector<1xi32>
    %mul3A = arith.constant 2 : i32
    %mul3A_26 = arith.muli %arg1, %mul3A : i32
    %add3A = arith.addi %mul3A_26, %arg0 : i32
    %mul3A_27 = arith.constant 15 : i32
    %mul3A_28 = arith.muli %add3A, %mul3A_27 : i32
    %add3A_29 = arith.constant 0 : i32
    %add3A_30 = arith.addi %mul3A_28, %add3A_29 : i32
    %shift_right_arithmetic3A = arith.constant 2 : i32
    %shift_right_arithmetic3A_31 = arith.shrsi %add3A_30, %shift_right_arithmetic3A : i32
    %and3A = arith.constant 3 : i32
    %and3A_32 = arith.andi %add3A_30, %and3A : i32
    %mul3A_33 = arith.constant 52429 : i32
    %mul3A_34 = arith.muli %shift_right_arithmetic3A_31, %mul3A_33 : i32
    %shift_right_arithmetic3A_35 = arith.constant 18 : i32
    %shift_right_arithmetic3A_36 = arith.shrsi %mul3A_34, %shift_right_arithmetic3A_35 : i32
    %mul3A_37 = arith.constant 5 : i32
    %mul3A_38 = arith.muli %mul3A_37, %shift_right_arithmetic3A_36 : i32
    %sub3A = arith.subi %shift_right_arithmetic3A_31, %mul3A_38 : i32
    %eq3A = arith.constant 1 : i32
    %eq3A_39 = arith.cmpi eq, %sub3A, %eq3A : i32
    %select_n3A = arith.select %eq3A_39, %squeeze3A, %squeeze3A_10 : i32
    %eq3A_40 = arith.constant 2 : i32
    %eq3A_41 = arith.cmpi eq, %sub3A, %eq3A_40 : i32
    %select_n3A_42 = arith.select %eq3A_41, %squeeze3A_15, %select_n3A : i32
    %eq3A_43 = arith.constant 3 : i32
    %eq3A_44 = arith.cmpi eq, %sub3A, %eq3A_43 : i32
    %select_n3A_45 = arith.select %eq3A_44, %squeeze3A_20, %select_n3A_42 : i32
    %eq3A_46 = arith.constant 4 : i32
    %eq3A_47 = arith.cmpi eq, %sub3A, %eq3A_46 : i32
    %select_n3A_48 = arith.select %eq3A_47, %squeeze3A_25, %select_n3A_45 : i32
    %mul3A_49 = arith.constant 32 : i32
    %mul3A_50 = arith.muli %shift_right_arithmetic3A_36, %mul3A_49 : i32
    %add3A_51 = arith.addi %mul3A_50, %select_n3A_48 : i32
    %mul3A_52 = arith.constant 56 : i32
    %mul3A_53 = arith.muli %and3A_32, %mul3A_52 : i32
    %mul3A_54 = arith.constant 56 : i32
    %mul3A_55 = arith.muli %and3A_32, %mul3A_54 : i32
    %dma_start3A = arith.constant 0 : i32
    %dma_start3A_56 = arith.constant 0 : i32
    %dma_start3A_57 = arith.constant 0 : i32
    %dma_start3A_58 = tpu.memref_slice %arg9[%dma_start3A, %dma_start3A_56, %dma_start3A_57] : memref<8x56x224xf32, #tpu.memory_space<vmem>> -> memref<1x56x224xf32, #tpu.memory_space<vmem>>
    %dma_start3A_59 = tpu.memref_squeeze %dma_start3A_58 : memref<1x56x224xf32, #tpu.memory_space<vmem>> -> memref<56x224xf32, #tpu.memory_space<vmem>>
    %dma_start3A_60 = arith.constant 0 : i32
    %dma_start3A_61 = tpu.memref_slice %arg2[%add3A_51, %mul3A_53, %dma_start3A_60] : memref<768x224x224xf32, #tpu.memory_space<hbm>> -> memref<1x56x224xf32, #tpu.memory_space<hbm>>
    %dma_start3A_62 = tpu.memref_squeeze %dma_start3A_61 : memref<1x56x224xf32, #tpu.memory_space<hbm>> -> memref<56x224xf32, #tpu.memory_space<hbm>>
    %dma_start3A_63 = arith.constant 0 : i32
    %dma_start3A_64 = arith.constant 0 : i32
    %dma_start3A_65 = tpu.memref_slice %arg9[%dma_start3A, %dma_start3A_63, %dma_start3A_64] : memref<8x56x224xf32, #tpu.memory_space<vmem>> -> memref<1x56x224xf32, #tpu.memory_space<vmem>>
    %dma_start3A_66 = tpu.memref_squeeze %dma_start3A_65 : memref<1x56x224xf32, #tpu.memory_space<vmem>> -> memref<56x224xf32, #tpu.memory_space<vmem>>
    %dma_start3A_67 = arith.constant 0 : i32
    %dma_start3A_68 = tpu.memref_slice %arg2[%add3A_51, %mul3A_53, %dma_start3A_67] : memref<768x224x224xf32, #tpu.memory_space<hbm>> -> memref<1x56x224xf32, #tpu.memory_space<hbm>>
    %dma_start3A_69 = tpu.memref_squeeze %dma_start3A_68 : memref<1x56x224xf32, #tpu.memory_space<hbm>> -> memref<56x224xf32, #tpu.memory_space<hbm>>
    tpu.enqueue_dma source(%dma_start3A_69 : memref<56x224xf32, #tpu.memory_space<hbm>>) target(%dma_start3A_66 : memref<56x224xf32, #tpu.memory_space<vmem>>) target_semaphore(%arg10 : memref<!tpu.dma_semaphore, #tpu.memory_space<semaphore_mem>>)
    %mul3A_70 = arith.constant 15 : i32
    %mul3A_71 = arith.muli %add3A, %mul3A_70 : i32
    %add3A_72 = arith.constant 1 : i32
    %add3A_73 = arith.addi %mul3A_71, %add3A_72 : i32
    %shift_right_arithmetic3A_74 = arith.constant 2 : i32
    %shift_right_arithmetic3A_75 = arith.shrsi %add3A_73, %shift_right_arithmetic3A_74 : i32
    %and3A_76 = arith.constant 3 : i32
    %and3A_77 = arith.andi %add3A_73, %and3A_76 : i32
    %mul3A_78 = arith.constant 52429 : i32
    %mul3A_79 = arith.muli %shift_right_arithmetic3A_75, %mul3A_78 : i32
    %shift_right_arithmetic3A_80 = arith.constant 18 : i32
    %shift_right_arithmetic3A_81 = arith.shrsi %mul3A_79, %shift_right_arithmetic3A_80 : i32
    %mul3A_82 = arith.constant 5 : i32
    %mul3A_83 = arith.muli %mul3A_82, %shift_right_arithmetic3A_81 : i32
    %sub3A_84 = arith.subi %shift_right_arithmetic3A_75, %mul3A_83 : i32
    %eq3A_85 = arith.constant 1 : i32
    %eq3A_86 = arith.cmpi eq, %sub3A_84, %eq3A_85 : i32
    %select_n3A_87 = arith.select %eq3A_86, %squeeze3A, %squeeze3A_10 : i32
    %eq3A_88 = arith.constant 2 : i32
    %eq3A_89 = arith.cmpi eq, %sub3A_84, %eq3A_88 : i32
    %select_n3A_90 = arith.select %eq3A_89, %squeeze3A_15, %select_n3A_87 : i32
    %eq3A_91 = arith.constant 3 : i32
    %eq3A_92 = arith.cmpi eq, %sub3A_84, %eq3A_91 : i32
    %select_n3A_93 = arith.select %eq3A_92, %squeeze3A_20, %select_n3A_90 : i32
    %eq3A_94 = arith.constant 4 : i32
    %eq3A_95 = arith.cmpi eq, %sub3A_84, %eq3A_94 : i32
    %select_n3A_96 = arith.select %eq3A_95, %squeeze3A_25, %select_n3A_93 : i32
    %mul3A_97 = arith.constant 32 : i32
    %mul3A_98 = arith.muli %shift_right_arithmetic3A_81, %mul3A_97 : i32
    %add3A_99 = arith.addi %mul3A_98, %select_n3A_96 : i32
    %mul3A_100 = arith.constant 56 : i32
    %mul3A_101 = arith.muli %and3A_77, %mul3A_100 : i32
    %mul3A_102 = arith.constant 56 : i32
    %mul3A_103 = arith.muli %and3A_77, %mul3A_102 : i32
    %dma_start3A_104 = arith.constant 1 : i32
    %dma_start3A_105 = arith.constant 0 : i32
    %dma_start3A_106 = arith.constant 0 : i32
    %dma_start3A_107 = tpu.memref_slice %arg9[%dma_start3A_104, %dma_start3A_105, %dma_start3A_106] : memref<8x56x224xf32, #tpu.memory_space<vmem>> -> memref<1x56x224xf32, #tpu.memory_space<vmem>>
    %dma_start3A_108 = tpu.memref_squeeze %dma_start3A_107 : memref<1x56x224xf32, #tpu.memory_space<vmem>> -> memref<56x224xf32, #tpu.memory_space<vmem>>
    %dma_start3A_109 = arith.constant 0 : i32
    %dma_start3A_110 = tpu.memref_slice %arg2[%add3A_99, %mul3A_101, %dma_start3A_109] : memref<768x224x224xf32, #tpu.memory_space<hbm>> -> memref<1x56x224xf32, #tpu.memory_space<hbm>>
    %dma_start3A_111 = tpu.memref_squeeze %dma_start3A_110 : memref<1x56x224xf32, #tpu.memory_space<hbm>> -> memref<56x224xf32, #tpu.memory_space<hbm>>
    %dma_start3A_112 = arith.constant 0 : i32
    %dma_start3A_113 = arith.constant 0 : i32
    %dma_start3A_114 = tpu.memref_slice %arg9[%dma_start3A_104, %dma_start3A_112, %dma_start3A_113] : memref<8x56x224xf32, #tpu.memory_space<vmem>> -> memref<1x56x224xf32, #tpu.memory_space<vmem>>
    %dma_start3A_115 = tpu.memref_squeeze %dma_start3A_114 : memref<1x56x224xf32, #tpu.memory_space<vmem>> -> memref<56x224xf32, #tpu.memory_space<vmem>>
    %dma_start3A_116 = arith.constant 0 : i32
    %dma_start3A_117 = tpu.memref_slice %arg2[%add3A_99, %mul3A_101, %dma_start3A_116] : memref<768x224x224xf32, #tpu.memory_space<hbm>> -> memref<1x56x224xf32, #tpu.memory_space<hbm>>
    %dma_start3A_118 = tpu.memref_squeeze %dma_start3A_117 : memref<1x56x224xf32, #tpu.memory_space<hbm>> -> memref<56x224xf32, #tpu.memory_space<hbm>>
    tpu.enqueue_dma source(%dma_start3A_118 : memref<56x224xf32, #tpu.memory_space<hbm>>) target(%dma_start3A_115 : memref<56x224xf32, #tpu.memory_space<vmem>>) target_semaphore(%arg11 : memref<!tpu.dma_semaphore, #tpu.memory_space<semaphore_mem>>)
    %mul3A_119 = arith.constant 15 : i32
    %mul3A_120 = arith.muli %add3A, %mul3A_119 : i32
    %add3A_121 = arith.constant 2 : i32
    %add3A_122 = arith.addi %mul3A_120, %add3A_121 : i32
    %shift_right_arithmetic3A_123 = arith.constant 2 : i32
    %shift_right_arithmetic3A_124 = arith.shrsi %add3A_122, %shift_right_arithmetic3A_123 : i32
    %and3A_125 = arith.constant 3 : i32
    %and3A_126 = arith.andi %add3A_122, %and3A_125 : i32
    %mul3A_127 = arith.constant 52429 : i32
    %mul3A_128 = arith.muli %shift_right_arithmetic3A_124, %mul3A_127 : i32
    %shift_right_arithmetic3A_129 = arith.constant 18 : i32
    %shift_right_arithmetic3A_130 = arith.shrsi %mul3A_128, %shift_right_arithmetic3A_129 : i32
    %mul3A_131 = arith.constant 5 : i32
    %mul3A_132 = arith.muli %mul3A_131, %shift_right_arithmetic3A_130 : i32
    %sub3A_133 = arith.subi %shift_right_arithmetic3A_124, %mul3A_132 : i32
    %eq3A_134 = arith.constant 1 : i32
    %eq3A_135 = arith.cmpi eq, %sub3A_133, %eq3A_134 : i32
    %select_n3A_136 = arith.select %eq3A_135, %squeeze3A, %squeeze3A_10 : i32
    %eq3A_137 = arith.constant 2 : i32
    %eq3A_138 = arith.cmpi eq, %sub3A_133, %eq3A_137 : i32
    %select_n3A_139 = arith.select %eq3A_138, %squeeze3A_15, %select_n3A_136 : i32
    %eq3A_140 = arith.constant 3 : i32
    %eq3A_141 = arith.cmpi eq, %sub3A_133, %eq3A_140 : i32
    %select_n3A_142 = arith.select %eq3A_141, %squeeze3A_20, %select_n3A_139 : i32
    %eq3A_143 = arith.constant 4 : i32
    %eq3A_144 = arith.cmpi eq, %sub3A_133, %eq3A_143 : i32
    %select_n3A_145 = arith.select %eq3A_144, %squeeze3A_25, %select_n3A_142 : i32
    %mul3A_146 = arith.constant 32 : i32
    %mul3A_147 = arith.muli %shift_right_arithmetic3A_130, %mul3A_146 : i32
    %add3A_148 = arith.addi %mul3A_147, %select_n3A_145 : i32
    %mul3A_149 = arith.constant 56 : i32
    %mul3A_150 = arith.muli %and3A_126, %mul3A_149 : i32
    %mul3A_151 = arith.constant 56 : i32
    %mul3A_152 = arith.muli %and3A_126, %mul3A_151 : i32
    %dma_start3A_153 = arith.constant 2 : i32
    %dma_start3A_154 = arith.constant 0 : i32
    %dma_start3A_155 = arith.constant 0 : i32
    %dma_start3A_156 = tpu.memref_slice %arg9[%dma_start3A_153, %dma_start3A_154, %dma_start3A_155] : memref<8x56x224xf32, #tpu.memory_space<vmem>> -> memref<1x56x224xf32, #tpu.memory_space<vmem>>
    %dma_start3A_157 = tpu.memref_squeeze %dma_start3A_156 : memref<1x56x224xf32, #tpu.memory_space<vmem>> -> memref<56x224xf32, #tpu.memory_space<vmem>>
    %dma_start3A_158 = arith.constant 0 : i32
    %dma_start3A_159 = tpu.memref_slice %arg2[%add3A_148, %mul3A_150, %dma_start3A_158] : memref<768x224x224xf32, #tpu.memory_space<hbm>> -> memref<1x56x224xf32, #tpu.memory_space<hbm>>
    %dma_start3A_160 = tpu.memref_squeeze %dma_start3A_159 : memref<1x56x224xf32, #tpu.memory_space<hbm>> -> memref<56x224xf32, #tpu.memory_space<hbm>>
    %dma_start3A_161 = arith.constant 0 : i32
    %dma_start3A_162 = arith.constant 0 : i32
    %dma_start3A_163 = tpu.memref_slice %arg9[%dma_start3A_153, %dma_start3A_161, %dma_start3A_162] : memref<8x56x224xf32, #tpu.memory_space<vmem>> -> memref<1x56x224xf32, #tpu.memory_space<vmem>>
    %dma_start3A_164 = tpu.memref_squeeze %dma_start3A_163 : memref<1x56x224xf32, #tpu.memory_space<vmem>> -> memref<56x224xf32, #tpu.memory_space<vmem>>
    %dma_start3A_165 = arith.constant 0 : i32
    %dma_start3A_166 = tpu.memref_slice %arg2[%add3A_148, %mul3A_150, %dma_start3A_165] : memref<768x224x224xf32, #tpu.memory_space<hbm>> -> memref<1x56x224xf32, #tpu.memory_space<hbm>>
    %dma_start3A_167 = tpu.memref_squeeze %dma_start3A_166 : memref<1x56x224xf32, #tpu.memory_space<hbm>> -> memref<56x224xf32, #tpu.memory_space<hbm>>
    tpu.enqueue_dma source(%dma_start3A_167 : memref<56x224xf32, #tpu.memory_space<hbm>>) target(%dma_start3A_164 : memref<56x224xf32, #tpu.memory_space<vmem>>) target_semaphore(%arg12 : memref<!tpu.dma_semaphore, #tpu.memory_space<semaphore_mem>>)
    %mul3A_168 = arith.constant 15 : i32
    %mul3A_169 = arith.muli %add3A, %mul3A_168 : i32
    %add3A_170 = arith.constant 3 : i32
    %add3A_171 = arith.addi %mul3A_169, %add3A_170 : i32
    %shift_right_arithmetic3A_172 = arith.constant 2 : i32
    %shift_right_arithmetic3A_173 = arith.shrsi %add3A_171, %shift_right_arithmetic3A_172 : i32
    %and3A_174 = arith.constant 3 : i32
    %and3A_175 = arith.andi %add3A_171, %and3A_174 : i32
    %mul3A_176 = arith.constant 52429 : i32
    %mul3A_177 = arith.muli %shift_right_arithmetic3A_173, %mul3A_176 : i32
    %shift_right_arithmetic3A_178 = arith.constant 18 : i32
    %shift_right_arithmetic3A_179 = arith.shrsi %mul3A_177, %shift_right_arithmetic3A_178 : i32
    %mul3A_180 = arith.constant 5 : i32
    %mul3A_181 = arith.muli %mul3A_180, %shift_right_arithmetic3A_179 : i32
    %sub3A_182 = arith.subi %shift_right_arithmetic3A_173, %mul3A_181 : i32
    %eq3A_183 = arith.constant 1 : i32
    %eq3A_184 = arith.cmpi eq, %sub3A_182, %eq3A_183 : i32
    %select_n3A_185 = arith.select %eq3A_184, %squeeze3A, %squeeze3A_10 : i32
    %eq3A_186 = arith.constant 2 : i32
    %eq3A_187 = arith.cmpi eq, %sub3A_182, %eq3A_186 : i32
    %select_n3A_188 = arith.select %eq3A_187, %squeeze3A_15, %select_n3A_185 : i32
    %eq3A_189 = arith.constant 3 : i32
    %eq3A_190 = arith.cmpi eq, %sub3A_182, %eq3A_189 : i32
    %select_n3A_191 = arith.select %eq3A_190, %squeeze3A_20, %select_n3A_188 : i32
    %eq3A_192 = arith.constant 4 : i32
    %eq3A_193 = arith.cmpi eq, %sub3A_182, %eq3A_192 : i32
    %select_n3A_194 = arith.select %eq3A_193, %squeeze3A_25, %select_n3A_191 : i32
    %mul3A_195 = arith.constant 32 : i32
    %mul3A_196 = arith.muli %shift_right_arithmetic3A_179, %mul3A_195 : i32
    %add3A_197 = arith.addi %mul3A_196, %select_n3A_194 : i32
    %mul3A_198 = arith.constant 56 : i32
    %mul3A_199 = arith.muli %and3A_175, %mul3A_198 : i32
    %mul3A_200 = arith.constant 56 : i32
    %mul3A_201 = arith.muli %and3A_175, %mul3A_200 : i32
    %dma_start3A_202 = arith.constant 3 : i32
    %dma_start3A_203 = arith.constant 0 : i32
    %dma_start3A_204 = arith.constant 0 : i32
    %dma_start3A_205 = tpu.memref_slice %arg9[%dma_start3A_202, %dma_start3A_203, %dma_start3A_204] : memref<8x56x224xf32, #tpu.memory_space<vmem>> -> memref<1x56x224xf32, #tpu.memory_space<vmem>>
    %dma_start3A_206 = tpu.memref_squeeze %dma_start3A_205 : memref<1x56x224xf32, #tpu.memory_space<vmem>> -> memref<56x224xf32, #tpu.memory_space<vmem>>
    %dma_start3A_207 = arith.constant 0 : i32
    %dma_start3A_208 = tpu.memref_slice %arg2[%add3A_197, %mul3A_199, %dma_start3A_207] : memref<768x224x224xf32, #tpu.memory_space<hbm>> -> memref<1x56x224xf32, #tpu.memory_space<hbm>>
    %dma_start3A_209 = tpu.memref_squeeze %dma_start3A_208 : memref<1x56x224xf32, #tpu.memory_space<hbm>> -> memref<56x224xf32, #tpu.memory_space<hbm>>
    %dma_start3A_210 = arith.constant 0 : i32
    %dma_start3A_211 = arith.constant 0 : i32
    %dma_start3A_212 = tpu.memref_slice %arg9[%dma_start3A_202, %dma_start3A_210, %dma_start3A_211] : memref<8x56x224xf32, #tpu.memory_space<vmem>> -> memref<1x56x224xf32, #tpu.memory_space<vmem>>
    %dma_start3A_213 = tpu.memref_squeeze %dma_start3A_212 : memref<1x56x224xf32, #tpu.memory_space<vmem>> -> memref<56x224xf32, #tpu.memory_space<vmem>>
    %dma_start3A_214 = arith.constant 0 : i32
    %dma_start3A_215 = tpu.memref_slice %arg2[%add3A_197, %mul3A_199, %dma_start3A_214] : memref<768x224x224xf32, #tpu.memory_space<hbm>> -> memref<1x56x224xf32, #tpu.memory_space<hbm>>
    %dma_start3A_216 = tpu.memref_squeeze %dma_start3A_215 : memref<1x56x224xf32, #tpu.memory_space<hbm>> -> memref<56x224xf32, #tpu.memory_space<hbm>>
    tpu.enqueue_dma source(%dma_start3A_216 : memref<56x224xf32, #tpu.memory_space<hbm>>) target(%dma_start3A_213 : memref<56x224xf32, #tpu.memory_space<vmem>>) target_semaphore(%arg13 : memref<!tpu.dma_semaphore, #tpu.memory_space<semaphore_mem>>)
    %mul3A_217 = arith.constant 15 : i32
    %mul3A_218 = arith.muli %add3A, %mul3A_217 : i32
    %add3A_219 = arith.constant 4 : i32
    %add3A_220 = arith.addi %mul3A_218, %add3A_219 : i32
    %shift_right_arithmetic3A_221 = arith.constant 2 : i32
    %shift_right_arithmetic3A_222 = arith.shrsi %add3A_220, %shift_right_arithmetic3A_221 : i32
    %and3A_223 = arith.constant 3 : i32
    %and3A_224 = arith.andi %add3A_220, %and3A_223 : i32
    %mul3A_225 = arith.constant 52429 : i32
    %mul3A_226 = arith.muli %shift_right_arithmetic3A_222, %mul3A_225 : i32
    %shift_right_arithmetic3A_227 = arith.constant 18 : i32
    %shift_right_arithmetic3A_228 = arith.shrsi %mul3A_226, %shift_right_arithmetic3A_227 : i32
    %mul3A_229 = arith.constant 5 : i32
    %mul3A_230 = arith.muli %mul3A_229, %shift_right_arithmetic3A_228 : i32
    %sub3A_231 = arith.subi %shift_right_arithmetic3A_222, %mul3A_230 : i32
    %eq3A_232 = arith.constant 1 : i32
    %eq3A_233 = arith.cmpi eq, %sub3A_231, %eq3A_232 : i32
    %select_n3A_234 = arith.select %eq3A_233, %squeeze3A, %squeeze3A_10 : i32
    %eq3A_235 = arith.constant 2 : i32
    %eq3A_236 = arith.cmpi eq, %sub3A_231, %eq3A_235 : i32
    %select_n3A_237 = arith.select %eq3A_236, %squeeze3A_15, %select_n3A_234 : i32
    %eq3A_238 = arith.constant 3 : i32
    %eq3A_239 = arith.cmpi eq, %sub3A_231, %eq3A_238 : i32
    %select_n3A_240 = arith.select %eq3A_239, %squeeze3A_20, %select_n3A_237 : i32
    %eq3A_241 = arith.constant 4 : i32
    %eq3A_242 = arith.cmpi eq, %sub3A_231, %eq3A_241 : i32
    %select_n3A_243 = arith.select %eq3A_242, %squeeze3A_25, %select_n3A_240 : i32
    %mul3A_244 = arith.constant 32 : i32
    %mul3A_245 = arith.muli %shift_right_arithmetic3A_228, %mul3A_244 : i32
    %add3A_246 = arith.addi %mul3A_245, %select_n3A_243 : i32
    %mul3A_247 = arith.constant 56 : i32
    %mul3A_248 = arith.muli %and3A_224, %mul3A_247 : i32
    %mul3A_249 = arith.constant 56 : i32
    %mul3A_250 = arith.muli %and3A_224, %mul3A_249 : i32
    %dma_start3A_251 = arith.constant 4 : i32
    %dma_start3A_252 = arith.constant 0 : i32
    %dma_start3A_253 = arith.constant 0 : i32
    %dma_start3A_254 = tpu.memref_slice %arg9[%dma_start3A_251, %dma_start3A_252, %dma_start3A_253] : memref<8x56x224xf32, #tpu.memory_space<vmem>> -> memref<1x56x224xf32, #tpu.memory_space<vmem>>
    %dma_start3A_255 = tpu.memref_squeeze %dma_start3A_254 : memref<1x56x224xf32, #tpu.memory_space<vmem>> -> memref<56x224xf32, #tpu.memory_space<vmem>>
    %dma_start3A_256 = arith.constant 0 : i32
    %dma_start3A_257 = tpu.memref_slice %arg2[%add3A_246, %mul3A_248, %dma_start3A_256] : memref<768x224x224xf32, #tpu.memory_space<hbm>> -> memref<1x56x224xf32, #tpu.memory_space<hbm>>
    %dma_start3A_258 = tpu.memref_squeeze %dma_start3A_257 : memref<1x56x224xf32, #tpu.memory_space<hbm>> -> memref<56x224xf32, #tpu.memory_space<hbm>>
    %dma_start3A_259 = arith.constant 0 : i32
    %dma_start3A_260 = arith.constant 0 : i32
    %dma_start3A_261 = tpu.memref_slice %arg9[%dma_start3A_251, %dma_start3A_259, %dma_start3A_260] : memref<8x56x224xf32, #tpu.memory_space<vmem>> -> memref<1x56x224xf32, #tpu.memory_space<vmem>>
    %dma_start3A_262 = tpu.memref_squeeze %dma_start3A_261 : memref<1x56x224xf32, #tpu.memory_space<vmem>> -> memref<56x224xf32, #tpu.memory_space<vmem>>
    %dma_start3A_263 = arith.constant 0 : i32
    %dma_start3A_264 = tpu.memref_slice %arg2[%add3A_246, %mul3A_248, %dma_start3A_263] : memref<768x224x224xf32, #tpu.memory_space<hbm>> -> memref<1x56x224xf32, #tpu.memory_space<hbm>>
    %dma_start3A_265 = tpu.memref_squeeze %dma_start3A_264 : memref<1x56x224xf32, #tpu.memory_space<hbm>> -> memref<56x224xf32, #tpu.memory_space<hbm>>
    tpu.enqueue_dma source(%dma_start3A_265 : memref<56x224xf32, #tpu.memory_space<hbm>>) target(%dma_start3A_262 : memref<56x224xf32, #tpu.memory_space<vmem>>) target_semaphore(%arg14 : memref<!tpu.dma_semaphore, #tpu.memory_space<semaphore_mem>>)
    %dma_wait3A = arith.constant 0 : i32
    %dma_wait3A_266 = arith.constant 0 : i32
    %dma_wait3A_267 = arith.constant 0 : i32
    %dma_wait3A_268 = tpu.memref_slice %arg9[%dma_wait3A, %dma_wait3A_266, %dma_wait3A_267] : memref<8x56x224xf32, #tpu.memory_space<vmem>> -> memref<1x56x224xf32, #tpu.memory_space<vmem>>
    %dma_wait3A_269 = tpu.memref_squeeze %dma_wait3A_268 : memref<1x56x224xf32, #tpu.memory_space<vmem>> -> memref<56x224xf32, #tpu.memory_space<vmem>>
    %dma_wait3A_270 = arith.constant 0 : i32
    %dma_wait3A_271 = tpu.memref_slice %arg2[%add3A_51, %mul3A_53, %dma_wait3A_270] : memref<768x224x224xf32, #tpu.memory_space<hbm>> -> memref<1x56x224xf32, #tpu.memory_space<hbm>>
    %dma_wait3A_272 = tpu.memref_squeeze %dma_wait3A_271 : memref<1x56x224xf32, #tpu.memory_space<hbm>> -> memref<56x224xf32, #tpu.memory_space<hbm>>
    %dma_wait3A_273 = arith.constant 0 : i32
    %dma_wait3A_274 = arith.constant 0 : i32
    %dma_wait3A_275 = tpu.memref_slice %arg9[%dma_wait3A, %dma_wait3A_273, %dma_wait3A_274] : memref<8x56x224xf32, #tpu.memory_space<vmem>> -> memref<1x56x224xf32, #tpu.memory_space<vmem>>
    %dma_wait3A_276 = tpu.memref_squeeze %dma_wait3A_275 : memref<1x56x224xf32, #tpu.memory_space<vmem>> -> memref<56x224xf32, #tpu.memory_space<vmem>>
    %dma_wait3A_277 = arith.constant 0 : i32
    %dma_wait3A_278 = tpu.memref_slice %arg2[%add3A_51, %mul3A_53, %dma_wait3A_277] : memref<768x224x224xf32, #tpu.memory_space<hbm>> -> memref<1x56x224xf32, #tpu.memory_space<hbm>>
    %dma_wait3A_279 = tpu.memref_squeeze %dma_wait3A_278 : memref<1x56x224xf32, #tpu.memory_space<hbm>> -> memref<56x224xf32, #tpu.memory_space<hbm>>
    tpu.wait_dma2 semaphore(%arg10 : memref<!tpu.dma_semaphore, #tpu.memory_space<semaphore_mem>>) src(%dma_wait3A_279 : memref<56x224xf32, #tpu.memory_space<hbm>>) dst(%dma_wait3A_276 : memref<56x224xf32, #tpu.memory_space<vmem>>)
    %mul3A_280 = arith.constant 15 : i32
    %mul3A_281 = arith.muli %add3A, %mul3A_280 : i32
    %add3A_282 = arith.constant 0 : i32
    %add3A_283 = arith.addi %mul3A_281, %add3A_282 : i32
    %shift_right_arithmetic3A_284 = arith.constant 2 : i32
    %shift_right_arithmetic3A_285 = arith.shrsi %add3A_283, %shift_right_arithmetic3A_284 : i32
    %and3A_286 = arith.constant 3 : i32
    %and3A_287 = arith.andi %add3A_283, %and3A_286 : i32
    %mul3A_288 = arith.constant 52429 : i32
    %mul3A_289 = arith.muli %shift_right_arithmetic3A_285, %mul3A_288 : i32
    %shift_right_arithmetic3A_290 = arith.constant 18 : i32
    %shift_right_arithmetic3A_291 = arith.shrsi %mul3A_289, %shift_right_arithmetic3A_290 : i32
    %mul3A_292 = arith.constant 5 : i32
    %mul3A_293 = arith.muli %mul3A_292, %shift_right_arithmetic3A_291 : i32
    %sub3A_294 = arith.subi %shift_right_arithmetic3A_285, %mul3A_293 : i32
    %eq3A_295 = arith.constant 1 : i32
    %eq3A_296 = arith.cmpi eq, %sub3A_294, %eq3A_295 : i32
    %select_n3A_297 = arith.select %eq3A_296, %squeeze3A, %squeeze3A_10 : i32
    %eq3A_298 = arith.constant 2 : i32
    %eq3A_299 = arith.cmpi eq, %sub3A_294, %eq3A_298 : i32
    %select_n3A_300 = arith.select %eq3A_299, %squeeze3A_15, %select_n3A_297 : i32
    %eq3A_301 = arith.constant 3 : i32
    %eq3A_302 = arith.cmpi eq, %sub3A_294, %eq3A_301 : i32
    %select_n3A_303 = arith.select %eq3A_302, %squeeze3A_20, %select_n3A_300 : i32
    %eq3A_304 = arith.constant 4 : i32
    %eq3A_305 = arith.cmpi eq, %sub3A_294, %eq3A_304 : i32
    %select_n3A_306 = arith.select %eq3A_305, %squeeze3A_25, %select_n3A_303 : i32
    %mul3A_307 = arith.constant 32 : i32
    %mul3A_308 = arith.muli %shift_right_arithmetic3A_291, %mul3A_307 : i32
    %add3A_309 = arith.addi %mul3A_308, %select_n3A_306 : i32
    %mul3A_310 = arith.constant 56 : i32
    %mul3A_311 = arith.muli %and3A_287, %mul3A_310 : i32
    %mul3A_312 = arith.constant 56 : i32
    %mul3A_313 = arith.muli %and3A_287, %mul3A_312 : i32
    %dma_start3A_314 = arith.constant 0 : i32
    %dma_start3A_315 = arith.constant 0 : i32
    %dma_start3A_316 = arith.constant 0 : i32
    %dma_start3A_317 = tpu.memref_slice %arg9[%dma_start3A_314, %dma_start3A_315, %dma_start3A_316] : memref<8x56x224xf32, #tpu.memory_space<vmem>> -> memref<1x56x224xf32, #tpu.memory_space<vmem>>
    %dma_start3A_318 = tpu.memref_squeeze %dma_start3A_317 : memref<1x56x224xf32, #tpu.memory_space<vmem>> -> memref<56x224xf32, #tpu.memory_space<vmem>>
    %dma_start3A_319 = arith.constant 0 : i32
    %dma_start3A_320 = tpu.memref_slice %arg8[%shift_right_arithmetic3A_285, %mul3A_313, %dma_start3A_319] : memref<120x224x224xf32, #tpu.memory_space<hbm>> -> memref<1x56x224xf32, #tpu.memory_space<hbm>>
    %dma_start3A_321 = tpu.memref_squeeze %dma_start3A_320 : memref<1x56x224xf32, #tpu.memory_space<hbm>> -> memref<56x224xf32, #tpu.memory_space<hbm>>
    %dma_start3A_322 = arith.constant 0 : i32
    %dma_start3A_323 = tpu.memref_slice %arg8[%shift_right_arithmetic3A_285, %mul3A_313, %dma_start3A_322] : memref<120x224x224xf32, #tpu.memory_space<hbm>> -> memref<1x56x224xf32, #tpu.memory_space<hbm>>
    %dma_start3A_324 = tpu.memref_squeeze %dma_start3A_323 : memref<1x56x224xf32, #tpu.memory_space<hbm>> -> memref<56x224xf32, #tpu.memory_space<hbm>>
    %dma_start3A_325 = arith.constant 0 : i32
    %dma_start3A_326 = arith.constant 0 : i32
    %dma_start3A_327 = tpu.memref_slice %arg9[%dma_start3A_314, %dma_start3A_325, %dma_start3A_326] : memref<8x56x224xf32, #tpu.memory_space<vmem>> -> memref<1x56x224xf32, #tpu.memory_space<vmem>>
    %dma_start3A_328 = tpu.memref_squeeze %dma_start3A_327 : memref<1x56x224xf32, #tpu.memory_space<vmem>> -> memref<56x224xf32, #tpu.memory_space<vmem>>
    tpu.enqueue_dma source(%dma_start3A_328 : memref<56x224xf32, #tpu.memory_space<vmem>>) target(%dma_start3A_324 : memref<56x224xf32, #tpu.memory_space<hbm>>) target_semaphore(%arg18 : memref<!tpu.dma_semaphore, #tpu.memory_space<semaphore_mem>>)
    %mul3A_329 = arith.constant 15 : i32
    %mul3A_330 = arith.muli %add3A, %mul3A_329 : i32
    %add3A_331 = arith.constant 5 : i32
    %add3A_332 = arith.addi %mul3A_330, %add3A_331 : i32
    %shift_right_arithmetic3A_333 = arith.constant 2 : i32
    %shift_right_arithmetic3A_334 = arith.shrsi %add3A_332, %shift_right_arithmetic3A_333 : i32
    %and3A_335 = arith.constant 3 : i32
    %and3A_336 = arith.andi %add3A_332, %and3A_335 : i32
    %mul3A_337 = arith.constant 52429 : i32
    %mul3A_338 = arith.muli %shift_right_arithmetic3A_334, %mul3A_337 : i32
    %shift_right_arithmetic3A_339 = arith.constant 18 : i32
    %shift_right_arithmetic3A_340 = arith.shrsi %mul3A_338, %shift_right_arithmetic3A_339 : i32
    %mul3A_341 = arith.constant 5 : i32
    %mul3A_342 = arith.muli %mul3A_341, %shift_right_arithmetic3A_340 : i32
    %sub3A_343 = arith.subi %shift_right_arithmetic3A_334, %mul3A_342 : i32
    %eq3A_344 = arith.constant 1 : i32
    %eq3A_345 = arith.cmpi eq, %sub3A_343, %eq3A_344 : i32
    %select_n3A_346 = arith.select %eq3A_345, %squeeze3A, %squeeze3A_10 : i32
    %eq3A_347 = arith.constant 2 : i32
    %eq3A_348 = arith.cmpi eq, %sub3A_343, %eq3A_347 : i32
    %select_n3A_349 = arith.select %eq3A_348, %squeeze3A_15, %select_n3A_346 : i32
    %eq3A_350 = arith.constant 3 : i32
    %eq3A_351 = arith.cmpi eq, %sub3A_343, %eq3A_350 : i32
    %select_n3A_352 = arith.select %eq3A_351, %squeeze3A_20, %select_n3A_349 : i32
    %eq3A_353 = arith.constant 4 : i32
    %eq3A_354 = arith.cmpi eq, %sub3A_343, %eq3A_353 : i32
    %select_n3A_355 = arith.select %eq3A_354, %squeeze3A_25, %select_n3A_352 : i32
    %mul3A_356 = arith.constant 32 : i32
    %mul3A_357 = arith.muli %shift_right_arithmetic3A_340, %mul3A_356 : i32
    %add3A_358 = arith.addi %mul3A_357, %select_n3A_355 : i32
    %mul3A_359 = arith.constant 56 : i32
    %mul3A_360 = arith.muli %and3A_336, %mul3A_359 : i32
    %mul3A_361 = arith.constant 56 : i32
    %mul3A_362 = arith.muli %and3A_336, %mul3A_361 : i32
    %dma_start3A_363 = arith.constant 5 : i32
    %dma_start3A_364 = arith.constant 0 : i32
    %dma_start3A_365 = arith.constant 0 : i32
    %dma_start3A_366 = tpu.memref_slice %arg9[%dma_start3A_363, %dma_start3A_364, %dma_start3A_365] : memref<8x56x224xf32, #tpu.memory_space<vmem>> -> memref<1x56x224xf32, #tpu.memory_space<vmem>>
    %dma_start3A_367 = tpu.memref_squeeze %dma_start3A_366 : memref<1x56x224xf32, #tpu.memory_space<vmem>> -> memref<56x224xf32, #tpu.memory_space<vmem>>
    %dma_start3A_368 = arith.constant 0 : i32
    %dma_start3A_369 = tpu.memref_slice %arg2[%add3A_358, %mul3A_360, %dma_start3A_368] : memref<768x224x224xf32, #tpu.memory_space<hbm>> -> memref<1x56x224xf32, #tpu.memory_space<hbm>>
    %dma_start3A_370 = tpu.memref_squeeze %dma_start3A_369 : memref<1x56x224xf32, #tpu.memory_space<hbm>> -> memref<56x224xf32, #tpu.memory_space<hbm>>
    %dma_start3A_371 = arith.constant 0 : i32
    %dma_start3A_372 = arith.constant 0 : i32
    %dma_start3A_373 = tpu.memref_slice %arg9[%dma_start3A_363, %dma_start3A_371, %dma_start3A_372] : memref<8x56x224xf32, #tpu.memory_space<vmem>> -> memref<1x56x224xf32, #tpu.memory_space<vmem>>
    %dma_start3A_374 = tpu.memref_squeeze %dma_start3A_373 : memref<1x56x224xf32, #tpu.memory_space<vmem>> -> memref<56x224xf32, #tpu.memory_space<vmem>>
    %dma_start3A_375 = arith.constant 0 : i32
    %dma_start3A_376 = tpu.memref_slice %arg2[%add3A_358, %mul3A_360, %dma_start3A_375] : memref<768x224x224xf32, #tpu.memory_space<hbm>> -> memref<1x56x224xf32, #tpu.memory_space<hbm>>
    %dma_start3A_377 = tpu.memref_squeeze %dma_start3A_376 : memref<1x56x224xf32, #tpu.memory_space<hbm>> -> memref<56x224xf32, #tpu.memory_space<hbm>>
    tpu.enqueue_dma source(%dma_start3A_377 : memref<56x224xf32, #tpu.memory_space<hbm>>) target(%dma_start3A_374 : memref<56x224xf32, #tpu.memory_space<vmem>>) target_semaphore(%arg15 : memref<!tpu.dma_semaphore, #tpu.memory_space<semaphore_mem>>)
    %dma_wait3A_378 = arith.constant 1 : i32
    %dma_wait3A_379 = arith.constant 0 : i32
    %dma_wait3A_380 = arith.constant 0 : i32
    %dma_wait3A_381 = tpu.memref_slice %arg9[%dma_wait3A_378, %dma_wait3A_379, %dma_wait3A_380] : memref<8x56x224xf32, #tpu.memory_space<vmem>> -> memref<1x56x224xf32, #tpu.memory_space<vmem>>
    %dma_wait3A_382 = tpu.memref_squeeze %dma_wait3A_381 : memref<1x56x224xf32, #tpu.memory_space<vmem>> -> memref<56x224xf32, #tpu.memory_space<vmem>>
    %dma_wait3A_383 = arith.constant 0 : i32
    %dma_wait3A_384 = tpu.memref_slice %arg2[%add3A_99, %mul3A_101, %dma_wait3A_383] : memref<768x224x224xf32, #tpu.memory_space<hbm>> -> memref<1x56x224xf32, #tpu.memory_space<hbm>>
    %dma_wait3A_385 = tpu.memref_squeeze %dma_wait3A_384 : memref<1x56x224xf32, #tpu.memory_space<hbm>> -> memref<56x224xf32, #tpu.memory_space<hbm>>
    %dma_wait3A_386 = arith.constant 0 : i32
    %dma_wait3A_387 = arith.constant 0 : i32
    %dma_wait3A_388 = tpu.memref_slice %arg9[%dma_wait3A_378, %dma_wait3A_386, %dma_wait3A_387] : memref<8x56x224xf32, #tpu.memory_space<vmem>> -> memref<1x56x224xf32, #tpu.memory_space<vmem>>
    %dma_wait3A_389 = tpu.memref_squeeze %dma_wait3A_388 : memref<1x56x224xf32, #tpu.memory_space<vmem>> -> memref<56x224xf32, #tpu.memory_space<vmem>>
    %dma_wait3A_390 = arith.constant 0 : i32
    %dma_wait3A_391 = tpu.memref_slice %arg2[%add3A_99, %mul3A_101, %dma_wait3A_390] : memref<768x224x224xf32, #tpu.memory_space<hbm>> -> memref<1x56x224xf32, #tpu.memory_space<hbm>>
    %dma_wait3A_392 = tpu.memref_squeeze %dma_wait3A_391 : memref<1x56x224xf32, #tpu.memory_space<hbm>> -> memref<56x224xf32, #tpu.memory_space<hbm>>
    tpu.wait_dma2 semaphore(%arg11 : memref<!tpu.dma_semaphore, #tpu.memory_space<semaphore_mem>>) src(%dma_wait3A_392 : memref<56x224xf32, #tpu.memory_space<hbm>>) dst(%dma_wait3A_389 : memref<56x224xf32, #tpu.memory_space<vmem>>)
    %mul3A_393 = arith.constant 15 : i32
    %mul3A_394 = arith.muli %add3A, %mul3A_393 : i32
    %add3A_395 = arith.constant 1 : i32
    %add3A_396 = arith.addi %mul3A_394, %add3A_395 : i32
    %shift_right_arithmetic3A_397 = arith.constant 2 : i32
    %shift_right_arithmetic3A_398 = arith.shrsi %add3A_396, %shift_right_arithmetic3A_397 : i32
    %and3A_399 = arith.constant 3 : i32
    %and3A_400 = arith.andi %add3A_396, %and3A_399 : i32
    %mul3A_401 = arith.constant 52429 : i32
    %mul3A_402 = arith.muli %shift_right_arithmetic3A_398, %mul3A_401 : i32
    %shift_right_arithmetic3A_403 = arith.constant 18 : i32
    %shift_right_arithmetic3A_404 = arith.shrsi %mul3A_402, %shift_right_arithmetic3A_403 : i32
    %mul3A_405 = arith.constant 5 : i32
    %mul3A_406 = arith.muli %mul3A_405, %shift_right_arithmetic3A_404 : i32
    %sub3A_407 = arith.subi %shift_right_arithmetic3A_398, %mul3A_406 : i32
    %eq3A_408 = arith.constant 1 : i32
    %eq3A_409 = arith.cmpi eq, %sub3A_407, %eq3A_408 : i32
    %select_n3A_410 = arith.select %eq3A_409, %squeeze3A, %squeeze3A_10 : i32
    %eq3A_411 = arith.constant 2 : i32
    %eq3A_412 = arith.cmpi eq, %sub3A_407, %eq3A_411 : i32
    %select_n3A_413 = arith.select %eq3A_412, %squeeze3A_15, %select_n3A_410 : i32
    %eq3A_414 = arith.constant 3 : i32
    %eq3A_415 = arith.cmpi eq, %sub3A_407, %eq3A_414 : i32
    %select_n3A_416 = arith.select %eq3A_415, %squeeze3A_20, %select_n3A_413 : i32
    %eq3A_417 = arith.constant 4 : i32
    %eq3A_418 = arith.cmpi eq, %sub3A_407, %eq3A_417 : i32
    %select_n3A_419 = arith.select %eq3A_418, %squeeze3A_25, %select_n3A_416 : i32
    %mul3A_420 = arith.constant 32 : i32
    %mul3A_421 = arith.muli %shift_right_arithmetic3A_404, %mul3A_420 : i32
    %add3A_422 = arith.addi %mul3A_421, %select_n3A_419 : i32
    %mul3A_423 = arith.constant 56 : i32
    %mul3A_424 = arith.muli %and3A_400, %mul3A_423 : i32
    %mul3A_425 = arith.constant 56 : i32
    %mul3A_426 = arith.muli %and3A_400, %mul3A_425 : i32
    %dma_start3A_427 = arith.constant 1 : i32
    %dma_start3A_428 = arith.constant 0 : i32
    %dma_start3A_429 = arith.constant 0 : i32
    %dma_start3A_430 = tpu.memref_slice %arg9[%dma_start3A_427, %dma_start3A_428, %dma_start3A_429] : memref<8x56x224xf32, #tpu.memory_space<vmem>> -> memref<1x56x224xf32, #tpu.memory_space<vmem>>
    %dma_start3A_431 = tpu.memref_squeeze %dma_start3A_430 : memref<1x56x224xf32, #tpu.memory_space<vmem>> -> memref<56x224xf32, #tpu.memory_space<vmem>>
    %dma_start3A_432 = arith.constant 0 : i32
    %dma_start3A_433 = tpu.memref_slice %arg8[%shift_right_arithmetic3A_398, %mul3A_426, %dma_start3A_432] : memref<120x224x224xf32, #tpu.memory_space<hbm>> -> memref<1x56x224xf32, #tpu.memory_space<hbm>>
    %dma_start3A_434 = tpu.memref_squeeze %dma_start3A_433 : memref<1x56x224xf32, #tpu.memory_space<hbm>> -> memref<56x224xf32, #tpu.memory_space<hbm>>
    %dma_start3A_435 = arith.constant 0 : i32
    %dma_start3A_436 = tpu.memref_slice %arg8[%shift_right_arithmetic3A_398, %mul3A_426, %dma_start3A_435] : memref<120x224x224xf32, #tpu.memory_space<hbm>> -> memref<1x56x224xf32, #tpu.memory_space<hbm>>
    %dma_start3A_437 = tpu.memref_squeeze %dma_start3A_436 : memref<1x56x224xf32, #tpu.memory_space<hbm>> -> memref<56x224xf32, #tpu.memory_space<hbm>>
    %dma_start3A_438 = arith.constant 0 : i32
    %dma_start3A_439 = arith.constant 0 : i32
    %dma_start3A_440 = tpu.memref_slice %arg9[%dma_start3A_427, %dma_start3A_438, %dma_start3A_439] : memref<8x56x224xf32, #tpu.memory_space<vmem>> -> memref<1x56x224xf32, #tpu.memory_space<vmem>>
    %dma_start3A_441 = tpu.memref_squeeze %dma_start3A_440 : memref<1x56x224xf32, #tpu.memory_space<vmem>> -> memref<56x224xf32, #tpu.memory_space<vmem>>
    tpu.enqueue_dma source(%dma_start3A_441 : memref<56x224xf32, #tpu.memory_space<vmem>>) target(%dma_start3A_437 : memref<56x224xf32, #tpu.memory_space<hbm>>) target_semaphore(%arg19 : memref<!tpu.dma_semaphore, #tpu.memory_space<semaphore_mem>>)
    %mul3A_442 = arith.constant 15 : i32
    %mul3A_443 = arith.muli %add3A, %mul3A_442 : i32
    %add3A_444 = arith.constant 6 : i32
    %add3A_445 = arith.addi %mul3A_443, %add3A_444 : i32
    %shift_right_arithmetic3A_446 = arith.constant 2 : i32
    %shift_right_arithmetic3A_447 = arith.shrsi %add3A_445, %shift_right_arithmetic3A_446 : i32
    %and3A_448 = arith.constant 3 : i32
    %and3A_449 = arith.andi %add3A_445, %and3A_448 : i32
    %mul3A_450 = arith.constant 52429 : i32
    %mul3A_451 = arith.muli %shift_right_arithmetic3A_447, %mul3A_450 : i32
    %shift_right_arithmetic3A_452 = arith.constant 18 : i32
    %shift_right_arithmetic3A_453 = arith.shrsi %mul3A_451, %shift_right_arithmetic3A_452 : i32
    %mul3A_454 = arith.constant 5 : i32
    %mul3A_455 = arith.muli %mul3A_454, %shift_right_arithmetic3A_453 : i32
    %sub3A_456 = arith.subi %shift_right_arithmetic3A_447, %mul3A_455 : i32
    %eq3A_457 = arith.constant 1 : i32
    %eq3A_458 = arith.cmpi eq, %sub3A_456, %eq3A_457 : i32
    %select_n3A_459 = arith.select %eq3A_458, %squeeze3A, %squeeze3A_10 : i32
    %eq3A_460 = arith.constant 2 : i32
    %eq3A_461 = arith.cmpi eq, %sub3A_456, %eq3A_460 : i32
    %select_n3A_462 = arith.select %eq3A_461, %squeeze3A_15, %select_n3A_459 : i32
    %eq3A_463 = arith.constant 3 : i32
    %eq3A_464 = arith.cmpi eq, %sub3A_456, %eq3A_463 : i32
    %select_n3A_465 = arith.select %eq3A_464, %squeeze3A_20, %select_n3A_462 : i32
    %eq3A_466 = arith.constant 4 : i32
    %eq3A_467 = arith.cmpi eq, %sub3A_456, %eq3A_466 : i32
    %select_n3A_468 = arith.select %eq3A_467, %squeeze3A_25, %select_n3A_465 : i32
    %mul3A_469 = arith.constant 32 : i32
    %mul3A_470 = arith.muli %shift_right_arithmetic3A_453, %mul3A_469 : i32
    %add3A_471 = arith.addi %mul3A_470, %select_n3A_468 : i32
    %mul3A_472 = arith.constant 56 : i32
    %mul3A_473 = arith.muli %and3A_449, %mul3A_472 : i32
    %mul3A_474 = arith.constant 56 : i32
    %mul3A_475 = arith.muli %and3A_449, %mul3A_474 : i32
    %dma_start3A_476 = arith.constant 6 : i32
    %dma_start3A_477 = arith.constant 0 : i32
    %dma_start3A_478 = arith.constant 0 : i32
    %dma_start3A_479 = tpu.memref_slice %arg9[%dma_start3A_476, %dma_start3A_477, %dma_start3A_478] : memref<8x56x224xf32, #tpu.memory_space<vmem>> -> memref<1x56x224xf32, #tpu.memory_space<vmem>>
    %dma_start3A_480 = tpu.memref_squeeze %dma_start3A_479 : memref<1x56x224xf32, #tpu.memory_space<vmem>> -> memref<56x224xf32, #tpu.memory_space<vmem>>
    %dma_start3A_481 = arith.constant 0 : i32
    %dma_start3A_482 = tpu.memref_slice %arg2[%add3A_471, %mul3A_473, %dma_start3A_481] : memref<768x224x224xf32, #tpu.memory_space<hbm>> -> memref<1x56x224xf32, #tpu.memory_space<hbm>>
    %dma_start3A_483 = tpu.memref_squeeze %dma_start3A_482 : memref<1x56x224xf32, #tpu.memory_space<hbm>> -> memref<56x224xf32, #tpu.memory_space<hbm>>
    %dma_start3A_484 = arith.constant 0 : i32
    %dma_start3A_485 = arith.constant 0 : i32
    %dma_start3A_486 = tpu.memref_slice %arg9[%dma_start3A_476, %dma_start3A_484, %dma_start3A_485] : memref<8x56x224xf32, #tpu.memory_space<vmem>> -> memref<1x56x224xf32, #tpu.memory_space<vmem>>
    %dma_start3A_487 = tpu.memref_squeeze %dma_start3A_486 : memref<1x56x224xf32, #tpu.memory_space<vmem>> -> memref<56x224xf32, #tpu.memory_space<vmem>>
    %dma_start3A_488 = arith.constant 0 : i32
    %dma_start3A_489 = tpu.memref_slice %arg2[%add3A_471, %mul3A_473, %dma_start3A_488] : memref<768x224x224xf32, #tpu.memory_space<hbm>> -> memref<1x56x224xf32, #tpu.memory_space<hbm>>
    %dma_start3A_490 = tpu.memref_squeeze %dma_start3A_489 : memref<1x56x224xf32, #tpu.memory_space<hbm>> -> memref<56x224xf32, #tpu.memory_space<hbm>>
    tpu.enqueue_dma source(%dma_start3A_490 : memref<56x224xf32, #tpu.memory_space<hbm>>) target(%dma_start3A_487 : memref<56x224xf32, #tpu.memory_space<vmem>>) target_semaphore(%arg16 : memref<!tpu.dma_semaphore, #tpu.memory_space<semaphore_mem>>)
    %dma_wait3A_491 = arith.constant 2 : i32
    %dma_wait3A_492 = arith.constant 0 : i32
    %dma_wait3A_493 = arith.constant 0 : i32
    %dma_wait3A_494 = tpu.memref_slice %arg9[%dma_wait3A_491, %dma_wait3A_492, %dma_wait3A_493] : memref<8x56x224xf32, #tpu.memory_space<vmem>> -> memref<1x56x224xf32, #tpu.memory_space<vmem>>
    %dma_wait3A_495 = tpu.memref_squeeze %dma_wait3A_494 : memref<1x56x224xf32, #tpu.memory_space<vmem>> -> memref<56x224xf32, #tpu.memory_space<vmem>>
    %dma_wait3A_496 = arith.constant 0 : i32
    %dma_wait3A_497 = tpu.memref_slice %arg2[%add3A_148, %mul3A_150, %dma_wait3A_496] : memref<768x224x224xf32, #tpu.memory_space<hbm>> -> memref<1x56x224xf32, #tpu.memory_space<hbm>>
    %dma_wait3A_498 = tpu.memref_squeeze %dma_wait3A_497 : memref<1x56x224xf32, #tpu.memory_space<hbm>> -> memref<56x224xf32, #tpu.memory_space<hbm>>
    %dma_wait3A_499 = arith.constant 0 : i32
    %dma_wait3A_500 = arith.constant 0 : i32
    %dma_wait3A_501 = tpu.memref_slice %arg9[%dma_wait3A_491, %dma_wait3A_499, %dma_wait3A_500] : memref<8x56x224xf32, #tpu.memory_space<vmem>> -> memref<1x56x224xf32, #tpu.memory_space<vmem>>
    %dma_wait3A_502 = tpu.memref_squeeze %dma_wait3A_501 : memref<1x56x224xf32, #tpu.memory_space<vmem>> -> memref<56x224xf32, #tpu.memory_space<vmem>>
    %dma_wait3A_503 = arith.constant 0 : i32
    %dma_wait3A_504 = tpu.memref_slice %arg2[%add3A_148, %mul3A_150, %dma_wait3A_503] : memref<768x224x224xf32, #tpu.memory_space<hbm>> -> memref<1x56x224xf32, #tpu.memory_space<hbm>>
    %dma_wait3A_505 = tpu.memref_squeeze %dma_wait3A_504 : memref<1x56x224xf32, #tpu.memory_space<hbm>> -> memref<56x224xf32, #tpu.memory_space<hbm>>
    tpu.wait_dma2 semaphore(%arg12 : memref<!tpu.dma_semaphore, #tpu.memory_space<semaphore_mem>>) src(%dma_wait3A_505 : memref<56x224xf32, #tpu.memory_space<hbm>>) dst(%dma_wait3A_502 : memref<56x224xf32, #tpu.memory_space<vmem>>)
    %mul3A_506 = arith.constant 15 : i32
    %mul3A_507 = arith.muli %add3A, %mul3A_506 : i32
    %add3A_508 = arith.constant 2 : i32
    %add3A_509 = arith.addi %mul3A_507, %add3A_508 : i32
    %shift_right_arithmetic3A_510 = arith.constant 2 : i32
    %shift_right_arithmetic3A_511 = arith.shrsi %add3A_509, %shift_right_arithmetic3A_510 : i32
    %and3A_512 = arith.constant 3 : i32
    %and3A_513 = arith.andi %add3A_509, %and3A_512 : i32
    %mul3A_514 = arith.constant 52429 : i32
    %mul3A_515 = arith.muli %shift_right_arithmetic3A_511, %mul3A_514 : i32
    %shift_right_arithmetic3A_516 = arith.constant 18 : i32
    %shift_right_arithmetic3A_517 = arith.shrsi %mul3A_515, %shift_right_arithmetic3A_516 : i32
    %mul3A_518 = arith.constant 5 : i32
    %mul3A_519 = arith.muli %mul3A_518, %shift_right_arithmetic3A_517 : i32
    %sub3A_520 = arith.subi %shift_right_arithmetic3A_511, %mul3A_519 : i32
    %eq3A_521 = arith.constant 1 : i32
    %eq3A_522 = arith.cmpi eq, %sub3A_520, %eq3A_521 : i32
    %select_n3A_523 = arith.select %eq3A_522, %squeeze3A, %squeeze3A_10 : i32
    %eq3A_524 = arith.constant 2 : i32
    %eq3A_525 = arith.cmpi eq, %sub3A_520, %eq3A_524 : i32
    %select_n3A_526 = arith.select %eq3A_525, %squeeze3A_15, %select_n3A_523 : i32
    %eq3A_527 = arith.constant 3 : i32
    %eq3A_528 = arith.cmpi eq, %sub3A_520, %eq3A_527 : i32
    %select_n3A_529 = arith.select %eq3A_528, %squeeze3A_20, %select_n3A_526 : i32
    %eq3A_530 = arith.constant 4 : i32
    %eq3A_531 = arith.cmpi eq, %sub3A_520, %eq3A_530 : i32
    %select_n3A_532 = arith.select %eq3A_531, %squeeze3A_25, %select_n3A_529 : i32
    %mul3A_533 = arith.constant 32 : i32
    %mul3A_534 = arith.muli %shift_right_arithmetic3A_517, %mul3A_533 : i32
    %add3A_535 = arith.addi %mul3A_534, %select_n3A_532 : i32
    %mul3A_536 = arith.constant 56 : i32
    %mul3A_537 = arith.muli %and3A_513, %mul3A_536 : i32
    %mul3A_538 = arith.constant 56 : i32
    %mul3A_539 = arith.muli %and3A_513, %mul3A_538 : i32
    %dma_start3A_540 = arith.constant 2 : i32
    %dma_start3A_541 = arith.constant 0 : i32
    %dma_start3A_542 = arith.constant 0 : i32
    %dma_start3A_543 = tpu.memref_slice %arg9[%dma_start3A_540, %dma_start3A_541, %dma_start3A_542] : memref<8x56x224xf32, #tpu.memory_space<vmem>> -> memref<1x56x224xf32, #tpu.memory_space<vmem>>
    %dma_start3A_544 = tpu.memref_squeeze %dma_start3A_543 : memref<1x56x224xf32, #tpu.memory_space<vmem>> -> memref<56x224xf32, #tpu.memory_space<vmem>>
    %dma_start3A_545 = arith.constant 0 : i32
    %dma_start3A_546 = tpu.memref_slice %arg8[%shift_right_arithmetic3A_511, %mul3A_539, %dma_start3A_545] : memref<120x224x224xf32, #tpu.memory_space<hbm>> -> memref<1x56x224xf32, #tpu.memory_space<hbm>>
    %dma_start3A_547 = tpu.memref_squeeze %dma_start3A_546 : memref<1x56x224xf32, #tpu.memory_space<hbm>> -> memref<56x224xf32, #tpu.memory_space<hbm>>
    %dma_start3A_548 = arith.constant 0 : i32
    %dma_start3A_549 = tpu.memref_slice %arg8[%shift_right_arithmetic3A_511, %mul3A_539, %dma_start3A_548] : memref<120x224x224xf32, #tpu.memory_space<hbm>> -> memref<1x56x224xf32, #tpu.memory_space<hbm>>
    %dma_start3A_550 = tpu.memref_squeeze %dma_start3A_549 : memref<1x56x224xf32, #tpu.memory_space<hbm>> -> memref<56x224xf32, #tpu.memory_space<hbm>>
    %dma_start3A_551 = arith.constant 0 : i32
    %dma_start3A_552 = arith.constant 0 : i32
    %dma_start3A_553 = tpu.memref_slice %arg9[%dma_start3A_540, %dma_start3A_551, %dma_start3A_552] : memref<8x56x224xf32, #tpu.memory_space<vmem>> -> memref<1x56x224xf32, #tpu.memory_space<vmem>>
    %dma_start3A_554 = tpu.memref_squeeze %dma_start3A_553 : memref<1x56x224xf32, #tpu.memory_space<vmem>> -> memref<56x224xf32, #tpu.memory_space<vmem>>
    tpu.enqueue_dma source(%dma_start3A_554 : memref<56x224xf32, #tpu.memory_space<vmem>>) target(%dma_start3A_550 : memref<56x224xf32, #tpu.memory_space<hbm>>) target_semaphore(%arg20 : memref<!tpu.dma_semaphore, #tpu.memory_space<semaphore_mem>>)
    %mul3A_555 = arith.constant 15 : i32
    %mul3A_556 = arith.muli %add3A, %mul3A_555 : i32
    %add3A_557 = arith.constant 7 : i32
    %add3A_558 = arith.addi %mul3A_556, %add3A_557 : i32
    %shift_right_arithmetic3A_559 = arith.constant 2 : i32
    %shift_right_arithmetic3A_560 = arith.shrsi %add3A_558, %shift_right_arithmetic3A_559 : i32
    %and3A_561 = arith.constant 3 : i32
    %and3A_562 = arith.andi %add3A_558, %and3A_561 : i32
    %mul3A_563 = arith.constant 52429 : i32
    %mul3A_564 = arith.muli %shift_right_arithmetic3A_560, %mul3A_563 : i32
    %shift_right_arithmetic3A_565 = arith.constant 18 : i32
    %shift_right_arithmetic3A_566 = arith.shrsi %mul3A_564, %shift_right_arithmetic3A_565 : i32
    %mul3A_567 = arith.constant 5 : i32
    %mul3A_568 = arith.muli %mul3A_567, %shift_right_arithmetic3A_566 : i32
    %sub3A_569 = arith.subi %shift_right_arithmetic3A_560, %mul3A_568 : i32
    %eq3A_570 = arith.constant 1 : i32
    %eq3A_571 = arith.cmpi eq, %sub3A_569, %eq3A_570 : i32
    %select_n3A_572 = arith.select %eq3A_571, %squeeze3A, %squeeze3A_10 : i32
    %eq3A_573 = arith.constant 2 : i32
    %eq3A_574 = arith.cmpi eq, %sub3A_569, %eq3A_573 : i32
    %select_n3A_575 = arith.select %eq3A_574, %squeeze3A_15, %select_n3A_572 : i32
    %eq3A_576 = arith.constant 3 : i32
    %eq3A_577 = arith.cmpi eq, %sub3A_569, %eq3A_576 : i32
    %select_n3A_578 = arith.select %eq3A_577, %squeeze3A_20, %select_n3A_575 : i32
    %eq3A_579 = arith.constant 4 : i32
    %eq3A_580 = arith.cmpi eq, %sub3A_569, %eq3A_579 : i32
    %select_n3A_581 = arith.select %eq3A_580, %squeeze3A_25, %select_n3A_578 : i32
    %mul3A_582 = arith.constant 32 : i32
    %mul3A_583 = arith.muli %shift_right_arithmetic3A_566, %mul3A_582 : i32
    %add3A_584 = arith.addi %mul3A_583, %select_n3A_581 : i32
    %mul3A_585 = arith.constant 56 : i32
    %mul3A_586 = arith.muli %and3A_562, %mul3A_585 : i32
    %mul3A_587 = arith.constant 56 : i32
    %mul3A_588 = arith.muli %and3A_562, %mul3A_587 : i32
    %dma_start3A_589 = arith.constant 7 : i32
    %dma_start3A_590 = arith.constant 0 : i32
    %dma_start3A_591 = arith.constant 0 : i32
    %dma_start3A_592 = tpu.memref_slice %arg9[%dma_start3A_589, %dma_start3A_590, %dma_start3A_591] : memref<8x56x224xf32, #tpu.memory_space<vmem>> -> memref<1x56x224xf32, #tpu.memory_space<vmem>>
    %dma_start3A_593 = tpu.memref_squeeze %dma_start3A_592 : memref<1x56x224xf32, #tpu.memory_space<vmem>> -> memref<56x224xf32, #tpu.memory_space<vmem>>
    %dma_start3A_594 = arith.constant 0 : i32
    %dma_start3A_595 = tpu.memref_slice %arg2[%add3A_584, %mul3A_586, %dma_start3A_594] : memref<768x224x224xf32, #tpu.memory_space<hbm>> -> memref<1x56x224xf32, #tpu.memory_space<hbm>>
    %dma_start3A_596 = tpu.memref_squeeze %dma_start3A_595 : memref<1x56x224xf32, #tpu.memory_space<hbm>> -> memref<56x224xf32, #tpu.memory_space<hbm>>
    %dma_start3A_597 = arith.constant 0 : i32
    %dma_start3A_598 = arith.constant 0 : i32
    %dma_start3A_599 = tpu.memref_slice %arg9[%dma_start3A_589, %dma_start3A_597, %dma_start3A_598] : memref<8x56x224xf32, #tpu.memory_space<vmem>> -> memref<1x56x224xf32, #tpu.memory_space<vmem>>
    %dma_start3A_600 = tpu.memref_squeeze %dma_start3A_599 : memref<1x56x224xf32, #tpu.memory_space<vmem>> -> memref<56x224xf32, #tpu.memory_space<vmem>>
    %dma_start3A_601 = arith.constant 0 : i32
    %dma_start3A_602 = tpu.memref_slice %arg2[%add3A_584, %mul3A_586, %dma_start3A_601] : memref<768x224x224xf32, #tpu.memory_space<hbm>> -> memref<1x56x224xf32, #tpu.memory_space<hbm>>
    %dma_start3A_603 = tpu.memref_squeeze %dma_start3A_602 : memref<1x56x224xf32, #tpu.memory_space<hbm>> -> memref<56x224xf32, #tpu.memory_space<hbm>>
    tpu.enqueue_dma source(%dma_start3A_603 : memref<56x224xf32, #tpu.memory_space<hbm>>) target(%dma_start3A_600 : memref<56x224xf32, #tpu.memory_space<vmem>>) target_semaphore(%arg17 : memref<!tpu.dma_semaphore, #tpu.memory_space<semaphore_mem>>)
    %dma_wait3A_604 = arith.constant 3 : i32
    %dma_wait3A_605 = arith.constant 0 : i32
    %dma_wait3A_606 = arith.constant 0 : i32
    %dma_wait3A_607 = tpu.memref_slice %arg9[%dma_wait3A_604, %dma_wait3A_605, %dma_wait3A_606] : memref<8x56x224xf32, #tpu.memory_space<vmem>> -> memref<1x56x224xf32, #tpu.memory_space<vmem>>
    %dma_wait3A_608 = tpu.memref_squeeze %dma_wait3A_607 : memref<1x56x224xf32, #tpu.memory_space<vmem>> -> memref<56x224xf32, #tpu.memory_space<vmem>>
    %dma_wait3A_609 = arith.constant 0 : i32
    %dma_wait3A_610 = tpu.memref_slice %arg2[%add3A_197, %mul3A_199, %dma_wait3A_609] : memref<768x224x224xf32, #tpu.memory_space<hbm>> -> memref<1x56x224xf32, #tpu.memory_space<hbm>>
    %dma_wait3A_611 = tpu.memref_squeeze %dma_wait3A_610 : memref<1x56x224xf32, #tpu.memory_space<hbm>> -> memref<56x224xf32, #tpu.memory_space<hbm>>
    %dma_wait3A_612 = arith.constant 0 : i32
    %dma_wait3A_613 = arith.constant 0 : i32
    %dma_wait3A_614 = tpu.memref_slice %arg9[%dma_wait3A_604, %dma_wait3A_612, %dma_wait3A_613] : memref<8x56x224xf32, #tpu.memory_space<vmem>> -> memref<1x56x224xf32, #tpu.memory_space<vmem>>
    %dma_wait3A_615 = tpu.memref_squeeze %dma_wait3A_614 : memref<1x56x224xf32, #tpu.memory_space<vmem>> -> memref<56x224xf32, #tpu.memory_space<vmem>>
    %dma_wait3A_616 = arith.constant 0 : i32
    %dma_wait3A_617 = tpu.memref_slice %arg2[%add3A_197, %mul3A_199, %dma_wait3A_616] : memref<768x224x224xf32, #tpu.memory_space<hbm>> -> memref<1x56x224xf32, #tpu.memory_space<hbm>>
    %dma_wait3A_618 = tpu.memref_squeeze %dma_wait3A_617 : memref<1x56x224xf32, #tpu.memory_space<hbm>> -> memref<56x224xf32, #tpu.memory_space<hbm>>
    tpu.wait_dma2 semaphore(%arg13 : memref<!tpu.dma_semaphore, #tpu.memory_space<semaphore_mem>>) src(%dma_wait3A_618 : memref<56x224xf32, #tpu.memory_space<hbm>>) dst(%dma_wait3A_615 : memref<56x224xf32, #tpu.memory_space<vmem>>)
    %mul3A_619 = arith.constant 15 : i32
    %mul3A_620 = arith.muli %add3A, %mul3A_619 : i32
    %add3A_621 = arith.constant 3 : i32
    %add3A_622 = arith.addi %mul3A_620, %add3A_621 : i32
    %shift_right_arithmetic3A_623 = arith.constant 2 : i32
    %shift_right_arithmetic3A_624 = arith.shrsi %add3A_622, %shift_right_arithmetic3A_623 : i32
    %and3A_625 = arith.constant 3 : i32
    %and3A_626 = arith.andi %add3A_622, %and3A_625 : i32
    %mul3A_627 = arith.constant 52429 : i32
    %mul3A_628 = arith.muli %shift_right_arithmetic3A_624, %mul3A_627 : i32
    %shift_right_arithmetic3A_629 = arith.constant 18 : i32
    %shift_right_arithmetic3A_630 = arith.shrsi %mul3A_628, %shift_right_arithmetic3A_629 : i32
    %mul3A_631 = arith.constant 5 : i32
    %mul3A_632 = arith.muli %mul3A_631, %shift_right_arithmetic3A_630 : i32
    %sub3A_633 = arith.subi %shift_right_arithmetic3A_624, %mul3A_632 : i32
    %eq3A_634 = arith.constant 1 : i32
    %eq3A_635 = arith.cmpi eq, %sub3A_633, %eq3A_634 : i32
    %select_n3A_636 = arith.select %eq3A_635, %squeeze3A, %squeeze3A_10 : i32
    %eq3A_637 = arith.constant 2 : i32
    %eq3A_638 = arith.cmpi eq, %sub3A_633, %eq3A_637 : i32
    %select_n3A_639 = arith.select %eq3A_638, %squeeze3A_15, %select_n3A_636 : i32
    %eq3A_640 = arith.constant 3 : i32
    %eq3A_641 = arith.cmpi eq, %sub3A_633, %eq3A_640 : i32
    %select_n3A_642 = arith.select %eq3A_641, %squeeze3A_20, %select_n3A_639 : i32
    %eq3A_643 = arith.constant 4 : i32
    %eq3A_644 = arith.cmpi eq, %sub3A_633, %eq3A_643 : i32
    %select_n3A_645 = arith.select %eq3A_644, %squeeze3A_25, %select_n3A_642 : i32
    %mul3A_646 = arith.constant 32 : i32
    %mul3A_647 = arith.muli %shift_right_arithmetic3A_630, %mul3A_646 : i32
    %add3A_648 = arith.addi %mul3A_647, %select_n3A_645 : i32
    %mul3A_649 = arith.constant 56 : i32
    %mul3A_650 = arith.muli %and3A_626, %mul3A_649 : i32
    %mul3A_651 = arith.constant 56 : i32
    %mul3A_652 = arith.muli %and3A_626, %mul3A_651 : i32
    %dma_start3A_653 = arith.constant 3 : i32
    %dma_start3A_654 = arith.constant 0 : i32
    %dma_start3A_655 = arith.constant 0 : i32
    %dma_start3A_656 = tpu.memref_slice %arg9[%dma_start3A_653, %dma_start3A_654, %dma_start3A_655] : memref<8x56x224xf32, #tpu.memory_space<vmem>> -> memref<1x56x224xf32, #tpu.memory_space<vmem>>
    %dma_start3A_657 = tpu.memref_squeeze %dma_start3A_656 : memref<1x56x224xf32, #tpu.memory_space<vmem>> -> memref<56x224xf32, #tpu.memory_space<vmem>>
    %dma_start3A_658 = arith.constant 0 : i32
    %dma_start3A_659 = tpu.memref_slice %arg8[%shift_right_arithmetic3A_624, %mul3A_652, %dma_start3A_658] : memref<120x224x224xf32, #tpu.memory_space<hbm>> -> memref<1x56x224xf32, #tpu.memory_space<hbm>>
    %dma_start3A_660 = tpu.memref_squeeze %dma_start3A_659 : memref<1x56x224xf32, #tpu.memory_space<hbm>> -> memref<56x224xf32, #tpu.memory_space<hbm>>
    %dma_start3A_661 = arith.constant 0 : i32
    %dma_start3A_662 = tpu.memref_slice %arg8[%shift_right_arithmetic3A_624, %mul3A_652, %dma_start3A_661] : memref<120x224x224xf32, #tpu.memory_space<hbm>> -> memref<1x56x224xf32, #tpu.memory_space<hbm>>
    %dma_start3A_663 = tpu.memref_squeeze %dma_start3A_662 : memref<1x56x224xf32, #tpu.memory_space<hbm>> -> memref<56x224xf32, #tpu.memory_space<hbm>>
    %dma_start3A_664 = arith.constant 0 : i32
    %dma_start3A_665 = arith.constant 0 : i32
    %dma_start3A_666 = tpu.memref_slice %arg9[%dma_start3A_653, %dma_start3A_664, %dma_start3A_665] : memref<8x56x224xf32, #tpu.memory_space<vmem>> -> memref<1x56x224xf32, #tpu.memory_space<vmem>>
    %dma_start3A_667 = tpu.memref_squeeze %dma_start3A_666 : memref<1x56x224xf32, #tpu.memory_space<vmem>> -> memref<56x224xf32, #tpu.memory_space<vmem>>
    tpu.enqueue_dma source(%dma_start3A_667 : memref<56x224xf32, #tpu.memory_space<vmem>>) target(%dma_start3A_663 : memref<56x224xf32, #tpu.memory_space<hbm>>) target_semaphore(%arg21 : memref<!tpu.dma_semaphore, #tpu.memory_space<semaphore_mem>>)
    %dma_wait3A_668 = arith.constant 0 : i32
    %dma_wait3A_669 = arith.constant 0 : i32
    %dma_wait3A_670 = arith.constant 0 : i32
    %dma_wait3A_671 = tpu.memref_slice %arg9[%dma_wait3A_668, %dma_wait3A_669, %dma_wait3A_670] : memref<8x56x224xf32, #tpu.memory_space<vmem>> -> memref<1x56x224xf32, #tpu.memory_space<vmem>>
    %dma_wait3A_672 = tpu.memref_squeeze %dma_wait3A_671 : memref<1x56x224xf32, #tpu.memory_space<vmem>> -> memref<56x224xf32, #tpu.memory_space<vmem>>
    %dma_wait3A_673 = arith.constant 0 : i32
    %dma_wait3A_674 = tpu.memref_slice %arg8[%shift_right_arithmetic3A_285, %mul3A_313, %dma_wait3A_673] : memref<120x224x224xf32, #tpu.memory_space<hbm>> -> memref<1x56x224xf32, #tpu.memory_space<hbm>>
    %dma_wait3A_675 = tpu.memref_squeeze %dma_wait3A_674 : memref<1x56x224xf32, #tpu.memory_space<hbm>> -> memref<56x224xf32, #tpu.memory_space<hbm>>
    %dma_wait3A_676 = arith.constant 0 : i32
    %dma_wait3A_677 = tpu.memref_slice %arg8[%shift_right_arithmetic3A_285, %mul3A_313, %dma_wait3A_676] : memref<120x224x224xf32, #tpu.memory_space<hbm>> -> memref<1x56x224xf32, #tpu.memory_space<hbm>>
    %dma_wait3A_678 = tpu.memref_squeeze %dma_wait3A_677 : memref<1x56x224xf32, #tpu.memory_space<hbm>> -> memref<56x224xf32, #tpu.memory_space<hbm>>
    %dma_wait3A_679 = arith.constant 0 : i32
    %dma_wait3A_680 = arith.constant 0 : i32
    %dma_wait3A_681 = tpu.memref_slice %arg9[%dma_wait3A_668, %dma_wait3A_679, %dma_wait3A_680] : memref<8x56x224xf32, #tpu.memory_space<vmem>> -> memref<1x56x224xf32, #tpu.memory_space<vmem>>
    %dma_wait3A_682 = tpu.memref_squeeze %dma_wait3A_681 : memref<1x56x224xf32, #tpu.memory_space<vmem>> -> memref<56x224xf32, #tpu.memory_space<vmem>>
    tpu.wait_dma2 semaphore(%arg18 : memref<!tpu.dma_semaphore, #tpu.memory_space<semaphore_mem>>) src(%dma_wait3A_682 : memref<56x224xf32, #tpu.memory_space<vmem>>) dst(%dma_wait3A_678 : memref<56x224xf32, #tpu.memory_space<hbm>>)
    %mul3A_683 = arith.constant 15 : i32
    %mul3A_684 = arith.muli %add3A, %mul3A_683 : i32
    %add3A_685 = arith.constant 8 : i32
    %add3A_686 = arith.addi %mul3A_684, %add3A_685 : i32
    %shift_right_arithmetic3A_687 = arith.constant 2 : i32
    %shift_right_arithmetic3A_688 = arith.shrsi %add3A_686, %shift_right_arithmetic3A_687 : i32
    %and3A_689 = arith.constant 3 : i32
    %and3A_690 = arith.andi %add3A_686, %and3A_689 : i32
    %mul3A_691 = arith.constant 52429 : i32
    %mul3A_692 = arith.muli %shift_right_arithmetic3A_688, %mul3A_691 : i32
    %shift_right_arithmetic3A_693 = arith.constant 18 : i32
    %shift_right_arithmetic3A_694 = arith.shrsi %mul3A_692, %shift_right_arithmetic3A_693 : i32
    %mul3A_695 = arith.constant 5 : i32
    %mul3A_696 = arith.muli %mul3A_695, %shift_right_arithmetic3A_694 : i32
    %sub3A_697 = arith.subi %shift_right_arithmetic3A_688, %mul3A_696 : i32
    %eq3A_698 = arith.constant 1 : i32
    %eq3A_699 = arith.cmpi eq, %sub3A_697, %eq3A_698 : i32
    %select_n3A_700 = arith.select %eq3A_699, %squeeze3A, %squeeze3A_10 : i32
    %eq3A_701 = arith.constant 2 : i32
    %eq3A_702 = arith.cmpi eq, %sub3A_697, %eq3A_701 : i32
    %select_n3A_703 = arith.select %eq3A_702, %squeeze3A_15, %select_n3A_700 : i32
    %eq3A_704 = arith.constant 3 : i32
    %eq3A_705 = arith.cmpi eq, %sub3A_697, %eq3A_704 : i32
    %select_n3A_706 = arith.select %eq3A_705, %squeeze3A_20, %select_n3A_703 : i32
    %eq3A_707 = arith.constant 4 : i32
    %eq3A_708 = arith.cmpi eq, %sub3A_697, %eq3A_707 : i32
    %select_n3A_709 = arith.select %eq3A_708, %squeeze3A_25, %select_n3A_706 : i32
    %mul3A_710 = arith.constant 32 : i32
    %mul3A_711 = arith.muli %shift_right_arithmetic3A_694, %mul3A_710 : i32
    %add3A_712 = arith.addi %mul3A_711, %select_n3A_709 : i32
    %mul3A_713 = arith.constant 56 : i32
    %mul3A_714 = arith.muli %and3A_690, %mul3A_713 : i32
    %mul3A_715 = arith.constant 56 : i32
    %mul3A_716 = arith.muli %and3A_690, %mul3A_715 : i32
    %dma_start3A_717 = arith.constant 0 : i32
    %dma_start3A_718 = arith.constant 0 : i32
    %dma_start3A_719 = arith.constant 0 : i32
    %dma_start3A_720 = tpu.memref_slice %arg9[%dma_start3A_717, %dma_start3A_718, %dma_start3A_719] : memref<8x56x224xf32, #tpu.memory_space<vmem>> -> memref<1x56x224xf32, #tpu.memory_space<vmem>>
    %dma_start3A_721 = tpu.memref_squeeze %dma_start3A_720 : memref<1x56x224xf32, #tpu.memory_space<vmem>> -> memref<56x224xf32, #tpu.memory_space<vmem>>
    %dma_start3A_722 = arith.constant 0 : i32
    %dma_start3A_723 = tpu.memref_slice %arg2[%add3A_712, %mul3A_714, %dma_start3A_722] : memref<768x224x224xf32, #tpu.memory_space<hbm>> -> memref<1x56x224xf32, #tpu.memory_space<hbm>>
    %dma_start3A_724 = tpu.memref_squeeze %dma_start3A_723 : memref<1x56x224xf32, #tpu.memory_space<hbm>> -> memref<56x224xf32, #tpu.memory_space<hbm>>
    %dma_start3A_725 = arith.constant 0 : i32
    %dma_start3A_726 = arith.constant 0 : i32
    %dma_start3A_727 = tpu.memref_slice %arg9[%dma_start3A_717, %dma_start3A_725, %dma_start3A_726] : memref<8x56x224xf32, #tpu.memory_space<vmem>> -> memref<1x56x224xf32, #tpu.memory_space<vmem>>
    %dma_start3A_728 = tpu.memref_squeeze %dma_start3A_727 : memref<1x56x224xf32, #tpu.memory_space<vmem>> -> memref<56x224xf32, #tpu.memory_space<vmem>>
    %dma_start3A_729 = arith.constant 0 : i32
    %dma_start3A_730 = tpu.memref_slice %arg2[%add3A_712, %mul3A_714, %dma_start3A_729] : memref<768x224x224xf32, #tpu.memory_space<hbm>> -> memref<1x56x224xf32, #tpu.memory_space<hbm>>
    %dma_start3A_731 = tpu.memref_squeeze %dma_start3A_730 : memref<1x56x224xf32, #tpu.memory_space<hbm>> -> memref<56x224xf32, #tpu.memory_space<hbm>>
    tpu.enqueue_dma source(%dma_start3A_731 : memref<56x224xf32, #tpu.memory_space<hbm>>) target(%dma_start3A_728 : memref<56x224xf32, #tpu.memory_space<vmem>>) target_semaphore(%arg10 : memref<!tpu.dma_semaphore, #tpu.memory_space<semaphore_mem>>)
    %dma_wait3A_732 = arith.constant 4 : i32
    %dma_wait3A_733 = arith.constant 0 : i32
    %dma_wait3A_734 = arith.constant 0 : i32
    %dma_wait3A_735 = tpu.memref_slice %arg9[%dma_wait3A_732, %dma_wait3A_733, %dma_wait3A_734] : memref<8x56x224xf32, #tpu.memory_space<vmem>> -> memref<1x56x224xf32, #tpu.memory_space<vmem>>
    %dma_wait3A_736 = tpu.memref_squeeze %dma_wait3A_735 : memref<1x56x224xf32, #tpu.memory_space<vmem>> -> memref<56x224xf32, #tpu.memory_space<vmem>>
    %dma_wait3A_737 = arith.constant 0 : i32
    %dma_wait3A_738 = tpu.memref_slice %arg2[%add3A_246, %mul3A_248, %dma_wait3A_737] : memref<768x224x224xf32, #tpu.memory_space<hbm>> -> memref<1x56x224xf32, #tpu.memory_space<hbm>>
    %dma_wait3A_739 = tpu.memref_squeeze %dma_wait3A_738 : memref<1x56x224xf32, #tpu.memory_space<hbm>> -> memref<56x224xf32, #tpu.memory_space<hbm>>
    %dma_wait3A_740 = arith.constant 0 : i32
    %dma_wait3A_741 = arith.constant 0 : i32
    %dma_wait3A_742 = tpu.memref_slice %arg9[%dma_wait3A_732, %dma_wait3A_740, %dma_wait3A_741] : memref<8x56x224xf32, #tpu.memory_space<vmem>> -> memref<1x56x224xf32, #tpu.memory_space<vmem>>
    %dma_wait3A_743 = tpu.memref_squeeze %dma_wait3A_742 : memref<1x56x224xf32, #tpu.memory_space<vmem>> -> memref<56x224xf32, #tpu.memory_space<vmem>>
    %dma_wait3A_744 = arith.constant 0 : i32
    %dma_wait3A_745 = tpu.memref_slice %arg2[%add3A_246, %mul3A_248, %dma_wait3A_744] : memref<768x224x224xf32, #tpu.memory_space<hbm>> -> memref<1x56x224xf32, #tpu.memory_space<hbm>>
    %dma_wait3A_746 = tpu.memref_squeeze %dma_wait3A_745 : memref<1x56x224xf32, #tpu.memory_space<hbm>> -> memref<56x224xf32, #tpu.memory_space<hbm>>
    tpu.wait_dma2 semaphore(%arg14 : memref<!tpu.dma_semaphore, #tpu.memory_space<semaphore_mem>>) src(%dma_wait3A_746 : memref<56x224xf32, #tpu.memory_space<hbm>>) dst(%dma_wait3A_743 : memref<56x224xf32, #tpu.memory_space<vmem>>)
    %mul3A_747 = arith.constant 15 : i32
    %mul3A_748 = arith.muli %add3A, %mul3A_747 : i32
    %add3A_749 = arith.constant 4 : i32
    %add3A_750 = arith.addi %mul3A_748, %add3A_749 : i32
    %shift_right_arithmetic3A_751 = arith.constant 2 : i32
    %shift_right_arithmetic3A_752 = arith.shrsi %add3A_750, %shift_right_arithmetic3A_751 : i32
    %and3A_753 = arith.constant 3 : i32
    %and3A_754 = arith.andi %add3A_750, %and3A_753 : i32
    %mul3A_755 = arith.constant 52429 : i32
    %mul3A_756 = arith.muli %shift_right_arithmetic3A_752, %mul3A_755 : i32
    %shift_right_arithmetic3A_757 = arith.constant 18 : i32
    %shift_right_arithmetic3A_758 = arith.shrsi %mul3A_756, %shift_right_arithmetic3A_757 : i32
    %mul3A_759 = arith.constant 5 : i32
    %mul3A_760 = arith.muli %mul3A_759, %shift_right_arithmetic3A_758 : i32
    %sub3A_761 = arith.subi %shift_right_arithmetic3A_752, %mul3A_760 : i32
    %eq3A_762 = arith.constant 1 : i32
    %eq3A_763 = arith.cmpi eq, %sub3A_761, %eq3A_762 : i32
    %select_n3A_764 = arith.select %eq3A_763, %squeeze3A, %squeeze3A_10 : i32
    %eq3A_765 = arith.constant 2 : i32
    %eq3A_766 = arith.cmpi eq, %sub3A_761, %eq3A_765 : i32
    %select_n3A_767 = arith.select %eq3A_766, %squeeze3A_15, %select_n3A_764 : i32
    %eq3A_768 = arith.constant 3 : i32
    %eq3A_769 = arith.cmpi eq, %sub3A_761, %eq3A_768 : i32
    %select_n3A_770 = arith.select %eq3A_769, %squeeze3A_20, %select_n3A_767 : i32
    %eq3A_771 = arith.constant 4 : i32
    %eq3A_772 = arith.cmpi eq, %sub3A_761, %eq3A_771 : i32
    %select_n3A_773 = arith.select %eq3A_772, %squeeze3A_25, %select_n3A_770 : i32
    %mul3A_774 = arith.constant 32 : i32
    %mul3A_775 = arith.muli %shift_right_arithmetic3A_758, %mul3A_774 : i32
    %add3A_776 = arith.addi %mul3A_775, %select_n3A_773 : i32
    %mul3A_777 = arith.constant 56 : i32
    %mul3A_778 = arith.muli %and3A_754, %mul3A_777 : i32
    %mul3A_779 = arith.constant 56 : i32
    %mul3A_780 = arith.muli %and3A_754, %mul3A_779 : i32
    %dma_start3A_781 = arith.constant 4 : i32
    %dma_start3A_782 = arith.constant 0 : i32
    %dma_start3A_783 = arith.constant 0 : i32
    %dma_start3A_784 = tpu.memref_slice %arg9[%dma_start3A_781, %dma_start3A_782, %dma_start3A_783] : memref<8x56x224xf32, #tpu.memory_space<vmem>> -> memref<1x56x224xf32, #tpu.memory_space<vmem>>
    %dma_start3A_785 = tpu.memref_squeeze %dma_start3A_784 : memref<1x56x224xf32, #tpu.memory_space<vmem>> -> memref<56x224xf32, #tpu.memory_space<vmem>>
    %dma_start3A_786 = arith.constant 0 : i32
    %dma_start3A_787 = tpu.memref_slice %arg8[%shift_right_arithmetic3A_752, %mul3A_780, %dma_start3A_786] : memref<120x224x224xf32, #tpu.memory_space<hbm>> -> memref<1x56x224xf32, #tpu.memory_space<hbm>>
    %dma_start3A_788 = tpu.memref_squeeze %dma_start3A_787 : memref<1x56x224xf32, #tpu.memory_space<hbm>> -> memref<56x224xf32, #tpu.memory_space<hbm>>
    %dma_start3A_789 = arith.constant 0 : i32
    %dma_start3A_790 = tpu.memref_slice %arg8[%shift_right_arithmetic3A_752, %mul3A_780, %dma_start3A_789] : memref<120x224x224xf32, #tpu.memory_space<hbm>> -> memref<1x56x224xf32, #tpu.memory_space<hbm>>
    %dma_start3A_791 = tpu.memref_squeeze %dma_start3A_790 : memref<1x56x224xf32, #tpu.memory_space<hbm>> -> memref<56x224xf32, #tpu.memory_space<hbm>>
    %dma_start3A_792 = arith.constant 0 : i32
    %dma_start3A_793 = arith.constant 0 : i32
    %dma_start3A_794 = tpu.memref_slice %arg9[%dma_start3A_781, %dma_start3A_792, %dma_start3A_793] : memref<8x56x224xf32, #tpu.memory_space<vmem>> -> memref<1x56x224xf32, #tpu.memory_space<vmem>>
    %dma_start3A_795 = tpu.memref_squeeze %dma_start3A_794 : memref<1x56x224xf32, #tpu.memory_space<vmem>> -> memref<56x224xf32, #tpu.memory_space<vmem>>
    tpu.enqueue_dma source(%dma_start3A_795 : memref<56x224xf32, #tpu.memory_space<vmem>>) target(%dma_start3A_791 : memref<56x224xf32, #tpu.memory_space<hbm>>) target_semaphore(%arg22 : memref<!tpu.dma_semaphore, #tpu.memory_space<semaphore_mem>>)
    %dma_wait3A_796 = arith.constant 1 : i32
    %dma_wait3A_797 = arith.constant 0 : i32
    %dma_wait3A_798 = arith.constant 0 : i32
    %dma_wait3A_799 = tpu.memref_slice %arg9[%dma_wait3A_796, %dma_wait3A_797, %dma_wait3A_798] : memref<8x56x224xf32, #tpu.memory_space<vmem>> -> memref<1x56x224xf32, #tpu.memory_space<vmem>>
    %dma_wait3A_800 = tpu.memref_squeeze %dma_wait3A_799 : memref<1x56x224xf32, #tpu.memory_space<vmem>> -> memref<56x224xf32, #tpu.memory_space<vmem>>
    %dma_wait3A_801 = arith.constant 0 : i32
    %dma_wait3A_802 = tpu.memref_slice %arg8[%shift_right_arithmetic3A_398, %mul3A_426, %dma_wait3A_801] : memref<120x224x224xf32, #tpu.memory_space<hbm>> -> memref<1x56x224xf32, #tpu.memory_space<hbm>>
    %dma_wait3A_803 = tpu.memref_squeeze %dma_wait3A_802 : memref<1x56x224xf32, #tpu.memory_space<hbm>> -> memref<56x224xf32, #tpu.memory_space<hbm>>
    %dma_wait3A_804 = arith.constant 0 : i32
    %dma_wait3A_805 = tpu.memref_slice %arg8[%shift_right_arithmetic3A_398, %mul3A_426, %dma_wait3A_804] : memref<120x224x224xf32, #tpu.memory_space<hbm>> -> memref<1x56x224xf32, #tpu.memory_space<hbm>>
    %dma_wait3A_806 = tpu.memref_squeeze %dma_wait3A_805 : memref<1x56x224xf32, #tpu.memory_space<hbm>> -> memref<56x224xf32, #tpu.memory_space<hbm>>
    %dma_wait3A_807 = arith.constant 0 : i32
    %dma_wait3A_808 = arith.constant 0 : i32
    %dma_wait3A_809 = tpu.memref_slice %arg9[%dma_wait3A_796, %dma_wait3A_807, %dma_wait3A_808] : memref<8x56x224xf32, #tpu.memory_space<vmem>> -> memref<1x56x224xf32, #tpu.memory_space<vmem>>
    %dma_wait3A_810 = tpu.memref_squeeze %dma_wait3A_809 : memref<1x56x224xf32, #tpu.memory_space<vmem>> -> memref<56x224xf32, #tpu.memory_space<vmem>>
    tpu.wait_dma2 semaphore(%arg19 : memref<!tpu.dma_semaphore, #tpu.memory_space<semaphore_mem>>) src(%dma_wait3A_810 : memref<56x224xf32, #tpu.memory_space<vmem>>) dst(%dma_wait3A_806 : memref<56x224xf32, #tpu.memory_space<hbm>>)
    %mul3A_811 = arith.constant 15 : i32
    %mul3A_812 = arith.muli %add3A, %mul3A_811 : i32
    %add3A_813 = arith.constant 9 : i32
    %add3A_814 = arith.addi %mul3A_812, %add3A_813 : i32
    %shift_right_arithmetic3A_815 = arith.constant 2 : i32
    %shift_right_arithmetic3A_816 = arith.shrsi %add3A_814, %shift_right_arithmetic3A_815 : i32
    %and3A_817 = arith.constant 3 : i32
    %and3A_818 = arith.andi %add3A_814, %and3A_817 : i32
    %mul3A_819 = arith.constant 52429 : i32
    %mul3A_820 = arith.muli %shift_right_arithmetic3A_816, %mul3A_819 : i32
    %shift_right_arithmetic3A_821 = arith.constant 18 : i32
    %shift_right_arithmetic3A_822 = arith.shrsi %mul3A_820, %shift_right_arithmetic3A_821 : i32
    %mul3A_823 = arith.constant 5 : i32
    %mul3A_824 = arith.muli %mul3A_823, %shift_right_arithmetic3A_822 : i32
    %sub3A_825 = arith.subi %shift_right_arithmetic3A_816, %mul3A_824 : i32
    %eq3A_826 = arith.constant 1 : i32
    %eq3A_827 = arith.cmpi eq, %sub3A_825, %eq3A_826 : i32
    %select_n3A_828 = arith.select %eq3A_827, %squeeze3A, %squeeze3A_10 : i32
    %eq3A_829 = arith.constant 2 : i32
    %eq3A_830 = arith.cmpi eq, %sub3A_825, %eq3A_829 : i32
    %select_n3A_831 = arith.select %eq3A_830, %squeeze3A_15, %select_n3A_828 : i32
    %eq3A_832 = arith.constant 3 : i32
    %eq3A_833 = arith.cmpi eq, %sub3A_825, %eq3A_832 : i32
    %select_n3A_834 = arith.select %eq3A_833, %squeeze3A_20, %select_n3A_831 : i32
    %eq3A_835 = arith.constant 4 : i32
    %eq3A_836 = arith.cmpi eq, %sub3A_825, %eq3A_835 : i32
    %select_n3A_837 = arith.select %eq3A_836, %squeeze3A_25, %select_n3A_834 : i32
    %mul3A_838 = arith.constant 32 : i32
    %mul3A_839 = arith.muli %shift_right_arithmetic3A_822, %mul3A_838 : i32
    %add3A_840 = arith.addi %mul3A_839, %select_n3A_837 : i32
    %mul3A_841 = arith.constant 56 : i32
    %mul3A_842 = arith.muli %and3A_818, %mul3A_841 : i32
    %mul3A_843 = arith.constant 56 : i32
    %mul3A_844 = arith.muli %and3A_818, %mul3A_843 : i32
    %dma_start3A_845 = arith.constant 1 : i32
    %dma_start3A_846 = arith.constant 0 : i32
    %dma_start3A_847 = arith.constant 0 : i32
    %dma_start3A_848 = tpu.memref_slice %arg9[%dma_start3A_845, %dma_start3A_846, %dma_start3A_847] : memref<8x56x224xf32, #tpu.memory_space<vmem>> -> memref<1x56x224xf32, #tpu.memory_space<vmem>>
    %dma_start3A_849 = tpu.memref_squeeze %dma_start3A_848 : memref<1x56x224xf32, #tpu.memory_space<vmem>> -> memref<56x224xf32, #tpu.memory_space<vmem>>
    %dma_start3A_850 = arith.constant 0 : i32
    %dma_start3A_851 = tpu.memref_slice %arg2[%add3A_840, %mul3A_842, %dma_start3A_850] : memref<768x224x224xf32, #tpu.memory_space<hbm>> -> memref<1x56x224xf32, #tpu.memory_space<hbm>>
    %dma_start3A_852 = tpu.memref_squeeze %dma_start3A_851 : memref<1x56x224xf32, #tpu.memory_space<hbm>> -> memref<56x224xf32, #tpu.memory_space<hbm>>
    %dma_start3A_853 = arith.constant 0 : i32
    %dma_start3A_854 = arith.constant 0 : i32
    %dma_start3A_855 = tpu.memref_slice %arg9[%dma_start3A_845, %dma_start3A_853, %dma_start3A_854] : memref<8x56x224xf32, #tpu.memory_space<vmem>> -> memref<1x56x224xf32, #tpu.memory_space<vmem>>
    %dma_start3A_856 = tpu.memref_squeeze %dma_start3A_855 : memref<1x56x224xf32, #tpu.memory_space<vmem>> -> memref<56x224xf32, #tpu.memory_space<vmem>>
    %dma_start3A_857 = arith.constant 0 : i32
    %dma_start3A_858 = tpu.memref_slice %arg2[%add3A_840, %mul3A_842, %dma_start3A_857] : memref<768x224x224xf32, #tpu.memory_space<hbm>> -> memref<1x56x224xf32, #tpu.memory_space<hbm>>
    %dma_start3A_859 = tpu.memref_squeeze %dma_start3A_858 : memref<1x56x224xf32, #tpu.memory_space<hbm>> -> memref<56x224xf32, #tpu.memory_space<hbm>>
    tpu.enqueue_dma source(%dma_start3A_859 : memref<56x224xf32, #tpu.memory_space<hbm>>) target(%dma_start3A_856 : memref<56x224xf32, #tpu.memory_space<vmem>>) target_semaphore(%arg11 : memref<!tpu.dma_semaphore, #tpu.memory_space<semaphore_mem>>)
    %dma_wait3A_860 = arith.constant 5 : i32
    %dma_wait3A_861 = arith.constant 0 : i32
    %dma_wait3A_862 = arith.constant 0 : i32
    %dma_wait3A_863 = tpu.memref_slice %arg9[%dma_wait3A_860, %dma_wait3A_861, %dma_wait3A_862] : memref<8x56x224xf32, #tpu.memory_space<vmem>> -> memref<1x56x224xf32, #tpu.memory_space<vmem>>
    %dma_wait3A_864 = tpu.memref_squeeze %dma_wait3A_863 : memref<1x56x224xf32, #tpu.memory_space<vmem>> -> memref<56x224xf32, #tpu.memory_space<vmem>>
    %dma_wait3A_865 = arith.constant 0 : i32
    %dma_wait3A_866 = tpu.memref_slice %arg2[%add3A_358, %mul3A_360, %dma_wait3A_865] : memref<768x224x224xf32, #tpu.memory_space<hbm>> -> memref<1x56x224xf32, #tpu.memory_space<hbm>>
    %dma_wait3A_867 = tpu.memref_squeeze %dma_wait3A_866 : memref<1x56x224xf32, #tpu.memory_space<hbm>> -> memref<56x224xf32, #tpu.memory_space<hbm>>
    %dma_wait3A_868 = arith.constant 0 : i32
    %dma_wait3A_869 = arith.constant 0 : i32
    %dma_wait3A_870 = tpu.memref_slice %arg9[%dma_wait3A_860, %dma_wait3A_868, %dma_wait3A_869] : memref<8x56x224xf32, #tpu.memory_space<vmem>> -> memref<1x56x224xf32, #tpu.memory_space<vmem>>
    %dma_wait3A_871 = tpu.memref_squeeze %dma_wait3A_870 : memref<1x56x224xf32, #tpu.memory_space<vmem>> -> memref<56x224xf32, #tpu.memory_space<vmem>>
    %dma_wait3A_872 = arith.constant 0 : i32
    %dma_wait3A_873 = tpu.memref_slice %arg2[%add3A_358, %mul3A_360, %dma_wait3A_872] : memref<768x224x224xf32, #tpu.memory_space<hbm>> -> memref<1x56x224xf32, #tpu.memory_space<hbm>>
    %dma_wait3A_874 = tpu.memref_squeeze %dma_wait3A_873 : memref<1x56x224xf32, #tpu.memory_space<hbm>> -> memref<56x224xf32, #tpu.memory_space<hbm>>
    tpu.wait_dma2 semaphore(%arg15 : memref<!tpu.dma_semaphore, #tpu.memory_space<semaphore_mem>>) src(%dma_wait3A_874 : memref<56x224xf32, #tpu.memory_space<hbm>>) dst(%dma_wait3A_871 : memref<56x224xf32, #tpu.memory_space<vmem>>)
    %mul3A_875 = arith.constant 15 : i32
    %mul3A_876 = arith.muli %add3A, %mul3A_875 : i32
    %add3A_877 = arith.constant 5 : i32
    %add3A_878 = arith.addi %mul3A_876, %add3A_877 : i32
    %shift_right_arithmetic3A_879 = arith.constant 2 : i32
    %shift_right_arithmetic3A_880 = arith.shrsi %add3A_878, %shift_right_arithmetic3A_879 : i32
    %and3A_881 = arith.constant 3 : i32
    %and3A_882 = arith.andi %add3A_878, %and3A_881 : i32
    %mul3A_883 = arith.constant 52429 : i32
    %mul3A_884 = arith.muli %shift_right_arithmetic3A_880, %mul3A_883 : i32
    %shift_right_arithmetic3A_885 = arith.constant 18 : i32
    %shift_right_arithmetic3A_886 = arith.shrsi %mul3A_884, %shift_right_arithmetic3A_885 : i32
    %mul3A_887 = arith.constant 5 : i32
    %mul3A_888 = arith.muli %mul3A_887, %shift_right_arithmetic3A_886 : i32
    %sub3A_889 = arith.subi %shift_right_arithmetic3A_880, %mul3A_888 : i32
    %eq3A_890 = arith.constant 1 : i32
    %eq3A_891 = arith.cmpi eq, %sub3A_889, %eq3A_890 : i32
    %select_n3A_892 = arith.select %eq3A_891, %squeeze3A, %squeeze3A_10 : i32
    %eq3A_893 = arith.constant 2 : i32
    %eq3A_894 = arith.cmpi eq, %sub3A_889, %eq3A_893 : i32
    %select_n3A_895 = arith.select %eq3A_894, %squeeze3A_15, %select_n3A_892 : i32
    %eq3A_896 = arith.constant 3 : i32
    %eq3A_897 = arith.cmpi eq, %sub3A_889, %eq3A_896 : i32
    %select_n3A_898 = arith.select %eq3A_897, %squeeze3A_20, %select_n3A_895 : i32
    %eq3A_899 = arith.constant 4 : i32
    %eq3A_900 = arith.cmpi eq, %sub3A_889, %eq3A_899 : i32
    %select_n3A_901 = arith.select %eq3A_900, %squeeze3A_25, %select_n3A_898 : i32
    %mul3A_902 = arith.constant 32 : i32
    %mul3A_903 = arith.muli %shift_right_arithmetic3A_886, %mul3A_902 : i32
    %add3A_904 = arith.addi %mul3A_903, %select_n3A_901 : i32
    %mul3A_905 = arith.constant 56 : i32
    %mul3A_906 = arith.muli %and3A_882, %mul3A_905 : i32
    %mul3A_907 = arith.constant 56 : i32
    %mul3A_908 = arith.muli %and3A_882, %mul3A_907 : i32
    %dma_start3A_909 = arith.constant 5 : i32
    %dma_start3A_910 = arith.constant 0 : i32
    %dma_start3A_911 = arith.constant 0 : i32
    %dma_start3A_912 = tpu.memref_slice %arg9[%dma_start3A_909, %dma_start3A_910, %dma_start3A_911] : memref<8x56x224xf32, #tpu.memory_space<vmem>> -> memref<1x56x224xf32, #tpu.memory_space<vmem>>
    %dma_start3A_913 = tpu.memref_squeeze %dma_start3A_912 : memref<1x56x224xf32, #tpu.memory_space<vmem>> -> memref<56x224xf32, #tpu.memory_space<vmem>>
    %dma_start3A_914 = arith.constant 0 : i32
    %dma_start3A_915 = tpu.memref_slice %arg8[%shift_right_arithmetic3A_880, %mul3A_908, %dma_start3A_914] : memref<120x224x224xf32, #tpu.memory_space<hbm>> -> memref<1x56x224xf32, #tpu.memory_space<hbm>>
    %dma_start3A_916 = tpu.memref_squeeze %dma_start3A_915 : memref<1x56x224xf32, #tpu.memory_space<hbm>> -> memref<56x224xf32, #tpu.memory_space<hbm>>
    %dma_start3A_917 = arith.constant 0 : i32
    %dma_start3A_918 = tpu.memref_slice %arg8[%shift_right_arithmetic3A_880, %mul3A_908, %dma_start3A_917] : memref<120x224x224xf32, #tpu.memory_space<hbm>> -> memref<1x56x224xf32, #tpu.memory_space<hbm>>
    %dma_start3A_919 = tpu.memref_squeeze %dma_start3A_918 : memref<1x56x224xf32, #tpu.memory_space<hbm>> -> memref<56x224xf32, #tpu.memory_space<hbm>>
    %dma_start3A_920 = arith.constant 0 : i32
    %dma_start3A_921 = arith.constant 0 : i32
    %dma_start3A_922 = tpu.memref_slice %arg9[%dma_start3A_909, %dma_start3A_920, %dma_start3A_921] : memref<8x56x224xf32, #tpu.memory_space<vmem>> -> memref<1x56x224xf32, #tpu.memory_space<vmem>>
    %dma_start3A_923 = tpu.memref_squeeze %dma_start3A_922 : memref<1x56x224xf32, #tpu.memory_space<vmem>> -> memref<56x224xf32, #tpu.memory_space<vmem>>
    tpu.enqueue_dma source(%dma_start3A_923 : memref<56x224xf32, #tpu.memory_space<vmem>>) target(%dma_start3A_919 : memref<56x224xf32, #tpu.memory_space<hbm>>) target_semaphore(%arg23 : memref<!tpu.dma_semaphore, #tpu.memory_space<semaphore_mem>>)
    %dma_wait3A_924 = arith.constant 2 : i32
    %dma_wait3A_925 = arith.constant 0 : i32
    %dma_wait3A_926 = arith.constant 0 : i32
    %dma_wait3A_927 = tpu.memref_slice %arg9[%dma_wait3A_924, %dma_wait3A_925, %dma_wait3A_926] : memref<8x56x224xf32, #tpu.memory_space<vmem>> -> memref<1x56x224xf32, #tpu.memory_space<vmem>>
    %dma_wait3A_928 = tpu.memref_squeeze %dma_wait3A_927 : memref<1x56x224xf32, #tpu.memory_space<vmem>> -> memref<56x224xf32, #tpu.memory_space<vmem>>
    %dma_wait3A_929 = arith.constant 0 : i32
    %dma_wait3A_930 = tpu.memref_slice %arg8[%shift_right_arithmetic3A_511, %mul3A_539, %dma_wait3A_929] : memref<120x224x224xf32, #tpu.memory_space<hbm>> -> memref<1x56x224xf32, #tpu.memory_space<hbm>>
    %dma_wait3A_931 = tpu.memref_squeeze %dma_wait3A_930 : memref<1x56x224xf32, #tpu.memory_space<hbm>> -> memref<56x224xf32, #tpu.memory_space<hbm>>
    %dma_wait3A_932 = arith.constant 0 : i32
    %dma_wait3A_933 = tpu.memref_slice %arg8[%shift_right_arithmetic3A_511, %mul3A_539, %dma_wait3A_932] : memref<120x224x224xf32, #tpu.memory_space<hbm>> -> memref<1x56x224xf32, #tpu.memory_space<hbm>>
    %dma_wait3A_934 = tpu.memref_squeeze %dma_wait3A_933 : memref<1x56x224xf32, #tpu.memory_space<hbm>> -> memref<56x224xf32, #tpu.memory_space<hbm>>
    %dma_wait3A_935 = arith.constant 0 : i32
    %dma_wait3A_936 = arith.constant 0 : i32
    %dma_wait3A_937 = tpu.memref_slice %arg9[%dma_wait3A_924, %dma_wait3A_935, %dma_wait3A_936] : memref<8x56x224xf32, #tpu.memory_space<vmem>> -> memref<1x56x224xf32, #tpu.memory_space<vmem>>
    %dma_wait3A_938 = tpu.memref_squeeze %dma_wait3A_937 : memref<1x56x224xf32, #tpu.memory_space<vmem>> -> memref<56x224xf32, #tpu.memory_space<vmem>>
    tpu.wait_dma2 semaphore(%arg20 : memref<!tpu.dma_semaphore, #tpu.memory_space<semaphore_mem>>) src(%dma_wait3A_938 : memref<56x224xf32, #tpu.memory_space<vmem>>) dst(%dma_wait3A_934 : memref<56x224xf32, #tpu.memory_space<hbm>>)
    %mul3A_939 = arith.constant 15 : i32
    %mul3A_940 = arith.muli %add3A, %mul3A_939 : i32
    %add3A_941 = arith.constant 10 : i32
    %add3A_942 = arith.addi %mul3A_940, %add3A_941 : i32
    %shift_right_arithmetic3A_943 = arith.constant 2 : i32
    %shift_right_arithmetic3A_944 = arith.shrsi %add3A_942, %shift_right_arithmetic3A_943 : i32
    %and3A_945 = arith.constant 3 : i32
    %and3A_946 = arith.andi %add3A_942, %and3A_945 : i32
    %mul3A_947 = arith.constant 52429 : i32
    %mul3A_948 = arith.muli %shift_right_arithmetic3A_944, %mul3A_947 : i32
    %shift_right_arithmetic3A_949 = arith.constant 18 : i32
    %shift_right_arithmetic3A_950 = arith.shrsi %mul3A_948, %shift_right_arithmetic3A_949 : i32
    %mul3A_951 = arith.constant 5 : i32
    %mul3A_952 = arith.muli %mul3A_951, %shift_right_arithmetic3A_950 : i32
    %sub3A_953 = arith.subi %shift_right_arithmetic3A_944, %mul3A_952 : i32
    %eq3A_954 = arith.constant 1 : i32
    %eq3A_955 = arith.cmpi eq, %sub3A_953, %eq3A_954 : i32
    %select_n3A_956 = arith.select %eq3A_955, %squeeze3A, %squeeze3A_10 : i32
    %eq3A_957 = arith.constant 2 : i32
    %eq3A_958 = arith.cmpi eq, %sub3A_953, %eq3A_957 : i32
    %select_n3A_959 = arith.select %eq3A_958, %squeeze3A_15, %select_n3A_956 : i32
    %eq3A_960 = arith.constant 3 : i32
    %eq3A_961 = arith.cmpi eq, %sub3A_953, %eq3A_960 : i32
    %select_n3A_962 = arith.select %eq3A_961, %squeeze3A_20, %select_n3A_959 : i32
    %eq3A_963 = arith.constant 4 : i32
    %eq3A_964 = arith.cmpi eq, %sub3A_953, %eq3A_963 : i32
    %select_n3A_965 = arith.select %eq3A_964, %squeeze3A_25, %select_n3A_962 : i32
    %mul3A_966 = arith.constant 32 : i32
    %mul3A_967 = arith.muli %shift_right_arithmetic3A_950, %mul3A_966 : i32
    %add3A_968 = arith.addi %mul3A_967, %select_n3A_965 : i32
    %mul3A_969 = arith.constant 56 : i32
    %mul3A_970 = arith.muli %and3A_946, %mul3A_969 : i32
    %mul3A_971 = arith.constant 56 : i32
    %mul3A_972 = arith.muli %and3A_946, %mul3A_971 : i32
    %dma_start3A_973 = arith.constant 2 : i32
    %dma_start3A_974 = arith.constant 0 : i32
    %dma_start3A_975 = arith.constant 0 : i32
    %dma_start3A_976 = tpu.memref_slice %arg9[%dma_start3A_973, %dma_start3A_974, %dma_start3A_975] : memref<8x56x224xf32, #tpu.memory_space<vmem>> -> memref<1x56x224xf32, #tpu.memory_space<vmem>>
    %dma_start3A_977 = tpu.memref_squeeze %dma_start3A_976 : memref<1x56x224xf32, #tpu.memory_space<vmem>> -> memref<56x224xf32, #tpu.memory_space<vmem>>
    %dma_start3A_978 = arith.constant 0 : i32
    %dma_start3A_979 = tpu.memref_slice %arg2[%add3A_968, %mul3A_970, %dma_start3A_978] : memref<768x224x224xf32, #tpu.memory_space<hbm>> -> memref<1x56x224xf32, #tpu.memory_space<hbm>>
    %dma_start3A_980 = tpu.memref_squeeze %dma_start3A_979 : memref<1x56x224xf32, #tpu.memory_space<hbm>> -> memref<56x224xf32, #tpu.memory_space<hbm>>
    %dma_start3A_981 = arith.constant 0 : i32
    %dma_start3A_982 = arith.constant 0 : i32
    %dma_start3A_983 = tpu.memref_slice %arg9[%dma_start3A_973, %dma_start3A_981, %dma_start3A_982] : memref<8x56x224xf32, #tpu.memory_space<vmem>> -> memref<1x56x224xf32, #tpu.memory_space<vmem>>
    %dma_start3A_984 = tpu.memref_squeeze %dma_start3A_983 : memref<1x56x224xf32, #tpu.memory_space<vmem>> -> memref<56x224xf32, #tpu.memory_space<vmem>>
    %dma_start3A_985 = arith.constant 0 : i32
    %dma_start3A_986 = tpu.memref_slice %arg2[%add3A_968, %mul3A_970, %dma_start3A_985] : memref<768x224x224xf32, #tpu.memory_space<hbm>> -> memref<1x56x224xf32, #tpu.memory_space<hbm>>
    %dma_start3A_987 = tpu.memref_squeeze %dma_start3A_986 : memref<1x56x224xf32, #tpu.memory_space<hbm>> -> memref<56x224xf32, #tpu.memory_space<hbm>>
    tpu.enqueue_dma source(%dma_start3A_987 : memref<56x224xf32, #tpu.memory_space<hbm>>) target(%dma_start3A_984 : memref<56x224xf32, #tpu.memory_space<vmem>>) target_semaphore(%arg12 : memref<!tpu.dma_semaphore, #tpu.memory_space<semaphore_mem>>)
    %dma_wait3A_988 = arith.constant 6 : i32
    %dma_wait3A_989 = arith.constant 0 : i32
    %dma_wait3A_990 = arith.constant 0 : i32
    %dma_wait3A_991 = tpu.memref_slice %arg9[%dma_wait3A_988, %dma_wait3A_989, %dma_wait3A_990] : memref<8x56x224xf32, #tpu.memory_space<vmem>> -> memref<1x56x224xf32, #tpu.memory_space<vmem>>
    %dma_wait3A_992 = tpu.memref_squeeze %dma_wait3A_991 : memref<1x56x224xf32, #tpu.memory_space<vmem>> -> memref<56x224xf32, #tpu.memory_space<vmem>>
    %dma_wait3A_993 = arith.constant 0 : i32
    %dma_wait3A_994 = tpu.memref_slice %arg2[%add3A_471, %mul3A_473, %dma_wait3A_993] : memref<768x224x224xf32, #tpu.memory_space<hbm>> -> memref<1x56x224xf32, #tpu.memory_space<hbm>>
    %dma_wait3A_995 = tpu.memref_squeeze %dma_wait3A_994 : memref<1x56x224xf32, #tpu.memory_space<hbm>> -> memref<56x224xf32, #tpu.memory_space<hbm>>
    %dma_wait3A_996 = arith.constant 0 : i32
    %dma_wait3A_997 = arith.constant 0 : i32
    %dma_wait3A_998 = tpu.memref_slice %arg9[%dma_wait3A_988, %dma_wait3A_996, %dma_wait3A_997] : memref<8x56x224xf32, #tpu.memory_space<vmem>> -> memref<1x56x224xf32, #tpu.memory_space<vmem>>
    %dma_wait3A_999 = tpu.memref_squeeze %dma_wait3A_998 : memref<1x56x224xf32, #tpu.memory_space<vmem>> -> memref<56x224xf32, #tpu.memory_space<vmem>>
    %dma_wait3A_1000 = arith.constant 0 : i32
    %dma_wait3A_1001 = tpu.memref_slice %arg2[%add3A_471, %mul3A_473, %dma_wait3A_1000] : memref<768x224x224xf32, #tpu.memory_space<hbm>> -> memref<1x56x224xf32, #tpu.memory_space<hbm>>
    %dma_wait3A_1002 = tpu.memref_squeeze %dma_wait3A_1001 : memref<1x56x224xf32, #tpu.memory_space<hbm>> -> memref<56x224xf32, #tpu.memory_space<hbm>>
    tpu.wait_dma2 semaphore(%arg16 : memref<!tpu.dma_semaphore, #tpu.memory_space<semaphore_mem>>) src(%dma_wait3A_1002 : memref<56x224xf32, #tpu.memory_space<hbm>>) dst(%dma_wait3A_999 : memref<56x224xf32, #tpu.memory_space<vmem>>)
    %mul3A_1003 = arith.constant 15 : i32
    %mul3A_1004 = arith.muli %add3A, %mul3A_1003 : i32
    %add3A_1005 = arith.constant 6 : i32
    %add3A_1006 = arith.addi %mul3A_1004, %add3A_1005 : i32
    %shift_right_arithmetic3A_1007 = arith.constant 2 : i32
    %shift_right_arithmetic3A_1008 = arith.shrsi %add3A_1006, %shift_right_arithmetic3A_1007 : i32
    %and3A_1009 = arith.constant 3 : i32
    %and3A_1010 = arith.andi %add3A_1006, %and3A_1009 : i32
    %mul3A_1011 = arith.constant 52429 : i32
    %mul3A_1012 = arith.muli %shift_right_arithmetic3A_1008, %mul3A_1011 : i32
    %shift_right_arithmetic3A_1013 = arith.constant 18 : i32
    %shift_right_arithmetic3A_1014 = arith.shrsi %mul3A_1012, %shift_right_arithmetic3A_1013 : i32
    %mul3A_1015 = arith.constant 5 : i32
    %mul3A_1016 = arith.muli %mul3A_1015, %shift_right_arithmetic3A_1014 : i32
    %sub3A_1017 = arith.subi %shift_right_arithmetic3A_1008, %mul3A_1016 : i32
    %eq3A_1018 = arith.constant 1 : i32
    %eq3A_1019 = arith.cmpi eq, %sub3A_1017, %eq3A_1018 : i32
    %select_n3A_1020 = arith.select %eq3A_1019, %squeeze3A, %squeeze3A_10 : i32
    %eq3A_1021 = arith.constant 2 : i32
    %eq3A_1022 = arith.cmpi eq, %sub3A_1017, %eq3A_1021 : i32
    %select_n3A_1023 = arith.select %eq3A_1022, %squeeze3A_15, %select_n3A_1020 : i32
    %eq3A_1024 = arith.constant 3 : i32
    %eq3A_1025 = arith.cmpi eq, %sub3A_1017, %eq3A_1024 : i32
    %select_n3A_1026 = arith.select %eq3A_1025, %squeeze3A_20, %select_n3A_1023 : i32
    %eq3A_1027 = arith.constant 4 : i32
    %eq3A_1028 = arith.cmpi eq, %sub3A_1017, %eq3A_1027 : i32
    %select_n3A_1029 = arith.select %eq3A_1028, %squeeze3A_25, %select_n3A_1026 : i32
    %mul3A_1030 = arith.constant 32 : i32
    %mul3A_1031 = arith.muli %shift_right_arithmetic3A_1014, %mul3A_1030 : i32
    %add3A_1032 = arith.addi %mul3A_1031, %select_n3A_1029 : i32
    %mul3A_1033 = arith.constant 56 : i32
    %mul3A_1034 = arith.muli %and3A_1010, %mul3A_1033 : i32
    %mul3A_1035 = arith.constant 56 : i32
    %mul3A_1036 = arith.muli %and3A_1010, %mul3A_1035 : i32
    %dma_start3A_1037 = arith.constant 6 : i32
    %dma_start3A_1038 = arith.constant 0 : i32
    %dma_start3A_1039 = arith.constant 0 : i32
    %dma_start3A_1040 = tpu.memref_slice %arg9[%dma_start3A_1037, %dma_start3A_1038, %dma_start3A_1039] : memref<8x56x224xf32, #tpu.memory_space<vmem>> -> memref<1x56x224xf32, #tpu.memory_space<vmem>>
    %dma_start3A_1041 = tpu.memref_squeeze %dma_start3A_1040 : memref<1x56x224xf32, #tpu.memory_space<vmem>> -> memref<56x224xf32, #tpu.memory_space<vmem>>
    %dma_start3A_1042 = arith.constant 0 : i32
    %dma_start3A_1043 = tpu.memref_slice %arg8[%shift_right_arithmetic3A_1008, %mul3A_1036, %dma_start3A_1042] : memref<120x224x224xf32, #tpu.memory_space<hbm>> -> memref<1x56x224xf32, #tpu.memory_space<hbm>>
    %dma_start3A_1044 = tpu.memref_squeeze %dma_start3A_1043 : memref<1x56x224xf32, #tpu.memory_space<hbm>> -> memref<56x224xf32, #tpu.memory_space<hbm>>
    %dma_start3A_1045 = arith.constant 0 : i32
    %dma_start3A_1046 = tpu.memref_slice %arg8[%shift_right_arithmetic3A_1008, %mul3A_1036, %dma_start3A_1045] : memref<120x224x224xf32, #tpu.memory_space<hbm>> -> memref<1x56x224xf32, #tpu.memory_space<hbm>>
    %dma_start3A_1047 = tpu.memref_squeeze %dma_start3A_1046 : memref<1x56x224xf32, #tpu.memory_space<hbm>> -> memref<56x224xf32, #tpu.memory_space<hbm>>
    %dma_start3A_1048 = arith.constant 0 : i32
    %dma_start3A_1049 = arith.constant 0 : i32
    %dma_start3A_1050 = tpu.memref_slice %arg9[%dma_start3A_1037, %dma_start3A_1048, %dma_start3A_1049] : memref<8x56x224xf32, #tpu.memory_space<vmem>> -> memref<1x56x224xf32, #tpu.memory_space<vmem>>
    %dma_start3A_1051 = tpu.memref_squeeze %dma_start3A_1050 : memref<1x56x224xf32, #tpu.memory_space<vmem>> -> memref<56x224xf32, #tpu.memory_space<vmem>>
    tpu.enqueue_dma source(%dma_start3A_1051 : memref<56x224xf32, #tpu.memory_space<vmem>>) target(%dma_start3A_1047 : memref<56x224xf32, #tpu.memory_space<hbm>>) target_semaphore(%arg24 : memref<!tpu.dma_semaphore, #tpu.memory_space<semaphore_mem>>)
    %dma_wait3A_1052 = arith.constant 3 : i32
    %dma_wait3A_1053 = arith.constant 0 : i32
    %dma_wait3A_1054 = arith.constant 0 : i32
    %dma_wait3A_1055 = tpu.memref_slice %arg9[%dma_wait3A_1052, %dma_wait3A_1053, %dma_wait3A_1054] : memref<8x56x224xf32, #tpu.memory_space<vmem>> -> memref<1x56x224xf32, #tpu.memory_space<vmem>>
    %dma_wait3A_1056 = tpu.memref_squeeze %dma_wait3A_1055 : memref<1x56x224xf32, #tpu.memory_space<vmem>> -> memref<56x224xf32, #tpu.memory_space<vmem>>
    %dma_wait3A_1057 = arith.constant 0 : i32
    %dma_wait3A_1058 = tpu.memref_slice %arg8[%shift_right_arithmetic3A_624, %mul3A_652, %dma_wait3A_1057] : memref<120x224x224xf32, #tpu.memory_space<hbm>> -> memref<1x56x224xf32, #tpu.memory_space<hbm>>
    %dma_wait3A_1059 = tpu.memref_squeeze %dma_wait3A_1058 : memref<1x56x224xf32, #tpu.memory_space<hbm>> -> memref<56x224xf32, #tpu.memory_space<hbm>>
    %dma_wait3A_1060 = arith.constant 0 : i32
    %dma_wait3A_1061 = tpu.memref_slice %arg8[%shift_right_arithmetic3A_624, %mul3A_652, %dma_wait3A_1060] : memref<120x224x224xf32, #tpu.memory_space<hbm>> -> memref<1x56x224xf32, #tpu.memory_space<hbm>>
    %dma_wait3A_1062 = tpu.memref_squeeze %dma_wait3A_1061 : memref<1x56x224xf32, #tpu.memory_space<hbm>> -> memref<56x224xf32, #tpu.memory_space<hbm>>
    %dma_wait3A_1063 = arith.constant 0 : i32
    %dma_wait3A_1064 = arith.constant 0 : i32
    %dma_wait3A_1065 = tpu.memref_slice %arg9[%dma_wait3A_1052, %dma_wait3A_1063, %dma_wait3A_1064] : memref<8x56x224xf32, #tpu.memory_space<vmem>> -> memref<1x56x224xf32, #tpu.memory_space<vmem>>
    %dma_wait3A_1066 = tpu.memref_squeeze %dma_wait3A_1065 : memref<1x56x224xf32, #tpu.memory_space<vmem>> -> memref<56x224xf32, #tpu.memory_space<vmem>>
    tpu.wait_dma2 semaphore(%arg21 : memref<!tpu.dma_semaphore, #tpu.memory_space<semaphore_mem>>) src(%dma_wait3A_1066 : memref<56x224xf32, #tpu.memory_space<vmem>>) dst(%dma_wait3A_1062 : memref<56x224xf32, #tpu.memory_space<hbm>>)
    %mul3A_1067 = arith.constant 15 : i32
    %mul3A_1068 = arith.muli %add3A, %mul3A_1067 : i32
    %add3A_1069 = arith.constant 11 : i32
    %add3A_1070 = arith.addi %mul3A_1068, %add3A_1069 : i32
    %shift_right_arithmetic3A_1071 = arith.constant 2 : i32
    %shift_right_arithmetic3A_1072 = arith.shrsi %add3A_1070, %shift_right_arithmetic3A_1071 : i32
    %and3A_1073 = arith.constant 3 : i32
    %and3A_1074 = arith.andi %add3A_1070, %and3A_1073 : i32
    %mul3A_1075 = arith.constant 52429 : i32
    %mul3A_1076 = arith.muli %shift_right_arithmetic3A_1072, %mul3A_1075 : i32
    %shift_right_arithmetic3A_1077 = arith.constant 18 : i32
    %shift_right_arithmetic3A_1078 = arith.shrsi %mul3A_1076, %shift_right_arithmetic3A_1077 : i32
    %mul3A_1079 = arith.constant 5 : i32
    %mul3A_1080 = arith.muli %mul3A_1079, %shift_right_arithmetic3A_1078 : i32
    %sub3A_1081 = arith.subi %shift_right_arithmetic3A_1072, %mul3A_1080 : i32
    %eq3A_1082 = arith.constant 1 : i32
    %eq3A_1083 = arith.cmpi eq, %sub3A_1081, %eq3A_1082 : i32
    %select_n3A_1084 = arith.select %eq3A_1083, %squeeze3A, %squeeze3A_10 : i32
    %eq3A_1085 = arith.constant 2 : i32
    %eq3A_1086 = arith.cmpi eq, %sub3A_1081, %eq3A_1085 : i32
    %select_n3A_1087 = arith.select %eq3A_1086, %squeeze3A_15, %select_n3A_1084 : i32
    %eq3A_1088 = arith.constant 3 : i32
    %eq3A_1089 = arith.cmpi eq, %sub3A_1081, %eq3A_1088 : i32
    %select_n3A_1090 = arith.select %eq3A_1089, %squeeze3A_20, %select_n3A_1087 : i32
    %eq3A_1091 = arith.constant 4 : i32
    %eq3A_1092 = arith.cmpi eq, %sub3A_1081, %eq3A_1091 : i32
    %select_n3A_1093 = arith.select %eq3A_1092, %squeeze3A_25, %select_n3A_1090 : i32
    %mul3A_1094 = arith.constant 32 : i32
    %mul3A_1095 = arith.muli %shift_right_arithmetic3A_1078, %mul3A_1094 : i32
    %add3A_1096 = arith.addi %mul3A_1095, %select_n3A_1093 : i32
    %mul3A_1097 = arith.constant 56 : i32
    %mul3A_1098 = arith.muli %and3A_1074, %mul3A_1097 : i32
    %mul3A_1099 = arith.constant 56 : i32
    %mul3A_1100 = arith.muli %and3A_1074, %mul3A_1099 : i32
    %dma_start3A_1101 = arith.constant 3 : i32
    %dma_start3A_1102 = arith.constant 0 : i32
    %dma_start3A_1103 = arith.constant 0 : i32
    %dma_start3A_1104 = tpu.memref_slice %arg9[%dma_start3A_1101, %dma_start3A_1102, %dma_start3A_1103] : memref<8x56x224xf32, #tpu.memory_space<vmem>> -> memref<1x56x224xf32, #tpu.memory_space<vmem>>
    %dma_start3A_1105 = tpu.memref_squeeze %dma_start3A_1104 : memref<1x56x224xf32, #tpu.memory_space<vmem>> -> memref<56x224xf32, #tpu.memory_space<vmem>>
    %dma_start3A_1106 = arith.constant 0 : i32
    %dma_start3A_1107 = tpu.memref_slice %arg2[%add3A_1096, %mul3A_1098, %dma_start3A_1106] : memref<768x224x224xf32, #tpu.memory_space<hbm>> -> memref<1x56x224xf32, #tpu.memory_space<hbm>>
    %dma_start3A_1108 = tpu.memref_squeeze %dma_start3A_1107 : memref<1x56x224xf32, #tpu.memory_space<hbm>> -> memref<56x224xf32, #tpu.memory_space<hbm>>
    %dma_start3A_1109 = arith.constant 0 : i32
    %dma_start3A_1110 = arith.constant 0 : i32
    %dma_start3A_1111 = tpu.memref_slice %arg9[%dma_start3A_1101, %dma_start3A_1109, %dma_start3A_1110] : memref<8x56x224xf32, #tpu.memory_space<vmem>> -> memref<1x56x224xf32, #tpu.memory_space<vmem>>
    %dma_start3A_1112 = tpu.memref_squeeze %dma_start3A_1111 : memref<1x56x224xf32, #tpu.memory_space<vmem>> -> memref<56x224xf32, #tpu.memory_space<vmem>>
    %dma_start3A_1113 = arith.constant 0 : i32
    %dma_start3A_1114 = tpu.memref_slice %arg2[%add3A_1096, %mul3A_1098, %dma_start3A_1113] : memref<768x224x224xf32, #tpu.memory_space<hbm>> -> memref<1x56x224xf32, #tpu.memory_space<hbm>>
    %dma_start3A_1115 = tpu.memref_squeeze %dma_start3A_1114 : memref<1x56x224xf32, #tpu.memory_space<hbm>> -> memref<56x224xf32, #tpu.memory_space<hbm>>
    tpu.enqueue_dma source(%dma_start3A_1115 : memref<56x224xf32, #tpu.memory_space<hbm>>) target(%dma_start3A_1112 : memref<56x224xf32, #tpu.memory_space<vmem>>) target_semaphore(%arg13 : memref<!tpu.dma_semaphore, #tpu.memory_space<semaphore_mem>>)
    %dma_wait3A_1116 = arith.constant 7 : i32
    %dma_wait3A_1117 = arith.constant 0 : i32
    %dma_wait3A_1118 = arith.constant 0 : i32
    %dma_wait3A_1119 = tpu.memref_slice %arg9[%dma_wait3A_1116, %dma_wait3A_1117, %dma_wait3A_1118] : memref<8x56x224xf32, #tpu.memory_space<vmem>> -> memref<1x56x224xf32, #tpu.memory_space<vmem>>
    %dma_wait3A_1120 = tpu.memref_squeeze %dma_wait3A_1119 : memref<1x56x224xf32, #tpu.memory_space<vmem>> -> memref<56x224xf32, #tpu.memory_space<vmem>>
    %dma_wait3A_1121 = arith.constant 0 : i32
    %dma_wait3A_1122 = tpu.memref_slice %arg2[%add3A_584, %mul3A_586, %dma_wait3A_1121] : memref<768x224x224xf32, #tpu.memory_space<hbm>> -> memref<1x56x224xf32, #tpu.memory_space<hbm>>
    %dma_wait3A_1123 = tpu.memref_squeeze %dma_wait3A_1122 : memref<1x56x224xf32, #tpu.memory_space<hbm>> -> memref<56x224xf32, #tpu.memory_space<hbm>>
    %dma_wait3A_1124 = arith.constant 0 : i32
    %dma_wait3A_1125 = arith.constant 0 : i32
    %dma_wait3A_1126 = tpu.memref_slice %arg9[%dma_wait3A_1116, %dma_wait3A_1124, %dma_wait3A_1125] : memref<8x56x224xf32, #tpu.memory_space<vmem>> -> memref<1x56x224xf32, #tpu.memory_space<vmem>>
    %dma_wait3A_1127 = tpu.memref_squeeze %dma_wait3A_1126 : memref<1x56x224xf32, #tpu.memory_space<vmem>> -> memref<56x224xf32, #tpu.memory_space<vmem>>
    %dma_wait3A_1128 = arith.constant 0 : i32
    %dma_wait3A_1129 = tpu.memref_slice %arg2[%add3A_584, %mul3A_586, %dma_wait3A_1128] : memref<768x224x224xf32, #tpu.memory_space<hbm>> -> memref<1x56x224xf32, #tpu.memory_space<hbm>>
    %dma_wait3A_1130 = tpu.memref_squeeze %dma_wait3A_1129 : memref<1x56x224xf32, #tpu.memory_space<hbm>> -> memref<56x224xf32, #tpu.memory_space<hbm>>
    tpu.wait_dma2 semaphore(%arg17 : memref<!tpu.dma_semaphore, #tpu.memory_space<semaphore_mem>>) src(%dma_wait3A_1130 : memref<56x224xf32, #tpu.memory_space<hbm>>) dst(%dma_wait3A_1127 : memref<56x224xf32, #tpu.memory_space<vmem>>)
    %mul3A_1131 = arith.constant 15 : i32
    %mul3A_1132 = arith.muli %add3A, %mul3A_1131 : i32
    %add3A_1133 = arith.constant 7 : i32
    %add3A_1134 = arith.addi %mul3A_1132, %add3A_1133 : i32
    %shift_right_arithmetic3A_1135 = arith.constant 2 : i32
    %shift_right_arithmetic3A_1136 = arith.shrsi %add3A_1134, %shift_right_arithmetic3A_1135 : i32
    %and3A_1137 = arith.constant 3 : i32
    %and3A_1138 = arith.andi %add3A_1134, %and3A_1137 : i32
    %mul3A_1139 = arith.constant 52429 : i32
    %mul3A_1140 = arith.muli %shift_right_arithmetic3A_1136, %mul3A_1139 : i32
    %shift_right_arithmetic3A_1141 = arith.constant 18 : i32
    %shift_right_arithmetic3A_1142 = arith.shrsi %mul3A_1140, %shift_right_arithmetic3A_1141 : i32
    %mul3A_1143 = arith.constant 5 : i32
    %mul3A_1144 = arith.muli %mul3A_1143, %shift_right_arithmetic3A_1142 : i32
    %sub3A_1145 = arith.subi %shift_right_arithmetic3A_1136, %mul3A_1144 : i32
    %eq3A_1146 = arith.constant 1 : i32
    %eq3A_1147 = arith.cmpi eq, %sub3A_1145, %eq3A_1146 : i32
    %select_n3A_1148 = arith.select %eq3A_1147, %squeeze3A, %squeeze3A_10 : i32
    %eq3A_1149 = arith.constant 2 : i32
    %eq3A_1150 = arith.cmpi eq, %sub3A_1145, %eq3A_1149 : i32
    %select_n3A_1151 = arith.select %eq3A_1150, %squeeze3A_15, %select_n3A_1148 : i32
    %eq3A_1152 = arith.constant 3 : i32
    %eq3A_1153 = arith.cmpi eq, %sub3A_1145, %eq3A_1152 : i32
    %select_n3A_1154 = arith.select %eq3A_1153, %squeeze3A_20, %select_n3A_1151 : i32
    %eq3A_1155 = arith.constant 4 : i32
    %eq3A_1156 = arith.cmpi eq, %sub3A_1145, %eq3A_1155 : i32
    %select_n3A_1157 = arith.select %eq3A_1156, %squeeze3A_25, %select_n3A_1154 : i32
    %mul3A_1158 = arith.constant 32 : i32
    %mul3A_1159 = arith.muli %shift_right_arithmetic3A_1142, %mul3A_1158 : i32
    %add3A_1160 = arith.addi %mul3A_1159, %select_n3A_1157 : i32
    %mul3A_1161 = arith.constant 56 : i32
    %mul3A_1162 = arith.muli %and3A_1138, %mul3A_1161 : i32
    %mul3A_1163 = arith.constant 56 : i32
    %mul3A_1164 = arith.muli %and3A_1138, %mul3A_1163 : i32
    %dma_start3A_1165 = arith.constant 7 : i32
    %dma_start3A_1166 = arith.constant 0 : i32
    %dma_start3A_1167 = arith.constant 0 : i32
    %dma_start3A_1168 = tpu.memref_slice %arg9[%dma_start3A_1165, %dma_start3A_1166, %dma_start3A_1167] : memref<8x56x224xf32, #tpu.memory_space<vmem>> -> memref<1x56x224xf32, #tpu.memory_space<vmem>>
    %dma_start3A_1169 = tpu.memref_squeeze %dma_start3A_1168 : memref<1x56x224xf32, #tpu.memory_space<vmem>> -> memref<56x224xf32, #tpu.memory_space<vmem>>
    %dma_start3A_1170 = arith.constant 0 : i32
    %dma_start3A_1171 = tpu.memref_slice %arg8[%shift_right_arithmetic3A_1136, %mul3A_1164, %dma_start3A_1170] : memref<120x224x224xf32, #tpu.memory_space<hbm>> -> memref<1x56x224xf32, #tpu.memory_space<hbm>>
    %dma_start3A_1172 = tpu.memref_squeeze %dma_start3A_1171 : memref<1x56x224xf32, #tpu.memory_space<hbm>> -> memref<56x224xf32, #tpu.memory_space<hbm>>
    %dma_start3A_1173 = arith.constant 0 : i32
    %dma_start3A_1174 = tpu.memref_slice %arg8[%shift_right_arithmetic3A_1136, %mul3A_1164, %dma_start3A_1173] : memref<120x224x224xf32, #tpu.memory_space<hbm>> -> memref<1x56x224xf32, #tpu.memory_space<hbm>>
    %dma_start3A_1175 = tpu.memref_squeeze %dma_start3A_1174 : memref<1x56x224xf32, #tpu.memory_space<hbm>> -> memref<56x224xf32, #tpu.memory_space<hbm>>
    %dma_start3A_1176 = arith.constant 0 : i32
    %dma_start3A_1177 = arith.constant 0 : i32
    %dma_start3A_1178 = tpu.memref_slice %arg9[%dma_start3A_1165, %dma_start3A_1176, %dma_start3A_1177] : memref<8x56x224xf32, #tpu.memory_space<vmem>> -> memref<1x56x224xf32, #tpu.memory_space<vmem>>
    %dma_start3A_1179 = tpu.memref_squeeze %dma_start3A_1178 : memref<1x56x224xf32, #tpu.memory_space<vmem>> -> memref<56x224xf32, #tpu.memory_space<vmem>>
    tpu.enqueue_dma source(%dma_start3A_1179 : memref<56x224xf32, #tpu.memory_space<vmem>>) target(%dma_start3A_1175 : memref<56x224xf32, #tpu.memory_space<hbm>>) target_semaphore(%arg25 : memref<!tpu.dma_semaphore, #tpu.memory_space<semaphore_mem>>)
    %dma_wait3A_1180 = arith.constant 4 : i32
    %dma_wait3A_1181 = arith.constant 0 : i32
    %dma_wait3A_1182 = arith.constant 0 : i32
    %dma_wait3A_1183 = tpu.memref_slice %arg9[%dma_wait3A_1180, %dma_wait3A_1181, %dma_wait3A_1182] : memref<8x56x224xf32, #tpu.memory_space<vmem>> -> memref<1x56x224xf32, #tpu.memory_space<vmem>>
    %dma_wait3A_1184 = tpu.memref_squeeze %dma_wait3A_1183 : memref<1x56x224xf32, #tpu.memory_space<vmem>> -> memref<56x224xf32, #tpu.memory_space<vmem>>
    %dma_wait3A_1185 = arith.constant 0 : i32
    %dma_wait3A_1186 = tpu.memref_slice %arg8[%shift_right_arithmetic3A_752, %mul3A_780, %dma_wait3A_1185] : memref<120x224x224xf32, #tpu.memory_space<hbm>> -> memref<1x56x224xf32, #tpu.memory_space<hbm>>
    %dma_wait3A_1187 = tpu.memref_squeeze %dma_wait3A_1186 : memref<1x56x224xf32, #tpu.memory_space<hbm>> -> memref<56x224xf32, #tpu.memory_space<hbm>>
    %dma_wait3A_1188 = arith.constant 0 : i32
    %dma_wait3A_1189 = tpu.memref_slice %arg8[%shift_right_arithmetic3A_752, %mul3A_780, %dma_wait3A_1188] : memref<120x224x224xf32, #tpu.memory_space<hbm>> -> memref<1x56x224xf32, #tpu.memory_space<hbm>>
    %dma_wait3A_1190 = tpu.memref_squeeze %dma_wait3A_1189 : memref<1x56x224xf32, #tpu.memory_space<hbm>> -> memref<56x224xf32, #tpu.memory_space<hbm>>
    %dma_wait3A_1191 = arith.constant 0 : i32
    %dma_wait3A_1192 = arith.constant 0 : i32
    %dma_wait3A_1193 = tpu.memref_slice %arg9[%dma_wait3A_1180, %dma_wait3A_1191, %dma_wait3A_1192] : memref<8x56x224xf32, #tpu.memory_space<vmem>> -> memref<1x56x224xf32, #tpu.memory_space<vmem>>
    %dma_wait3A_1194 = tpu.memref_squeeze %dma_wait3A_1193 : memref<1x56x224xf32, #tpu.memory_space<vmem>> -> memref<56x224xf32, #tpu.memory_space<vmem>>
    tpu.wait_dma2 semaphore(%arg22 : memref<!tpu.dma_semaphore, #tpu.memory_space<semaphore_mem>>) src(%dma_wait3A_1194 : memref<56x224xf32, #tpu.memory_space<vmem>>) dst(%dma_wait3A_1190 : memref<56x224xf32, #tpu.memory_space<hbm>>)
    %mul3A_1195 = arith.constant 15 : i32
    %mul3A_1196 = arith.muli %add3A, %mul3A_1195 : i32
    %add3A_1197 = arith.constant 12 : i32
    %add3A_1198 = arith.addi %mul3A_1196, %add3A_1197 : i32
    %shift_right_arithmetic3A_1199 = arith.constant 2 : i32
    %shift_right_arithmetic3A_1200 = arith.shrsi %add3A_1198, %shift_right_arithmetic3A_1199 : i32
    %and3A_1201 = arith.constant 3 : i32
    %and3A_1202 = arith.andi %add3A_1198, %and3A_1201 : i32
    %mul3A_1203 = arith.constant 52429 : i32
    %mul3A_1204 = arith.muli %shift_right_arithmetic3A_1200, %mul3A_1203 : i32
    %shift_right_arithmetic3A_1205 = arith.constant 18 : i32
    %shift_right_arithmetic3A_1206 = arith.shrsi %mul3A_1204, %shift_right_arithmetic3A_1205 : i32
    %mul3A_1207 = arith.constant 5 : i32
    %mul3A_1208 = arith.muli %mul3A_1207, %shift_right_arithmetic3A_1206 : i32
    %sub3A_1209 = arith.subi %shift_right_arithmetic3A_1200, %mul3A_1208 : i32
    %eq3A_1210 = arith.constant 1 : i32
    %eq3A_1211 = arith.cmpi eq, %sub3A_1209, %eq3A_1210 : i32
    %select_n3A_1212 = arith.select %eq3A_1211, %squeeze3A, %squeeze3A_10 : i32
    %eq3A_1213 = arith.constant 2 : i32
    %eq3A_1214 = arith.cmpi eq, %sub3A_1209, %eq3A_1213 : i32
    %select_n3A_1215 = arith.select %eq3A_1214, %squeeze3A_15, %select_n3A_1212 : i32
    %eq3A_1216 = arith.constant 3 : i32
    %eq3A_1217 = arith.cmpi eq, %sub3A_1209, %eq3A_1216 : i32
    %select_n3A_1218 = arith.select %eq3A_1217, %squeeze3A_20, %select_n3A_1215 : i32
    %eq3A_1219 = arith.constant 4 : i32
    %eq3A_1220 = arith.cmpi eq, %sub3A_1209, %eq3A_1219 : i32
    %select_n3A_1221 = arith.select %eq3A_1220, %squeeze3A_25, %select_n3A_1218 : i32
    %mul3A_1222 = arith.constant 32 : i32
    %mul3A_1223 = arith.muli %shift_right_arithmetic3A_1206, %mul3A_1222 : i32
    %add3A_1224 = arith.addi %mul3A_1223, %select_n3A_1221 : i32
    %mul3A_1225 = arith.constant 56 : i32
    %mul3A_1226 = arith.muli %and3A_1202, %mul3A_1225 : i32
    %mul3A_1227 = arith.constant 56 : i32
    %mul3A_1228 = arith.muli %and3A_1202, %mul3A_1227 : i32
    %dma_start3A_1229 = arith.constant 4 : i32
    %dma_start3A_1230 = arith.constant 0 : i32
    %dma_start3A_1231 = arith.constant 0 : i32
    %dma_start3A_1232 = tpu.memref_slice %arg9[%dma_start3A_1229, %dma_start3A_1230, %dma_start3A_1231] : memref<8x56x224xf32, #tpu.memory_space<vmem>> -> memref<1x56x224xf32, #tpu.memory_space<vmem>>
    %dma_start3A_1233 = tpu.memref_squeeze %dma_start3A_1232 : memref<1x56x224xf32, #tpu.memory_space<vmem>> -> memref<56x224xf32, #tpu.memory_space<vmem>>
    %dma_start3A_1234 = arith.constant 0 : i32
    %dma_start3A_1235 = tpu.memref_slice %arg2[%add3A_1224, %mul3A_1226, %dma_start3A_1234] : memref<768x224x224xf32, #tpu.memory_space<hbm>> -> memref<1x56x224xf32, #tpu.memory_space<hbm>>
    %dma_start3A_1236 = tpu.memref_squeeze %dma_start3A_1235 : memref<1x56x224xf32, #tpu.memory_space<hbm>> -> memref<56x224xf32, #tpu.memory_space<hbm>>
    %dma_start3A_1237 = arith.constant 0 : i32
    %dma_start3A_1238 = arith.constant 0 : i32
    %dma_start3A_1239 = tpu.memref_slice %arg9[%dma_start3A_1229, %dma_start3A_1237, %dma_start3A_1238] : memref<8x56x224xf32, #tpu.memory_space<vmem>> -> memref<1x56x224xf32, #tpu.memory_space<vmem>>
    %dma_start3A_1240 = tpu.memref_squeeze %dma_start3A_1239 : memref<1x56x224xf32, #tpu.memory_space<vmem>> -> memref<56x224xf32, #tpu.memory_space<vmem>>
    %dma_start3A_1241 = arith.constant 0 : i32
    %dma_start3A_1242 = tpu.memref_slice %arg2[%add3A_1224, %mul3A_1226, %dma_start3A_1241] : memref<768x224x224xf32, #tpu.memory_space<hbm>> -> memref<1x56x224xf32, #tpu.memory_space<hbm>>
    %dma_start3A_1243 = tpu.memref_squeeze %dma_start3A_1242 : memref<1x56x224xf32, #tpu.memory_space<hbm>> -> memref<56x224xf32, #tpu.memory_space<hbm>>
    tpu.enqueue_dma source(%dma_start3A_1243 : memref<56x224xf32, #tpu.memory_space<hbm>>) target(%dma_start3A_1240 : memref<56x224xf32, #tpu.memory_space<vmem>>) target_semaphore(%arg14 : memref<!tpu.dma_semaphore, #tpu.memory_space<semaphore_mem>>)
    %dma_wait3A_1244 = arith.constant 0 : i32
    %dma_wait3A_1245 = arith.constant 0 : i32
    %dma_wait3A_1246 = arith.constant 0 : i32
    %dma_wait3A_1247 = tpu.memref_slice %arg9[%dma_wait3A_1244, %dma_wait3A_1245, %dma_wait3A_1246] : memref<8x56x224xf32, #tpu.memory_space<vmem>> -> memref<1x56x224xf32, #tpu.memory_space<vmem>>
    %dma_wait3A_1248 = tpu.memref_squeeze %dma_wait3A_1247 : memref<1x56x224xf32, #tpu.memory_space<vmem>> -> memref<56x224xf32, #tpu.memory_space<vmem>>
    %dma_wait3A_1249 = arith.constant 0 : i32
    %dma_wait3A_1250 = tpu.memref_slice %arg2[%add3A_712, %mul3A_714, %dma_wait3A_1249] : memref<768x224x224xf32, #tpu.memory_space<hbm>> -> memref<1x56x224xf32, #tpu.memory_space<hbm>>
    %dma_wait3A_1251 = tpu.memref_squeeze %dma_wait3A_1250 : memref<1x56x224xf32, #tpu.memory_space<hbm>> -> memref<56x224xf32, #tpu.memory_space<hbm>>
    %dma_wait3A_1252 = arith.constant 0 : i32
    %dma_wait3A_1253 = arith.constant 0 : i32
    %dma_wait3A_1254 = tpu.memref_slice %arg9[%dma_wait3A_1244, %dma_wait3A_1252, %dma_wait3A_1253] : memref<8x56x224xf32, #tpu.memory_space<vmem>> -> memref<1x56x224xf32, #tpu.memory_space<vmem>>
    %dma_wait3A_1255 = tpu.memref_squeeze %dma_wait3A_1254 : memref<1x56x224xf32, #tpu.memory_space<vmem>> -> memref<56x224xf32, #tpu.memory_space<vmem>>
    %dma_wait3A_1256 = arith.constant 0 : i32
    %dma_wait3A_1257 = tpu.memref_slice %arg2[%add3A_712, %mul3A_714, %dma_wait3A_1256] : memref<768x224x224xf32, #tpu.memory_space<hbm>> -> memref<1x56x224xf32, #tpu.memory_space<hbm>>
    %dma_wait3A_1258 = tpu.memref_squeeze %dma_wait3A_1257 : memref<1x56x224xf32, #tpu.memory_space<hbm>> -> memref<56x224xf32, #tpu.memory_space<hbm>>
    tpu.wait_dma2 semaphore(%arg10 : memref<!tpu.dma_semaphore, #tpu.memory_space<semaphore_mem>>) src(%dma_wait3A_1258 : memref<56x224xf32, #tpu.memory_space<hbm>>) dst(%dma_wait3A_1255 : memref<56x224xf32, #tpu.memory_space<vmem>>)
    %mul3A_1259 = arith.constant 15 : i32
    %mul3A_1260 = arith.muli %add3A, %mul3A_1259 : i32
    %add3A_1261 = arith.constant 8 : i32
    %add3A_1262 = arith.addi %mul3A_1260, %add3A_1261 : i32
    %shift_right_arithmetic3A_1263 = arith.constant 2 : i32
    %shift_right_arithmetic3A_1264 = arith.shrsi %add3A_1262, %shift_right_arithmetic3A_1263 : i32
    %and3A_1265 = arith.constant 3 : i32
    %and3A_1266 = arith.andi %add3A_1262, %and3A_1265 : i32
    %mul3A_1267 = arith.constant 52429 : i32
    %mul3A_1268 = arith.muli %shift_right_arithmetic3A_1264, %mul3A_1267 : i32
    %shift_right_arithmetic3A_1269 = arith.constant 18 : i32
    %shift_right_arithmetic3A_1270 = arith.shrsi %mul3A_1268, %shift_right_arithmetic3A_1269 : i32
    %mul3A_1271 = arith.constant 5 : i32
    %mul3A_1272 = arith.muli %mul3A_1271, %shift_right_arithmetic3A_1270 : i32
    %sub3A_1273 = arith.subi %shift_right_arithmetic3A_1264, %mul3A_1272 : i32
    %eq3A_1274 = arith.constant 1 : i32
    %eq3A_1275 = arith.cmpi eq, %sub3A_1273, %eq3A_1274 : i32
    %select_n3A_1276 = arith.select %eq3A_1275, %squeeze3A, %squeeze3A_10 : i32
    %eq3A_1277 = arith.constant 2 : i32
    %eq3A_1278 = arith.cmpi eq, %sub3A_1273, %eq3A_1277 : i32
    %select_n3A_1279 = arith.select %eq3A_1278, %squeeze3A_15, %select_n3A_1276 : i32
    %eq3A_1280 = arith.constant 3 : i32
    %eq3A_1281 = arith.cmpi eq, %sub3A_1273, %eq3A_1280 : i32
    %select_n3A_1282 = arith.select %eq3A_1281, %squeeze3A_20, %select_n3A_1279 : i32
    %eq3A_1283 = arith.constant 4 : i32
    %eq3A_1284 = arith.cmpi eq, %sub3A_1273, %eq3A_1283 : i32
    %select_n3A_1285 = arith.select %eq3A_1284, %squeeze3A_25, %select_n3A_1282 : i32
    %mul3A_1286 = arith.constant 32 : i32
    %mul3A_1287 = arith.muli %shift_right_arithmetic3A_1270, %mul3A_1286 : i32
    %add3A_1288 = arith.addi %mul3A_1287, %select_n3A_1285 : i32
    %mul3A_1289 = arith.constant 56 : i32
    %mul3A_1290 = arith.muli %and3A_1266, %mul3A_1289 : i32
    %mul3A_1291 = arith.constant 56 : i32
    %mul3A_1292 = arith.muli %and3A_1266, %mul3A_1291 : i32
    %dma_start3A_1293 = arith.constant 0 : i32
    %dma_start3A_1294 = arith.constant 0 : i32
    %dma_start3A_1295 = arith.constant 0 : i32
    %dma_start3A_1296 = tpu.memref_slice %arg9[%dma_start3A_1293, %dma_start3A_1294, %dma_start3A_1295] : memref<8x56x224xf32, #tpu.memory_space<vmem>> -> memref<1x56x224xf32, #tpu.memory_space<vmem>>
    %dma_start3A_1297 = tpu.memref_squeeze %dma_start3A_1296 : memref<1x56x224xf32, #tpu.memory_space<vmem>> -> memref<56x224xf32, #tpu.memory_space<vmem>>
    %dma_start3A_1298 = arith.constant 0 : i32
    %dma_start3A_1299 = tpu.memref_slice %arg8[%shift_right_arithmetic3A_1264, %mul3A_1292, %dma_start3A_1298] : memref<120x224x224xf32, #tpu.memory_space<hbm>> -> memref<1x56x224xf32, #tpu.memory_space<hbm>>
    %dma_start3A_1300 = tpu.memref_squeeze %dma_start3A_1299 : memref<1x56x224xf32, #tpu.memory_space<hbm>> -> memref<56x224xf32, #tpu.memory_space<hbm>>
    %dma_start3A_1301 = arith.constant 0 : i32
    %dma_start3A_1302 = tpu.memref_slice %arg8[%shift_right_arithmetic3A_1264, %mul3A_1292, %dma_start3A_1301] : memref<120x224x224xf32, #tpu.memory_space<hbm>> -> memref<1x56x224xf32, #tpu.memory_space<hbm>>
    %dma_start3A_1303 = tpu.memref_squeeze %dma_start3A_1302 : memref<1x56x224xf32, #tpu.memory_space<hbm>> -> memref<56x224xf32, #tpu.memory_space<hbm>>
    %dma_start3A_1304 = arith.constant 0 : i32
    %dma_start3A_1305 = arith.constant 0 : i32
    %dma_start3A_1306 = tpu.memref_slice %arg9[%dma_start3A_1293, %dma_start3A_1304, %dma_start3A_1305] : memref<8x56x224xf32, #tpu.memory_space<vmem>> -> memref<1x56x224xf32, #tpu.memory_space<vmem>>
    %dma_start3A_1307 = tpu.memref_squeeze %dma_start3A_1306 : memref<1x56x224xf32, #tpu.memory_space<vmem>> -> memref<56x224xf32, #tpu.memory_space<vmem>>
    tpu.enqueue_dma source(%dma_start3A_1307 : memref<56x224xf32, #tpu.memory_space<vmem>>) target(%dma_start3A_1303 : memref<56x224xf32, #tpu.memory_space<hbm>>) target_semaphore(%arg18 : memref<!tpu.dma_semaphore, #tpu.memory_space<semaphore_mem>>)
    %dma_wait3A_1308 = arith.constant 5 : i32
    %dma_wait3A_1309 = arith.constant 0 : i32
    %dma_wait3A_1310 = arith.constant 0 : i32
    %dma_wait3A_1311 = tpu.memref_slice %arg9[%dma_wait3A_1308, %dma_wait3A_1309, %dma_wait3A_1310] : memref<8x56x224xf32, #tpu.memory_space<vmem>> -> memref<1x56x224xf32, #tpu.memory_space<vmem>>
    %dma_wait3A_1312 = tpu.memref_squeeze %dma_wait3A_1311 : memref<1x56x224xf32, #tpu.memory_space<vmem>> -> memref<56x224xf32, #tpu.memory_space<vmem>>
    %dma_wait3A_1313 = arith.constant 0 : i32
    %dma_wait3A_1314 = tpu.memref_slice %arg8[%shift_right_arithmetic3A_880, %mul3A_908, %dma_wait3A_1313] : memref<120x224x224xf32, #tpu.memory_space<hbm>> -> memref<1x56x224xf32, #tpu.memory_space<hbm>>
    %dma_wait3A_1315 = tpu.memref_squeeze %dma_wait3A_1314 : memref<1x56x224xf32, #tpu.memory_space<hbm>> -> memref<56x224xf32, #tpu.memory_space<hbm>>
    %dma_wait3A_1316 = arith.constant 0 : i32
    %dma_wait3A_1317 = tpu.memref_slice %arg8[%shift_right_arithmetic3A_880, %mul3A_908, %dma_wait3A_1316] : memref<120x224x224xf32, #tpu.memory_space<hbm>> -> memref<1x56x224xf32, #tpu.memory_space<hbm>>
    %dma_wait3A_1318 = tpu.memref_squeeze %dma_wait3A_1317 : memref<1x56x224xf32, #tpu.memory_space<hbm>> -> memref<56x224xf32, #tpu.memory_space<hbm>>
    %dma_wait3A_1319 = arith.constant 0 : i32
    %dma_wait3A_1320 = arith.constant 0 : i32
    %dma_wait3A_1321 = tpu.memref_slice %arg9[%dma_wait3A_1308, %dma_wait3A_1319, %dma_wait3A_1320] : memref<8x56x224xf32, #tpu.memory_space<vmem>> -> memref<1x56x224xf32, #tpu.memory_space<vmem>>
    %dma_wait3A_1322 = tpu.memref_squeeze %dma_wait3A_1321 : memref<1x56x224xf32, #tpu.memory_space<vmem>> -> memref<56x224xf32, #tpu.memory_space<vmem>>
    tpu.wait_dma2 semaphore(%arg23 : memref<!tpu.dma_semaphore, #tpu.memory_space<semaphore_mem>>) src(%dma_wait3A_1322 : memref<56x224xf32, #tpu.memory_space<vmem>>) dst(%dma_wait3A_1318 : memref<56x224xf32, #tpu.memory_space<hbm>>)
    %mul3A_1323 = arith.constant 15 : i32
    %mul3A_1324 = arith.muli %add3A, %mul3A_1323 : i32
    %add3A_1325 = arith.constant 13 : i32
    %add3A_1326 = arith.addi %mul3A_1324, %add3A_1325 : i32
    %shift_right_arithmetic3A_1327 = arith.constant 2 : i32
    %shift_right_arithmetic3A_1328 = arith.shrsi %add3A_1326, %shift_right_arithmetic3A_1327 : i32
    %and3A_1329 = arith.constant 3 : i32
    %and3A_1330 = arith.andi %add3A_1326, %and3A_1329 : i32
    %mul3A_1331 = arith.constant 52429 : i32
    %mul3A_1332 = arith.muli %shift_right_arithmetic3A_1328, %mul3A_1331 : i32
    %shift_right_arithmetic3A_1333 = arith.constant 18 : i32
    %shift_right_arithmetic3A_1334 = arith.shrsi %mul3A_1332, %shift_right_arithmetic3A_1333 : i32
    %mul3A_1335 = arith.constant 5 : i32
    %mul3A_1336 = arith.muli %mul3A_1335, %shift_right_arithmetic3A_1334 : i32
    %sub3A_1337 = arith.subi %shift_right_arithmetic3A_1328, %mul3A_1336 : i32
    %eq3A_1338 = arith.constant 1 : i32
    %eq3A_1339 = arith.cmpi eq, %sub3A_1337, %eq3A_1338 : i32
    %select_n3A_1340 = arith.select %eq3A_1339, %squeeze3A, %squeeze3A_10 : i32
    %eq3A_1341 = arith.constant 2 : i32
    %eq3A_1342 = arith.cmpi eq, %sub3A_1337, %eq3A_1341 : i32
    %select_n3A_1343 = arith.select %eq3A_1342, %squeeze3A_15, %select_n3A_1340 : i32
    %eq3A_1344 = arith.constant 3 : i32
    %eq3A_1345 = arith.cmpi eq, %sub3A_1337, %eq3A_1344 : i32
    %select_n3A_1346 = arith.select %eq3A_1345, %squeeze3A_20, %select_n3A_1343 : i32
    %eq3A_1347 = arith.constant 4 : i32
    %eq3A_1348 = arith.cmpi eq, %sub3A_1337, %eq3A_1347 : i32
    %select_n3A_1349 = arith.select %eq3A_1348, %squeeze3A_25, %select_n3A_1346 : i32
    %mul3A_1350 = arith.constant 32 : i32
    %mul3A_1351 = arith.muli %shift_right_arithmetic3A_1334, %mul3A_1350 : i32
    %add3A_1352 = arith.addi %mul3A_1351, %select_n3A_1349 : i32
    %mul3A_1353 = arith.constant 56 : i32
    %mul3A_1354 = arith.muli %and3A_1330, %mul3A_1353 : i32
    %mul3A_1355 = arith.constant 56 : i32
    %mul3A_1356 = arith.muli %and3A_1330, %mul3A_1355 : i32
    %dma_start3A_1357 = arith.constant 5 : i32
    %dma_start3A_1358 = arith.constant 0 : i32
    %dma_start3A_1359 = arith.constant 0 : i32
    %dma_start3A_1360 = tpu.memref_slice %arg9[%dma_start3A_1357, %dma_start3A_1358, %dma_start3A_1359] : memref<8x56x224xf32, #tpu.memory_space<vmem>> -> memref<1x56x224xf32, #tpu.memory_space<vmem>>
    %dma_start3A_1361 = tpu.memref_squeeze %dma_start3A_1360 : memref<1x56x224xf32, #tpu.memory_space<vmem>> -> memref<56x224xf32, #tpu.memory_space<vmem>>
    %dma_start3A_1362 = arith.constant 0 : i32
    %dma_start3A_1363 = tpu.memref_slice %arg2[%add3A_1352, %mul3A_1354, %dma_start3A_1362] : memref<768x224x224xf32, #tpu.memory_space<hbm>> -> memref<1x56x224xf32, #tpu.memory_space<hbm>>
    %dma_start3A_1364 = tpu.memref_squeeze %dma_start3A_1363 : memref<1x56x224xf32, #tpu.memory_space<hbm>> -> memref<56x224xf32, #tpu.memory_space<hbm>>
    %dma_start3A_1365 = arith.constant 0 : i32
    %dma_start3A_1366 = arith.constant 0 : i32
    %dma_start3A_1367 = tpu.memref_slice %arg9[%dma_start3A_1357, %dma_start3A_1365, %dma_start3A_1366] : memref<8x56x224xf32, #tpu.memory_space<vmem>> -> memref<1x56x224xf32, #tpu.memory_space<vmem>>
    %dma_start3A_1368 = tpu.memref_squeeze %dma_start3A_1367 : memref<1x56x224xf32, #tpu.memory_space<vmem>> -> memref<56x224xf32, #tpu.memory_space<vmem>>
    %dma_start3A_1369 = arith.constant 0 : i32
    %dma_start3A_1370 = tpu.memref_slice %arg2[%add3A_1352, %mul3A_1354, %dma_start3A_1369] : memref<768x224x224xf32, #tpu.memory_space<hbm>> -> memref<1x56x224xf32, #tpu.memory_space<hbm>>
    %dma_start3A_1371 = tpu.memref_squeeze %dma_start3A_1370 : memref<1x56x224xf32, #tpu.memory_space<hbm>> -> memref<56x224xf32, #tpu.memory_space<hbm>>
    tpu.enqueue_dma source(%dma_start3A_1371 : memref<56x224xf32, #tpu.memory_space<hbm>>) target(%dma_start3A_1368 : memref<56x224xf32, #tpu.memory_space<vmem>>) target_semaphore(%arg15 : memref<!tpu.dma_semaphore, #tpu.memory_space<semaphore_mem>>)
    %dma_wait3A_1372 = arith.constant 1 : i32
    %dma_wait3A_1373 = arith.constant 0 : i32
    %dma_wait3A_1374 = arith.constant 0 : i32
    %dma_wait3A_1375 = tpu.memref_slice %arg9[%dma_wait3A_1372, %dma_wait3A_1373, %dma_wait3A_1374] : memref<8x56x224xf32, #tpu.memory_space<vmem>> -> memref<1x56x224xf32, #tpu.memory_space<vmem>>
    %dma_wait3A_1376 = tpu.memref_squeeze %dma_wait3A_1375 : memref<1x56x224xf32, #tpu.memory_space<vmem>> -> memref<56x224xf32, #tpu.memory_space<vmem>>
    %dma_wait3A_1377 = arith.constant 0 : i32
    %dma_wait3A_1378 = tpu.memref_slice %arg2[%add3A_840, %mul3A_842, %dma_wait3A_1377] : memref<768x224x224xf32, #tpu.memory_space<hbm>> -> memref<1x56x224xf32, #tpu.memory_space<hbm>>
    %dma_wait3A_1379 = tpu.memref_squeeze %dma_wait3A_1378 : memref<1x56x224xf32, #tpu.memory_space<hbm>> -> memref<56x224xf32, #tpu.memory_space<hbm>>
    %dma_wait3A_1380 = arith.constant 0 : i32
    %dma_wait3A_1381 = arith.constant 0 : i32
    %dma_wait3A_1382 = tpu.memref_slice %arg9[%dma_wait3A_1372, %dma_wait3A_1380, %dma_wait3A_1381] : memref<8x56x224xf32, #tpu.memory_space<vmem>> -> memref<1x56x224xf32, #tpu.memory_space<vmem>>
    %dma_wait3A_1383 = tpu.memref_squeeze %dma_wait3A_1382 : memref<1x56x224xf32, #tpu.memory_space<vmem>> -> memref<56x224xf32, #tpu.memory_space<vmem>>
    %dma_wait3A_1384 = arith.constant 0 : i32
    %dma_wait3A_1385 = tpu.memref_slice %arg2[%add3A_840, %mul3A_842, %dma_wait3A_1384] : memref<768x224x224xf32, #tpu.memory_space<hbm>> -> memref<1x56x224xf32, #tpu.memory_space<hbm>>
    %dma_wait3A_1386 = tpu.memref_squeeze %dma_wait3A_1385 : memref<1x56x224xf32, #tpu.memory_space<hbm>> -> memref<56x224xf32, #tpu.memory_space<hbm>>
    tpu.wait_dma2 semaphore(%arg11 : memref<!tpu.dma_semaphore, #tpu.memory_space<semaphore_mem>>) src(%dma_wait3A_1386 : memref<56x224xf32, #tpu.memory_space<hbm>>) dst(%dma_wait3A_1383 : memref<56x224xf32, #tpu.memory_space<vmem>>)
    %mul3A_1387 = arith.constant 15 : i32
    %mul3A_1388 = arith.muli %add3A, %mul3A_1387 : i32
    %add3A_1389 = arith.constant 9 : i32
    %add3A_1390 = arith.addi %mul3A_1388, %add3A_1389 : i32
    %shift_right_arithmetic3A_1391 = arith.constant 2 : i32
    %shift_right_arithmetic3A_1392 = arith.shrsi %add3A_1390, %shift_right_arithmetic3A_1391 : i32
    %and3A_1393 = arith.constant 3 : i32
    %and3A_1394 = arith.andi %add3A_1390, %and3A_1393 : i32
    %mul3A_1395 = arith.constant 52429 : i32
    %mul3A_1396 = arith.muli %shift_right_arithmetic3A_1392, %mul3A_1395 : i32
    %shift_right_arithmetic3A_1397 = arith.constant 18 : i32
    %shift_right_arithmetic3A_1398 = arith.shrsi %mul3A_1396, %shift_right_arithmetic3A_1397 : i32
    %mul3A_1399 = arith.constant 5 : i32
    %mul3A_1400 = arith.muli %mul3A_1399, %shift_right_arithmetic3A_1398 : i32
    %sub3A_1401 = arith.subi %shift_right_arithmetic3A_1392, %mul3A_1400 : i32
    %eq3A_1402 = arith.constant 1 : i32
    %eq3A_1403 = arith.cmpi eq, %sub3A_1401, %eq3A_1402 : i32
    %select_n3A_1404 = arith.select %eq3A_1403, %squeeze3A, %squeeze3A_10 : i32
    %eq3A_1405 = arith.constant 2 : i32
    %eq3A_1406 = arith.cmpi eq, %sub3A_1401, %eq3A_1405 : i32
    %select_n3A_1407 = arith.select %eq3A_1406, %squeeze3A_15, %select_n3A_1404 : i32
    %eq3A_1408 = arith.constant 3 : i32
    %eq3A_1409 = arith.cmpi eq, %sub3A_1401, %eq3A_1408 : i32
    %select_n3A_1410 = arith.select %eq3A_1409, %squeeze3A_20, %select_n3A_1407 : i32
    %eq3A_1411 = arith.constant 4 : i32
    %eq3A_1412 = arith.cmpi eq, %sub3A_1401, %eq3A_1411 : i32
    %select_n3A_1413 = arith.select %eq3A_1412, %squeeze3A_25, %select_n3A_1410 : i32
    %mul3A_1414 = arith.constant 32 : i32
    %mul3A_1415 = arith.muli %shift_right_arithmetic3A_1398, %mul3A_1414 : i32
    %add3A_1416 = arith.addi %mul3A_1415, %select_n3A_1413 : i32
    %mul3A_1417 = arith.constant 56 : i32
    %mul3A_1418 = arith.muli %and3A_1394, %mul3A_1417 : i32
    %mul3A_1419 = arith.constant 56 : i32
    %mul3A_1420 = arith.muli %and3A_1394, %mul3A_1419 : i32
    %dma_start3A_1421 = arith.constant 1 : i32
    %dma_start3A_1422 = arith.constant 0 : i32
    %dma_start3A_1423 = arith.constant 0 : i32
    %dma_start3A_1424 = tpu.memref_slice %arg9[%dma_start3A_1421, %dma_start3A_1422, %dma_start3A_1423] : memref<8x56x224xf32, #tpu.memory_space<vmem>> -> memref<1x56x224xf32, #tpu.memory_space<vmem>>
    %dma_start3A_1425 = tpu.memref_squeeze %dma_start3A_1424 : memref<1x56x224xf32, #tpu.memory_space<vmem>> -> memref<56x224xf32, #tpu.memory_space<vmem>>
    %dma_start3A_1426 = arith.constant 0 : i32
    %dma_start3A_1427 = tpu.memref_slice %arg8[%shift_right_arithmetic3A_1392, %mul3A_1420, %dma_start3A_1426] : memref<120x224x224xf32, #tpu.memory_space<hbm>> -> memref<1x56x224xf32, #tpu.memory_space<hbm>>
    %dma_start3A_1428 = tpu.memref_squeeze %dma_start3A_1427 : memref<1x56x224xf32, #tpu.memory_space<hbm>> -> memref<56x224xf32, #tpu.memory_space<hbm>>
    %dma_start3A_1429 = arith.constant 0 : i32
    %dma_start3A_1430 = tpu.memref_slice %arg8[%shift_right_arithmetic3A_1392, %mul3A_1420, %dma_start3A_1429] : memref<120x224x224xf32, #tpu.memory_space<hbm>> -> memref<1x56x224xf32, #tpu.memory_space<hbm>>
    %dma_start3A_1431 = tpu.memref_squeeze %dma_start3A_1430 : memref<1x56x224xf32, #tpu.memory_space<hbm>> -> memref<56x224xf32, #tpu.memory_space<hbm>>
    %dma_start3A_1432 = arith.constant 0 : i32
    %dma_start3A_1433 = arith.constant 0 : i32
    %dma_start3A_1434 = tpu.memref_slice %arg9[%dma_start3A_1421, %dma_start3A_1432, %dma_start3A_1433] : memref<8x56x224xf32, #tpu.memory_space<vmem>> -> memref<1x56x224xf32, #tpu.memory_space<vmem>>
    %dma_start3A_1435 = tpu.memref_squeeze %dma_start3A_1434 : memref<1x56x224xf32, #tpu.memory_space<vmem>> -> memref<56x224xf32, #tpu.memory_space<vmem>>
    tpu.enqueue_dma source(%dma_start3A_1435 : memref<56x224xf32, #tpu.memory_space<vmem>>) target(%dma_start3A_1431 : memref<56x224xf32, #tpu.memory_space<hbm>>) target_semaphore(%arg19 : memref<!tpu.dma_semaphore, #tpu.memory_space<semaphore_mem>>)
    %dma_wait3A_1436 = arith.constant 6 : i32
    %dma_wait3A_1437 = arith.constant 0 : i32
    %dma_wait3A_1438 = arith.constant 0 : i32
    %dma_wait3A_1439 = tpu.memref_slice %arg9[%dma_wait3A_1436, %dma_wait3A_1437, %dma_wait3A_1438] : memref<8x56x224xf32, #tpu.memory_space<vmem>> -> memref<1x56x224xf32, #tpu.memory_space<vmem>>
    %dma_wait3A_1440 = tpu.memref_squeeze %dma_wait3A_1439 : memref<1x56x224xf32, #tpu.memory_space<vmem>> -> memref<56x224xf32, #tpu.memory_space<vmem>>
    %dma_wait3A_1441 = arith.constant 0 : i32
    %dma_wait3A_1442 = tpu.memref_slice %arg8[%shift_right_arithmetic3A_1008, %mul3A_1036, %dma_wait3A_1441] : memref<120x224x224xf32, #tpu.memory_space<hbm>> -> memref<1x56x224xf32, #tpu.memory_space<hbm>>
    %dma_wait3A_1443 = tpu.memref_squeeze %dma_wait3A_1442 : memref<1x56x224xf32, #tpu.memory_space<hbm>> -> memref<56x224xf32, #tpu.memory_space<hbm>>
    %dma_wait3A_1444 = arith.constant 0 : i32
    %dma_wait3A_1445 = tpu.memref_slice %arg8[%shift_right_arithmetic3A_1008, %mul3A_1036, %dma_wait3A_1444] : memref<120x224x224xf32, #tpu.memory_space<hbm>> -> memref<1x56x224xf32, #tpu.memory_space<hbm>>
    %dma_wait3A_1446 = tpu.memref_squeeze %dma_wait3A_1445 : memref<1x56x224xf32, #tpu.memory_space<hbm>> -> memref<56x224xf32, #tpu.memory_space<hbm>>
    %dma_wait3A_1447 = arith.constant 0 : i32
    %dma_wait3A_1448 = arith.constant 0 : i32
    %dma_wait3A_1449 = tpu.memref_slice %arg9[%dma_wait3A_1436, %dma_wait3A_1447, %dma_wait3A_1448] : memref<8x56x224xf32, #tpu.memory_space<vmem>> -> memref<1x56x224xf32, #tpu.memory_space<vmem>>
    %dma_wait3A_1450 = tpu.memref_squeeze %dma_wait3A_1449 : memref<1x56x224xf32, #tpu.memory_space<vmem>> -> memref<56x224xf32, #tpu.memory_space<vmem>>
    tpu.wait_dma2 semaphore(%arg24 : memref<!tpu.dma_semaphore, #tpu.memory_space<semaphore_mem>>) src(%dma_wait3A_1450 : memref<56x224xf32, #tpu.memory_space<vmem>>) dst(%dma_wait3A_1446 : memref<56x224xf32, #tpu.memory_space<hbm>>)
    %mul3A_1451 = arith.constant 15 : i32
    %mul3A_1452 = arith.muli %add3A, %mul3A_1451 : i32
    %add3A_1453 = arith.constant 14 : i32
    %add3A_1454 = arith.addi %mul3A_1452, %add3A_1453 : i32
    %shift_right_arithmetic3A_1455 = arith.constant 2 : i32
    %shift_right_arithmetic3A_1456 = arith.shrsi %add3A_1454, %shift_right_arithmetic3A_1455 : i32
    %and3A_1457 = arith.constant 3 : i32
    %and3A_1458 = arith.andi %add3A_1454, %and3A_1457 : i32
    %mul3A_1459 = arith.constant 52429 : i32
    %mul3A_1460 = arith.muli %shift_right_arithmetic3A_1456, %mul3A_1459 : i32
    %shift_right_arithmetic3A_1461 = arith.constant 18 : i32
    %shift_right_arithmetic3A_1462 = arith.shrsi %mul3A_1460, %shift_right_arithmetic3A_1461 : i32
    %mul3A_1463 = arith.constant 5 : i32
    %mul3A_1464 = arith.muli %mul3A_1463, %shift_right_arithmetic3A_1462 : i32
    %sub3A_1465 = arith.subi %shift_right_arithmetic3A_1456, %mul3A_1464 : i32
    %eq3A_1466 = arith.constant 1 : i32
    %eq3A_1467 = arith.cmpi eq, %sub3A_1465, %eq3A_1466 : i32
    %select_n3A_1468 = arith.select %eq3A_1467, %squeeze3A, %squeeze3A_10 : i32
    %eq3A_1469 = arith.constant 2 : i32
    %eq3A_1470 = arith.cmpi eq, %sub3A_1465, %eq3A_1469 : i32
    %select_n3A_1471 = arith.select %eq3A_1470, %squeeze3A_15, %select_n3A_1468 : i32
    %eq3A_1472 = arith.constant 3 : i32
    %eq3A_1473 = arith.cmpi eq, %sub3A_1465, %eq3A_1472 : i32
    %select_n3A_1474 = arith.select %eq3A_1473, %squeeze3A_20, %select_n3A_1471 : i32
    %eq3A_1475 = arith.constant 4 : i32
    %eq3A_1476 = arith.cmpi eq, %sub3A_1465, %eq3A_1475 : i32
    %select_n3A_1477 = arith.select %eq3A_1476, %squeeze3A_25, %select_n3A_1474 : i32
    %mul3A_1478 = arith.constant 32 : i32
    %mul3A_1479 = arith.muli %shift_right_arithmetic3A_1462, %mul3A_1478 : i32
    %add3A_1480 = arith.addi %mul3A_1479, %select_n3A_1477 : i32
    %mul3A_1481 = arith.constant 56 : i32
    %mul3A_1482 = arith.muli %and3A_1458, %mul3A_1481 : i32
    %mul3A_1483 = arith.constant 56 : i32
    %mul3A_1484 = arith.muli %and3A_1458, %mul3A_1483 : i32
    %dma_start3A_1485 = arith.constant 6 : i32
    %dma_start3A_1486 = arith.constant 0 : i32
    %dma_start3A_1487 = arith.constant 0 : i32
    %dma_start3A_1488 = tpu.memref_slice %arg9[%dma_start3A_1485, %dma_start3A_1486, %dma_start3A_1487] : memref<8x56x224xf32, #tpu.memory_space<vmem>> -> memref<1x56x224xf32, #tpu.memory_space<vmem>>
    %dma_start3A_1489 = tpu.memref_squeeze %dma_start3A_1488 : memref<1x56x224xf32, #tpu.memory_space<vmem>> -> memref<56x224xf32, #tpu.memory_space<vmem>>
    %dma_start3A_1490 = arith.constant 0 : i32
    %dma_start3A_1491 = tpu.memref_slice %arg2[%add3A_1480, %mul3A_1482, %dma_start3A_1490] : memref<768x224x224xf32, #tpu.memory_space<hbm>> -> memref<1x56x224xf32, #tpu.memory_space<hbm>>
    %dma_start3A_1492 = tpu.memref_squeeze %dma_start3A_1491 : memref<1x56x224xf32, #tpu.memory_space<hbm>> -> memref<56x224xf32, #tpu.memory_space<hbm>>
    %dma_start3A_1493 = arith.constant 0 : i32
    %dma_start3A_1494 = arith.constant 0 : i32
    %dma_start3A_1495 = tpu.memref_slice %arg9[%dma_start3A_1485, %dma_start3A_1493, %dma_start3A_1494] : memref<8x56x224xf32, #tpu.memory_space<vmem>> -> memref<1x56x224xf32, #tpu.memory_space<vmem>>
    %dma_start3A_1496 = tpu.memref_squeeze %dma_start3A_1495 : memref<1x56x224xf32, #tpu.memory_space<vmem>> -> memref<56x224xf32, #tpu.memory_space<vmem>>
    %dma_start3A_1497 = arith.constant 0 : i32
    %dma_start3A_1498 = tpu.memref_slice %arg2[%add3A_1480, %mul3A_1482, %dma_start3A_1497] : memref<768x224x224xf32, #tpu.memory_space<hbm>> -> memref<1x56x224xf32, #tpu.memory_space<hbm>>
    %dma_start3A_1499 = tpu.memref_squeeze %dma_start3A_1498 : memref<1x56x224xf32, #tpu.memory_space<hbm>> -> memref<56x224xf32, #tpu.memory_space<hbm>>
    tpu.enqueue_dma source(%dma_start3A_1499 : memref<56x224xf32, #tpu.memory_space<hbm>>) target(%dma_start3A_1496 : memref<56x224xf32, #tpu.memory_space<vmem>>) target_semaphore(%arg16 : memref<!tpu.dma_semaphore, #tpu.memory_space<semaphore_mem>>)
    %dma_wait3A_1500 = arith.constant 2 : i32
    %dma_wait3A_1501 = arith.constant 0 : i32
    %dma_wait3A_1502 = arith.constant 0 : i32
    %dma_wait3A_1503 = tpu.memref_slice %arg9[%dma_wait3A_1500, %dma_wait3A_1501, %dma_wait3A_1502] : memref<8x56x224xf32, #tpu.memory_space<vmem>> -> memref<1x56x224xf32, #tpu.memory_space<vmem>>
    %dma_wait3A_1504 = tpu.memref_squeeze %dma_wait3A_1503 : memref<1x56x224xf32, #tpu.memory_space<vmem>> -> memref<56x224xf32, #tpu.memory_space<vmem>>
    %dma_wait3A_1505 = arith.constant 0 : i32
    %dma_wait3A_1506 = tpu.memref_slice %arg2[%add3A_968, %mul3A_970, %dma_wait3A_1505] : memref<768x224x224xf32, #tpu.memory_space<hbm>> -> memref<1x56x224xf32, #tpu.memory_space<hbm>>
    %dma_wait3A_1507 = tpu.memref_squeeze %dma_wait3A_1506 : memref<1x56x224xf32, #tpu.memory_space<hbm>> -> memref<56x224xf32, #tpu.memory_space<hbm>>
    %dma_wait3A_1508 = arith.constant 0 : i32
    %dma_wait3A_1509 = arith.constant 0 : i32
    %dma_wait3A_1510 = tpu.memref_slice %arg9[%dma_wait3A_1500, %dma_wait3A_1508, %dma_wait3A_1509] : memref<8x56x224xf32, #tpu.memory_space<vmem>> -> memref<1x56x224xf32, #tpu.memory_space<vmem>>
    %dma_wait3A_1511 = tpu.memref_squeeze %dma_wait3A_1510 : memref<1x56x224xf32, #tpu.memory_space<vmem>> -> memref<56x224xf32, #tpu.memory_space<vmem>>
    %dma_wait3A_1512 = arith.constant 0 : i32
    %dma_wait3A_1513 = tpu.memref_slice %arg2[%add3A_968, %mul3A_970, %dma_wait3A_1512] : memref<768x224x224xf32, #tpu.memory_space<hbm>> -> memref<1x56x224xf32, #tpu.memory_space<hbm>>
    %dma_wait3A_1514 = tpu.memref_squeeze %dma_wait3A_1513 : memref<1x56x224xf32, #tpu.memory_space<hbm>> -> memref<56x224xf32, #tpu.memory_space<hbm>>
    tpu.wait_dma2 semaphore(%arg12 : memref<!tpu.dma_semaphore, #tpu.memory_space<semaphore_mem>>) src(%dma_wait3A_1514 : memref<56x224xf32, #tpu.memory_space<hbm>>) dst(%dma_wait3A_1511 : memref<56x224xf32, #tpu.memory_space<vmem>>)
    %mul3A_1515 = arith.constant 15 : i32
    %mul3A_1516 = arith.muli %add3A, %mul3A_1515 : i32
    %add3A_1517 = arith.constant 10 : i32
    %add3A_1518 = arith.addi %mul3A_1516, %add3A_1517 : i32
    %shift_right_arithmetic3A_1519 = arith.constant 2 : i32
    %shift_right_arithmetic3A_1520 = arith.shrsi %add3A_1518, %shift_right_arithmetic3A_1519 : i32
    %and3A_1521 = arith.constant 3 : i32
    %and3A_1522 = arith.andi %add3A_1518, %and3A_1521 : i32
    %mul3A_1523 = arith.constant 52429 : i32
    %mul3A_1524 = arith.muli %shift_right_arithmetic3A_1520, %mul3A_1523 : i32
    %shift_right_arithmetic3A_1525 = arith.constant 18 : i32
    %shift_right_arithmetic3A_1526 = arith.shrsi %mul3A_1524, %shift_right_arithmetic3A_1525 : i32
    %mul3A_1527 = arith.constant 5 : i32
    %mul3A_1528 = arith.muli %mul3A_1527, %shift_right_arithmetic3A_1526 : i32
    %sub3A_1529 = arith.subi %shift_right_arithmetic3A_1520, %mul3A_1528 : i32
    %eq3A_1530 = arith.constant 1 : i32
    %eq3A_1531 = arith.cmpi eq, %sub3A_1529, %eq3A_1530 : i32
    %select_n3A_1532 = arith.select %eq3A_1531, %squeeze3A, %squeeze3A_10 : i32
    %eq3A_1533 = arith.constant 2 : i32
    %eq3A_1534 = arith.cmpi eq, %sub3A_1529, %eq3A_1533 : i32
    %select_n3A_1535 = arith.select %eq3A_1534, %squeeze3A_15, %select_n3A_1532 : i32
    %eq3A_1536 = arith.constant 3 : i32
    %eq3A_1537 = arith.cmpi eq, %sub3A_1529, %eq3A_1536 : i32
    %select_n3A_1538 = arith.select %eq3A_1537, %squeeze3A_20, %select_n3A_1535 : i32
    %eq3A_1539 = arith.constant 4 : i32
    %eq3A_1540 = arith.cmpi eq, %sub3A_1529, %eq3A_1539 : i32
    %select_n3A_1541 = arith.select %eq3A_1540, %squeeze3A_25, %select_n3A_1538 : i32
    %mul3A_1542 = arith.constant 32 : i32
    %mul3A_1543 = arith.muli %shift_right_arithmetic3A_1526, %mul3A_1542 : i32
    %add3A_1544 = arith.addi %mul3A_1543, %select_n3A_1541 : i32
    %mul3A_1545 = arith.constant 56 : i32
    %mul3A_1546 = arith.muli %and3A_1522, %mul3A_1545 : i32
    %mul3A_1547 = arith.constant 56 : i32
    %mul3A_1548 = arith.muli %and3A_1522, %mul3A_1547 : i32
    %dma_start3A_1549 = arith.constant 2 : i32
    %dma_start3A_1550 = arith.constant 0 : i32
    %dma_start3A_1551 = arith.constant 0 : i32
    %dma_start3A_1552 = tpu.memref_slice %arg9[%dma_start3A_1549, %dma_start3A_1550, %dma_start3A_1551] : memref<8x56x224xf32, #tpu.memory_space<vmem>> -> memref<1x56x224xf32, #tpu.memory_space<vmem>>
    %dma_start3A_1553 = tpu.memref_squeeze %dma_start3A_1552 : memref<1x56x224xf32, #tpu.memory_space<vmem>> -> memref<56x224xf32, #tpu.memory_space<vmem>>
    %dma_start3A_1554 = arith.constant 0 : i32
    %dma_start3A_1555 = tpu.memref_slice %arg8[%shift_right_arithmetic3A_1520, %mul3A_1548, %dma_start3A_1554] : memref<120x224x224xf32, #tpu.memory_space<hbm>> -> memref<1x56x224xf32, #tpu.memory_space<hbm>>
    %dma_start3A_1556 = tpu.memref_squeeze %dma_start3A_1555 : memref<1x56x224xf32, #tpu.memory_space<hbm>> -> memref<56x224xf32, #tpu.memory_space<hbm>>
    %dma_start3A_1557 = arith.constant 0 : i32
    %dma_start3A_1558 = tpu.memref_slice %arg8[%shift_right_arithmetic3A_1520, %mul3A_1548, %dma_start3A_1557] : memref<120x224x224xf32, #tpu.memory_space<hbm>> -> memref<1x56x224xf32, #tpu.memory_space<hbm>>
    %dma_start3A_1559 = tpu.memref_squeeze %dma_start3A_1558 : memref<1x56x224xf32, #tpu.memory_space<hbm>> -> memref<56x224xf32, #tpu.memory_space<hbm>>
    %dma_start3A_1560 = arith.constant 0 : i32
    %dma_start3A_1561 = arith.constant 0 : i32
    %dma_start3A_1562 = tpu.memref_slice %arg9[%dma_start3A_1549, %dma_start3A_1560, %dma_start3A_1561] : memref<8x56x224xf32, #tpu.memory_space<vmem>> -> memref<1x56x224xf32, #tpu.memory_space<vmem>>
    %dma_start3A_1563 = tpu.memref_squeeze %dma_start3A_1562 : memref<1x56x224xf32, #tpu.memory_space<vmem>> -> memref<56x224xf32, #tpu.memory_space<vmem>>
    tpu.enqueue_dma source(%dma_start3A_1563 : memref<56x224xf32, #tpu.memory_space<vmem>>) target(%dma_start3A_1559 : memref<56x224xf32, #tpu.memory_space<hbm>>) target_semaphore(%arg20 : memref<!tpu.dma_semaphore, #tpu.memory_space<semaphore_mem>>)
    %dma_wait3A_1564 = arith.constant 3 : i32
    %dma_wait3A_1565 = arith.constant 0 : i32
    %dma_wait3A_1566 = arith.constant 0 : i32
    %dma_wait3A_1567 = tpu.memref_slice %arg9[%dma_wait3A_1564, %dma_wait3A_1565, %dma_wait3A_1566] : memref<8x56x224xf32, #tpu.memory_space<vmem>> -> memref<1x56x224xf32, #tpu.memory_space<vmem>>
    %dma_wait3A_1568 = tpu.memref_squeeze %dma_wait3A_1567 : memref<1x56x224xf32, #tpu.memory_space<vmem>> -> memref<56x224xf32, #tpu.memory_space<vmem>>
    %dma_wait3A_1569 = arith.constant 0 : i32
    %dma_wait3A_1570 = tpu.memref_slice %arg2[%add3A_1096, %mul3A_1098, %dma_wait3A_1569] : memref<768x224x224xf32, #tpu.memory_space<hbm>> -> memref<1x56x224xf32, #tpu.memory_space<hbm>>
    %dma_wait3A_1571 = tpu.memref_squeeze %dma_wait3A_1570 : memref<1x56x224xf32, #tpu.memory_space<hbm>> -> memref<56x224xf32, #tpu.memory_space<hbm>>
    %dma_wait3A_1572 = arith.constant 0 : i32
    %dma_wait3A_1573 = arith.constant 0 : i32
    %dma_wait3A_1574 = tpu.memref_slice %arg9[%dma_wait3A_1564, %dma_wait3A_1572, %dma_wait3A_1573] : memref<8x56x224xf32, #tpu.memory_space<vmem>> -> memref<1x56x224xf32, #tpu.memory_space<vmem>>
    %dma_wait3A_1575 = tpu.memref_squeeze %dma_wait3A_1574 : memref<1x56x224xf32, #tpu.memory_space<vmem>> -> memref<56x224xf32, #tpu.memory_space<vmem>>
    %dma_wait3A_1576 = arith.constant 0 : i32
    %dma_wait3A_1577 = tpu.memref_slice %arg2[%add3A_1096, %mul3A_1098, %dma_wait3A_1576] : memref<768x224x224xf32, #tpu.memory_space<hbm>> -> memref<1x56x224xf32, #tpu.memory_space<hbm>>
    %dma_wait3A_1578 = tpu.memref_squeeze %dma_wait3A_1577 : memref<1x56x224xf32, #tpu.memory_space<hbm>> -> memref<56x224xf32, #tpu.memory_space<hbm>>
    tpu.wait_dma2 semaphore(%arg13 : memref<!tpu.dma_semaphore, #tpu.memory_space<semaphore_mem>>) src(%dma_wait3A_1578 : memref<56x224xf32, #tpu.memory_space<hbm>>) dst(%dma_wait3A_1575 : memref<56x224xf32, #tpu.memory_space<vmem>>)
    %mul3A_1579 = arith.constant 15 : i32
    %mul3A_1580 = arith.muli %add3A, %mul3A_1579 : i32
    %add3A_1581 = arith.constant 11 : i32
    %add3A_1582 = arith.addi %mul3A_1580, %add3A_1581 : i32
    %shift_right_arithmetic3A_1583 = arith.constant 2 : i32
    %shift_right_arithmetic3A_1584 = arith.shrsi %add3A_1582, %shift_right_arithmetic3A_1583 : i32
    %and3A_1585 = arith.constant 3 : i32
    %and3A_1586 = arith.andi %add3A_1582, %and3A_1585 : i32
    %mul3A_1587 = arith.constant 52429 : i32
    %mul3A_1588 = arith.muli %shift_right_arithmetic3A_1584, %mul3A_1587 : i32
    %shift_right_arithmetic3A_1589 = arith.constant 18 : i32
    %shift_right_arithmetic3A_1590 = arith.shrsi %mul3A_1588, %shift_right_arithmetic3A_1589 : i32
    %mul3A_1591 = arith.constant 5 : i32
    %mul3A_1592 = arith.muli %mul3A_1591, %shift_right_arithmetic3A_1590 : i32
    %sub3A_1593 = arith.subi %shift_right_arithmetic3A_1584, %mul3A_1592 : i32
    %eq3A_1594 = arith.constant 1 : i32
    %eq3A_1595 = arith.cmpi eq, %sub3A_1593, %eq3A_1594 : i32
    %select_n3A_1596 = arith.select %eq3A_1595, %squeeze3A, %squeeze3A_10 : i32
    %eq3A_1597 = arith.constant 2 : i32
    %eq3A_1598 = arith.cmpi eq, %sub3A_1593, %eq3A_1597 : i32
    %select_n3A_1599 = arith.select %eq3A_1598, %squeeze3A_15, %select_n3A_1596 : i32
    %eq3A_1600 = arith.constant 3 : i32
    %eq3A_1601 = arith.cmpi eq, %sub3A_1593, %eq3A_1600 : i32
    %select_n3A_1602 = arith.select %eq3A_1601, %squeeze3A_20, %select_n3A_1599 : i32
    %eq3A_1603 = arith.constant 4 : i32
    %eq3A_1604 = arith.cmpi eq, %sub3A_1593, %eq3A_1603 : i32
    %select_n3A_1605 = arith.select %eq3A_1604, %squeeze3A_25, %select_n3A_1602 : i32
    %mul3A_1606 = arith.constant 32 : i32
    %mul3A_1607 = arith.muli %shift_right_arithmetic3A_1590, %mul3A_1606 : i32
    %add3A_1608 = arith.addi %mul3A_1607, %select_n3A_1605 : i32
    %mul3A_1609 = arith.constant 56 : i32
    %mul3A_1610 = arith.muli %and3A_1586, %mul3A_1609 : i32
    %mul3A_1611 = arith.constant 56 : i32
    %mul3A_1612 = arith.muli %and3A_1586, %mul3A_1611 : i32
    %dma_start3A_1613 = arith.constant 3 : i32
    %dma_start3A_1614 = arith.constant 0 : i32
    %dma_start3A_1615 = arith.constant 0 : i32
    %dma_start3A_1616 = tpu.memref_slice %arg9[%dma_start3A_1613, %dma_start3A_1614, %dma_start3A_1615] : memref<8x56x224xf32, #tpu.memory_space<vmem>> -> memref<1x56x224xf32, #tpu.memory_space<vmem>>
    %dma_start3A_1617 = tpu.memref_squeeze %dma_start3A_1616 : memref<1x56x224xf32, #tpu.memory_space<vmem>> -> memref<56x224xf32, #tpu.memory_space<vmem>>
    %dma_start3A_1618 = arith.constant 0 : i32
    %dma_start3A_1619 = tpu.memref_slice %arg8[%shift_right_arithmetic3A_1584, %mul3A_1612, %dma_start3A_1618] : memref<120x224x224xf32, #tpu.memory_space<hbm>> -> memref<1x56x224xf32, #tpu.memory_space<hbm>>
    %dma_start3A_1620 = tpu.memref_squeeze %dma_start3A_1619 : memref<1x56x224xf32, #tpu.memory_space<hbm>> -> memref<56x224xf32, #tpu.memory_space<hbm>>
    %dma_start3A_1621 = arith.constant 0 : i32
    %dma_start3A_1622 = tpu.memref_slice %arg8[%shift_right_arithmetic3A_1584, %mul3A_1612, %dma_start3A_1621] : memref<120x224x224xf32, #tpu.memory_space<hbm>> -> memref<1x56x224xf32, #tpu.memory_space<hbm>>
    %dma_start3A_1623 = tpu.memref_squeeze %dma_start3A_1622 : memref<1x56x224xf32, #tpu.memory_space<hbm>> -> memref<56x224xf32, #tpu.memory_space<hbm>>
    %dma_start3A_1624 = arith.constant 0 : i32
    %dma_start3A_1625 = arith.constant 0 : i32
    %dma_start3A_1626 = tpu.memref_slice %arg9[%dma_start3A_1613, %dma_start3A_1624, %dma_start3A_1625] : memref<8x56x224xf32, #tpu.memory_space<vmem>> -> memref<1x56x224xf32, #tpu.memory_space<vmem>>
    %dma_start3A_1627 = tpu.memref_squeeze %dma_start3A_1626 : memref<1x56x224xf32, #tpu.memory_space<vmem>> -> memref<56x224xf32, #tpu.memory_space<vmem>>
    tpu.enqueue_dma source(%dma_start3A_1627 : memref<56x224xf32, #tpu.memory_space<vmem>>) target(%dma_start3A_1623 : memref<56x224xf32, #tpu.memory_space<hbm>>) target_semaphore(%arg21 : memref<!tpu.dma_semaphore, #tpu.memory_space<semaphore_mem>>)
    %dma_wait3A_1628 = arith.constant 4 : i32
    %dma_wait3A_1629 = arith.constant 0 : i32
    %dma_wait3A_1630 = arith.constant 0 : i32
    %dma_wait3A_1631 = tpu.memref_slice %arg9[%dma_wait3A_1628, %dma_wait3A_1629, %dma_wait3A_1630] : memref<8x56x224xf32, #tpu.memory_space<vmem>> -> memref<1x56x224xf32, #tpu.memory_space<vmem>>
    %dma_wait3A_1632 = tpu.memref_squeeze %dma_wait3A_1631 : memref<1x56x224xf32, #tpu.memory_space<vmem>> -> memref<56x224xf32, #tpu.memory_space<vmem>>
    %dma_wait3A_1633 = arith.constant 0 : i32
    %dma_wait3A_1634 = tpu.memref_slice %arg2[%add3A_1224, %mul3A_1226, %dma_wait3A_1633] : memref<768x224x224xf32, #tpu.memory_space<hbm>> -> memref<1x56x224xf32, #tpu.memory_space<hbm>>
    %dma_wait3A_1635 = tpu.memref_squeeze %dma_wait3A_1634 : memref<1x56x224xf32, #tpu.memory_space<hbm>> -> memref<56x224xf32, #tpu.memory_space<hbm>>
    %dma_wait3A_1636 = arith.constant 0 : i32
    %dma_wait3A_1637 = arith.constant 0 : i32
    %dma_wait3A_1638 = tpu.memref_slice %arg9[%dma_wait3A_1628, %dma_wait3A_1636, %dma_wait3A_1637] : memref<8x56x224xf32, #tpu.memory_space<vmem>> -> memref<1x56x224xf32, #tpu.memory_space<vmem>>
    %dma_wait3A_1639 = tpu.memref_squeeze %dma_wait3A_1638 : memref<1x56x224xf32, #tpu.memory_space<vmem>> -> memref<56x224xf32, #tpu.memory_space<vmem>>
    %dma_wait3A_1640 = arith.constant 0 : i32
    %dma_wait3A_1641 = tpu.memref_slice %arg2[%add3A_1224, %mul3A_1226, %dma_wait3A_1640] : memref<768x224x224xf32, #tpu.memory_space<hbm>> -> memref<1x56x224xf32, #tpu.memory_space<hbm>>
    %dma_wait3A_1642 = tpu.memref_squeeze %dma_wait3A_1641 : memref<1x56x224xf32, #tpu.memory_space<hbm>> -> memref<56x224xf32, #tpu.memory_space<hbm>>
    tpu.wait_dma2 semaphore(%arg14 : memref<!tpu.dma_semaphore, #tpu.memory_space<semaphore_mem>>) src(%dma_wait3A_1642 : memref<56x224xf32, #tpu.memory_space<hbm>>) dst(%dma_wait3A_1639 : memref<56x224xf32, #tpu.memory_space<vmem>>)
    %mul3A_1643 = arith.constant 15 : i32
    %mul3A_1644 = arith.muli %add3A, %mul3A_1643 : i32
    %add3A_1645 = arith.constant 12 : i32
    %add3A_1646 = arith.addi %mul3A_1644, %add3A_1645 : i32
    %shift_right_arithmetic3A_1647 = arith.constant 2 : i32
    %shift_right_arithmetic3A_1648 = arith.shrsi %add3A_1646, %shift_right_arithmetic3A_1647 : i32
    %and3A_1649 = arith.constant 3 : i32
    %and3A_1650 = arith.andi %add3A_1646, %and3A_1649 : i32
    %mul3A_1651 = arith.constant 52429 : i32
    %mul3A_1652 = arith.muli %shift_right_arithmetic3A_1648, %mul3A_1651 : i32
    %shift_right_arithmetic3A_1653 = arith.constant 18 : i32
    %shift_right_arithmetic3A_1654 = arith.shrsi %mul3A_1652, %shift_right_arithmetic3A_1653 : i32
    %mul3A_1655 = arith.constant 5 : i32
    %mul3A_1656 = arith.muli %mul3A_1655, %shift_right_arithmetic3A_1654 : i32
    %sub3A_1657 = arith.subi %shift_right_arithmetic3A_1648, %mul3A_1656 : i32
    %eq3A_1658 = arith.constant 1 : i32
    %eq3A_1659 = arith.cmpi eq, %sub3A_1657, %eq3A_1658 : i32
    %select_n3A_1660 = arith.select %eq3A_1659, %squeeze3A, %squeeze3A_10 : i32
    %eq3A_1661 = arith.constant 2 : i32
    %eq3A_1662 = arith.cmpi eq, %sub3A_1657, %eq3A_1661 : i32
    %select_n3A_1663 = arith.select %eq3A_1662, %squeeze3A_15, %select_n3A_1660 : i32
    %eq3A_1664 = arith.constant 3 : i32
    %eq3A_1665 = arith.cmpi eq, %sub3A_1657, %eq3A_1664 : i32
    %select_n3A_1666 = arith.select %eq3A_1665, %squeeze3A_20, %select_n3A_1663 : i32
    %eq3A_1667 = arith.constant 4 : i32
    %eq3A_1668 = arith.cmpi eq, %sub3A_1657, %eq3A_1667 : i32
    %select_n3A_1669 = arith.select %eq3A_1668, %squeeze3A_25, %select_n3A_1666 : i32
    %mul3A_1670 = arith.constant 32 : i32
    %mul3A_1671 = arith.muli %shift_right_arithmetic3A_1654, %mul3A_1670 : i32
    %add3A_1672 = arith.addi %mul3A_1671, %select_n3A_1669 : i32
    %mul3A_1673 = arith.constant 56 : i32
    %mul3A_1674 = arith.muli %and3A_1650, %mul3A_1673 : i32
    %mul3A_1675 = arith.constant 56 : i32
    %mul3A_1676 = arith.muli %and3A_1650, %mul3A_1675 : i32
    %dma_start3A_1677 = arith.constant 4 : i32
    %dma_start3A_1678 = arith.constant 0 : i32
    %dma_start3A_1679 = arith.constant 0 : i32
    %dma_start3A_1680 = tpu.memref_slice %arg9[%dma_start3A_1677, %dma_start3A_1678, %dma_start3A_1679] : memref<8x56x224xf32, #tpu.memory_space<vmem>> -> memref<1x56x224xf32, #tpu.memory_space<vmem>>
    %dma_start3A_1681 = tpu.memref_squeeze %dma_start3A_1680 : memref<1x56x224xf32, #tpu.memory_space<vmem>> -> memref<56x224xf32, #tpu.memory_space<vmem>>
    %dma_start3A_1682 = arith.constant 0 : i32
    %dma_start3A_1683 = tpu.memref_slice %arg8[%shift_right_arithmetic3A_1648, %mul3A_1676, %dma_start3A_1682] : memref<120x224x224xf32, #tpu.memory_space<hbm>> -> memref<1x56x224xf32, #tpu.memory_space<hbm>>
    %dma_start3A_1684 = tpu.memref_squeeze %dma_start3A_1683 : memref<1x56x224xf32, #tpu.memory_space<hbm>> -> memref<56x224xf32, #tpu.memory_space<hbm>>
    %dma_start3A_1685 = arith.constant 0 : i32
    %dma_start3A_1686 = tpu.memref_slice %arg8[%shift_right_arithmetic3A_1648, %mul3A_1676, %dma_start3A_1685] : memref<120x224x224xf32, #tpu.memory_space<hbm>> -> memref<1x56x224xf32, #tpu.memory_space<hbm>>
    %dma_start3A_1687 = tpu.memref_squeeze %dma_start3A_1686 : memref<1x56x224xf32, #tpu.memory_space<hbm>> -> memref<56x224xf32, #tpu.memory_space<hbm>>
    %dma_start3A_1688 = arith.constant 0 : i32
    %dma_start3A_1689 = arith.constant 0 : i32
    %dma_start3A_1690 = tpu.memref_slice %arg9[%dma_start3A_1677, %dma_start3A_1688, %dma_start3A_1689] : memref<8x56x224xf32, #tpu.memory_space<vmem>> -> memref<1x56x224xf32, #tpu.memory_space<vmem>>
    %dma_start3A_1691 = tpu.memref_squeeze %dma_start3A_1690 : memref<1x56x224xf32, #tpu.memory_space<vmem>> -> memref<56x224xf32, #tpu.memory_space<vmem>>
    tpu.enqueue_dma source(%dma_start3A_1691 : memref<56x224xf32, #tpu.memory_space<vmem>>) target(%dma_start3A_1687 : memref<56x224xf32, #tpu.memory_space<hbm>>) target_semaphore(%arg22 : memref<!tpu.dma_semaphore, #tpu.memory_space<semaphore_mem>>)
    %dma_wait3A_1692 = arith.constant 5 : i32
    %dma_wait3A_1693 = arith.constant 0 : i32
    %dma_wait3A_1694 = arith.constant 0 : i32
    %dma_wait3A_1695 = tpu.memref_slice %arg9[%dma_wait3A_1692, %dma_wait3A_1693, %dma_wait3A_1694] : memref<8x56x224xf32, #tpu.memory_space<vmem>> -> memref<1x56x224xf32, #tpu.memory_space<vmem>>
    %dma_wait3A_1696 = tpu.memref_squeeze %dma_wait3A_1695 : memref<1x56x224xf32, #tpu.memory_space<vmem>> -> memref<56x224xf32, #tpu.memory_space<vmem>>
    %dma_wait3A_1697 = arith.constant 0 : i32
    %dma_wait3A_1698 = tpu.memref_slice %arg2[%add3A_1352, %mul3A_1354, %dma_wait3A_1697] : memref<768x224x224xf32, #tpu.memory_space<hbm>> -> memref<1x56x224xf32, #tpu.memory_space<hbm>>
    %dma_wait3A_1699 = tpu.memref_squeeze %dma_wait3A_1698 : memref<1x56x224xf32, #tpu.memory_space<hbm>> -> memref<56x224xf32, #tpu.memory_space<hbm>>
    %dma_wait3A_1700 = arith.constant 0 : i32
    %dma_wait3A_1701 = arith.constant 0 : i32
    %dma_wait3A_1702 = tpu.memref_slice %arg9[%dma_wait3A_1692, %dma_wait3A_1700, %dma_wait3A_1701] : memref<8x56x224xf32, #tpu.memory_space<vmem>> -> memref<1x56x224xf32, #tpu.memory_space<vmem>>
    %dma_wait3A_1703 = tpu.memref_squeeze %dma_wait3A_1702 : memref<1x56x224xf32, #tpu.memory_space<vmem>> -> memref<56x224xf32, #tpu.memory_space<vmem>>
    %dma_wait3A_1704 = arith.constant 0 : i32
    %dma_wait3A_1705 = tpu.memref_slice %arg2[%add3A_1352, %mul3A_1354, %dma_wait3A_1704] : memref<768x224x224xf32, #tpu.memory_space<hbm>> -> memref<1x56x224xf32, #tpu.memory_space<hbm>>
    %dma_wait3A_1706 = tpu.memref_squeeze %dma_wait3A_1705 : memref<1x56x224xf32, #tpu.memory_space<hbm>> -> memref<56x224xf32, #tpu.memory_space<hbm>>
    tpu.wait_dma2 semaphore(%arg15 : memref<!tpu.dma_semaphore, #tpu.memory_space<semaphore_mem>>) src(%dma_wait3A_1706 : memref<56x224xf32, #tpu.memory_space<hbm>>) dst(%dma_wait3A_1703 : memref<56x224xf32, #tpu.memory_space<vmem>>)
    %mul3A_1707 = arith.constant 15 : i32
    %mul3A_1708 = arith.muli %add3A, %mul3A_1707 : i32
    %add3A_1709 = arith.constant 13 : i32
    %add3A_1710 = arith.addi %mul3A_1708, %add3A_1709 : i32
    %shift_right_arithmetic3A_1711 = arith.constant 2 : i32
    %shift_right_arithmetic3A_1712 = arith.shrsi %add3A_1710, %shift_right_arithmetic3A_1711 : i32
    %and3A_1713 = arith.constant 3 : i32
    %and3A_1714 = arith.andi %add3A_1710, %and3A_1713 : i32
    %mul3A_1715 = arith.constant 52429 : i32
    %mul3A_1716 = arith.muli %shift_right_arithmetic3A_1712, %mul3A_1715 : i32
    %shift_right_arithmetic3A_1717 = arith.constant 18 : i32
    %shift_right_arithmetic3A_1718 = arith.shrsi %mul3A_1716, %shift_right_arithmetic3A_1717 : i32
    %mul3A_1719 = arith.constant 5 : i32
    %mul3A_1720 = arith.muli %mul3A_1719, %shift_right_arithmetic3A_1718 : i32
    %sub3A_1721 = arith.subi %shift_right_arithmetic3A_1712, %mul3A_1720 : i32
    %eq3A_1722 = arith.constant 1 : i32
    %eq3A_1723 = arith.cmpi eq, %sub3A_1721, %eq3A_1722 : i32
    %select_n3A_1724 = arith.select %eq3A_1723, %squeeze3A, %squeeze3A_10 : i32
    %eq3A_1725 = arith.constant 2 : i32
    %eq3A_1726 = arith.cmpi eq, %sub3A_1721, %eq3A_1725 : i32
    %select_n3A_1727 = arith.select %eq3A_1726, %squeeze3A_15, %select_n3A_1724 : i32
    %eq3A_1728 = arith.constant 3 : i32
    %eq3A_1729 = arith.cmpi eq, %sub3A_1721, %eq3A_1728 : i32
    %select_n3A_1730 = arith.select %eq3A_1729, %squeeze3A_20, %select_n3A_1727 : i32
    %eq3A_1731 = arith.constant 4 : i32
    %eq3A_1732 = arith.cmpi eq, %sub3A_1721, %eq3A_1731 : i32
    %select_n3A_1733 = arith.select %eq3A_1732, %squeeze3A_25, %select_n3A_1730 : i32
    %mul3A_1734 = arith.constant 32 : i32
    %mul3A_1735 = arith.muli %shift_right_arithmetic3A_1718, %mul3A_1734 : i32
    %add3A_1736 = arith.addi %mul3A_1735, %select_n3A_1733 : i32
    %mul3A_1737 = arith.constant 56 : i32
    %mul3A_1738 = arith.muli %and3A_1714, %mul3A_1737 : i32
    %mul3A_1739 = arith.constant 56 : i32
    %mul3A_1740 = arith.muli %and3A_1714, %mul3A_1739 : i32
    %dma_start3A_1741 = arith.constant 5 : i32
    %dma_start3A_1742 = arith.constant 0 : i32
    %dma_start3A_1743 = arith.constant 0 : i32
    %dma_start3A_1744 = tpu.memref_slice %arg9[%dma_start3A_1741, %dma_start3A_1742, %dma_start3A_1743] : memref<8x56x224xf32, #tpu.memory_space<vmem>> -> memref<1x56x224xf32, #tpu.memory_space<vmem>>
    %dma_start3A_1745 = tpu.memref_squeeze %dma_start3A_1744 : memref<1x56x224xf32, #tpu.memory_space<vmem>> -> memref<56x224xf32, #tpu.memory_space<vmem>>
    %dma_start3A_1746 = arith.constant 0 : i32
    %dma_start3A_1747 = tpu.memref_slice %arg8[%shift_right_arithmetic3A_1712, %mul3A_1740, %dma_start3A_1746] : memref<120x224x224xf32, #tpu.memory_space<hbm>> -> memref<1x56x224xf32, #tpu.memory_space<hbm>>
    %dma_start3A_1748 = tpu.memref_squeeze %dma_start3A_1747 : memref<1x56x224xf32, #tpu.memory_space<hbm>> -> memref<56x224xf32, #tpu.memory_space<hbm>>
    %dma_start3A_1749 = arith.constant 0 : i32
    %dma_start3A_1750 = tpu.memref_slice %arg8[%shift_right_arithmetic3A_1712, %mul3A_1740, %dma_start3A_1749] : memref<120x224x224xf32, #tpu.memory_space<hbm>> -> memref<1x56x224xf32, #tpu.memory_space<hbm>>
    %dma_start3A_1751 = tpu.memref_squeeze %dma_start3A_1750 : memref<1x56x224xf32, #tpu.memory_space<hbm>> -> memref<56x224xf32, #tpu.memory_space<hbm>>
    %dma_start3A_1752 = arith.constant 0 : i32
    %dma_start3A_1753 = arith.constant 0 : i32
    %dma_start3A_1754 = tpu.memref_slice %arg9[%dma_start3A_1741, %dma_start3A_1752, %dma_start3A_1753] : memref<8x56x224xf32, #tpu.memory_space<vmem>> -> memref<1x56x224xf32, #tpu.memory_space<vmem>>
    %dma_start3A_1755 = tpu.memref_squeeze %dma_start3A_1754 : memref<1x56x224xf32, #tpu.memory_space<vmem>> -> memref<56x224xf32, #tpu.memory_space<vmem>>
    tpu.enqueue_dma source(%dma_start3A_1755 : memref<56x224xf32, #tpu.memory_space<vmem>>) target(%dma_start3A_1751 : memref<56x224xf32, #tpu.memory_space<hbm>>) target_semaphore(%arg23 : memref<!tpu.dma_semaphore, #tpu.memory_space<semaphore_mem>>)
    %dma_wait3A_1756 = arith.constant 6 : i32
    %dma_wait3A_1757 = arith.constant 0 : i32
    %dma_wait3A_1758 = arith.constant 0 : i32
    %dma_wait3A_1759 = tpu.memref_slice %arg9[%dma_wait3A_1756, %dma_wait3A_1757, %dma_wait3A_1758] : memref<8x56x224xf32, #tpu.memory_space<vmem>> -> memref<1x56x224xf32, #tpu.memory_space<vmem>>
    %dma_wait3A_1760 = tpu.memref_squeeze %dma_wait3A_1759 : memref<1x56x224xf32, #tpu.memory_space<vmem>> -> memref<56x224xf32, #tpu.memory_space<vmem>>
    %dma_wait3A_1761 = arith.constant 0 : i32
    %dma_wait3A_1762 = tpu.memref_slice %arg2[%add3A_1480, %mul3A_1482, %dma_wait3A_1761] : memref<768x224x224xf32, #tpu.memory_space<hbm>> -> memref<1x56x224xf32, #tpu.memory_space<hbm>>
    %dma_wait3A_1763 = tpu.memref_squeeze %dma_wait3A_1762 : memref<1x56x224xf32, #tpu.memory_space<hbm>> -> memref<56x224xf32, #tpu.memory_space<hbm>>
    %dma_wait3A_1764 = arith.constant 0 : i32
    %dma_wait3A_1765 = arith.constant 0 : i32
    %dma_wait3A_1766 = tpu.memref_slice %arg9[%dma_wait3A_1756, %dma_wait3A_1764, %dma_wait3A_1765] : memref<8x56x224xf32, #tpu.memory_space<vmem>> -> memref<1x56x224xf32, #tpu.memory_space<vmem>>
    %dma_wait3A_1767 = tpu.memref_squeeze %dma_wait3A_1766 : memref<1x56x224xf32, #tpu.memory_space<vmem>> -> memref<56x224xf32, #tpu.memory_space<vmem>>
    %dma_wait3A_1768 = arith.constant 0 : i32
    %dma_wait3A_1769 = tpu.memref_slice %arg2[%add3A_1480, %mul3A_1482, %dma_wait3A_1768] : memref<768x224x224xf32, #tpu.memory_space<hbm>> -> memref<1x56x224xf32, #tpu.memory_space<hbm>>
    %dma_wait3A_1770 = tpu.memref_squeeze %dma_wait3A_1769 : memref<1x56x224xf32, #tpu.memory_space<hbm>> -> memref<56x224xf32, #tpu.memory_space<hbm>>
    tpu.wait_dma2 semaphore(%arg16 : memref<!tpu.dma_semaphore, #tpu.memory_space<semaphore_mem>>) src(%dma_wait3A_1770 : memref<56x224xf32, #tpu.memory_space<hbm>>) dst(%dma_wait3A_1767 : memref<56x224xf32, #tpu.memory_space<vmem>>)
    %mul3A_1771 = arith.constant 15 : i32
    %mul3A_1772 = arith.muli %add3A, %mul3A_1771 : i32
    %add3A_1773 = arith.constant 14 : i32
    %add3A_1774 = arith.addi %mul3A_1772, %add3A_1773 : i32
    %shift_right_arithmetic3A_1775 = arith.constant 2 : i32
    %shift_right_arithmetic3A_1776 = arith.shrsi %add3A_1774, %shift_right_arithmetic3A_1775 : i32
    %and3A_1777 = arith.constant 3 : i32
    %and3A_1778 = arith.andi %add3A_1774, %and3A_1777 : i32
    %mul3A_1779 = arith.constant 52429 : i32
    %mul3A_1780 = arith.muli %shift_right_arithmetic3A_1776, %mul3A_1779 : i32
    %shift_right_arithmetic3A_1781 = arith.constant 18 : i32
    %shift_right_arithmetic3A_1782 = arith.shrsi %mul3A_1780, %shift_right_arithmetic3A_1781 : i32
    %mul3A_1783 = arith.constant 5 : i32
    %mul3A_1784 = arith.muli %mul3A_1783, %shift_right_arithmetic3A_1782 : i32
    %sub3A_1785 = arith.subi %shift_right_arithmetic3A_1776, %mul3A_1784 : i32
    %eq3A_1786 = arith.constant 1 : i32
    %eq3A_1787 = arith.cmpi eq, %sub3A_1785, %eq3A_1786 : i32
    %select_n3A_1788 = arith.select %eq3A_1787, %squeeze3A, %squeeze3A_10 : i32
    %eq3A_1789 = arith.constant 2 : i32
    %eq3A_1790 = arith.cmpi eq, %sub3A_1785, %eq3A_1789 : i32
    %select_n3A_1791 = arith.select %eq3A_1790, %squeeze3A_15, %select_n3A_1788 : i32
    %eq3A_1792 = arith.constant 3 : i32
    %eq3A_1793 = arith.cmpi eq, %sub3A_1785, %eq3A_1792 : i32
    %select_n3A_1794 = arith.select %eq3A_1793, %squeeze3A_20, %select_n3A_1791 : i32
    %eq3A_1795 = arith.constant 4 : i32
    %eq3A_1796 = arith.cmpi eq, %sub3A_1785, %eq3A_1795 : i32
    %select_n3A_1797 = arith.select %eq3A_1796, %squeeze3A_25, %select_n3A_1794 : i32
    %mul3A_1798 = arith.constant 32 : i32
    %mul3A_1799 = arith.muli %shift_right_arithmetic3A_1782, %mul3A_1798 : i32
    %add3A_1800 = arith.addi %mul3A_1799, %select_n3A_1797 : i32
    %mul3A_1801 = arith.constant 56 : i32
    %mul3A_1802 = arith.muli %and3A_1778, %mul3A_1801 : i32
    %mul3A_1803 = arith.constant 56 : i32
    %mul3A_1804 = arith.muli %and3A_1778, %mul3A_1803 : i32
    %dma_start3A_1805 = arith.constant 6 : i32
    %dma_start3A_1806 = arith.constant 0 : i32
    %dma_start3A_1807 = arith.constant 0 : i32
    %dma_start3A_1808 = tpu.memref_slice %arg9[%dma_start3A_1805, %dma_start3A_1806, %dma_start3A_1807] : memref<8x56x224xf32, #tpu.memory_space<vmem>> -> memref<1x56x224xf32, #tpu.memory_space<vmem>>
    %dma_start3A_1809 = tpu.memref_squeeze %dma_start3A_1808 : memref<1x56x224xf32, #tpu.memory_space<vmem>> -> memref<56x224xf32, #tpu.memory_space<vmem>>
    %dma_start3A_1810 = arith.constant 0 : i32
    %dma_start3A_1811 = tpu.memref_slice %arg8[%shift_right_arithmetic3A_1776, %mul3A_1804, %dma_start3A_1810] : memref<120x224x224xf32, #tpu.memory_space<hbm>> -> memref<1x56x224xf32, #tpu.memory_space<hbm>>
    %dma_start3A_1812 = tpu.memref_squeeze %dma_start3A_1811 : memref<1x56x224xf32, #tpu.memory_space<hbm>> -> memref<56x224xf32, #tpu.memory_space<hbm>>
    %dma_start3A_1813 = arith.constant 0 : i32
    %dma_start3A_1814 = tpu.memref_slice %arg8[%shift_right_arithmetic3A_1776, %mul3A_1804, %dma_start3A_1813] : memref<120x224x224xf32, #tpu.memory_space<hbm>> -> memref<1x56x224xf32, #tpu.memory_space<hbm>>
    %dma_start3A_1815 = tpu.memref_squeeze %dma_start3A_1814 : memref<1x56x224xf32, #tpu.memory_space<hbm>> -> memref<56x224xf32, #tpu.memory_space<hbm>>
    %dma_start3A_1816 = arith.constant 0 : i32
    %dma_start3A_1817 = arith.constant 0 : i32
    %dma_start3A_1818 = tpu.memref_slice %arg9[%dma_start3A_1805, %dma_start3A_1816, %dma_start3A_1817] : memref<8x56x224xf32, #tpu.memory_space<vmem>> -> memref<1x56x224xf32, #tpu.memory_space<vmem>>
    %dma_start3A_1819 = tpu.memref_squeeze %dma_start3A_1818 : memref<1x56x224xf32, #tpu.memory_space<vmem>> -> memref<56x224xf32, #tpu.memory_space<vmem>>
    tpu.enqueue_dma source(%dma_start3A_1819 : memref<56x224xf32, #tpu.memory_space<vmem>>) target(%dma_start3A_1815 : memref<56x224xf32, #tpu.memory_space<hbm>>) target_semaphore(%arg24 : memref<!tpu.dma_semaphore, #tpu.memory_space<semaphore_mem>>)
    %dma_wait3A_1820 = arith.constant 7 : i32
    %dma_wait3A_1821 = arith.constant 0 : i32
    %dma_wait3A_1822 = arith.constant 0 : i32
    %dma_wait3A_1823 = tpu.memref_slice %arg9[%dma_wait3A_1820, %dma_wait3A_1821, %dma_wait3A_1822] : memref<8x56x224xf32, #tpu.memory_space<vmem>> -> memref<1x56x224xf32, #tpu.memory_space<vmem>>
    %dma_wait3A_1824 = tpu.memref_squeeze %dma_wait3A_1823 : memref<1x56x224xf32, #tpu.memory_space<vmem>> -> memref<56x224xf32, #tpu.memory_space<vmem>>
    %dma_wait3A_1825 = arith.constant 0 : i32
    %dma_wait3A_1826 = tpu.memref_slice %arg8[%shift_right_arithmetic3A_1136, %mul3A_1164, %dma_wait3A_1825] : memref<120x224x224xf32, #tpu.memory_space<hbm>> -> memref<1x56x224xf32, #tpu.memory_space<hbm>>
    %dma_wait3A_1827 = tpu.memref_squeeze %dma_wait3A_1826 : memref<1x56x224xf32, #tpu.memory_space<hbm>> -> memref<56x224xf32, #tpu.memory_space<hbm>>
    %dma_wait3A_1828 = arith.constant 0 : i32
    %dma_wait3A_1829 = tpu.memref_slice %arg8[%shift_right_arithmetic3A_1136, %mul3A_1164, %dma_wait3A_1828] : memref<120x224x224xf32, #tpu.memory_space<hbm>> -> memref<1x56x224xf32, #tpu.memory_space<hbm>>
    %dma_wait3A_1830 = tpu.memref_squeeze %dma_wait3A_1829 : memref<1x56x224xf32, #tpu.memory_space<hbm>> -> memref<56x224xf32, #tpu.memory_space<hbm>>
    %dma_wait3A_1831 = arith.constant 0 : i32
    %dma_wait3A_1832 = arith.constant 0 : i32
    %dma_wait3A_1833 = tpu.memref_slice %arg9[%dma_wait3A_1820, %dma_wait3A_1831, %dma_wait3A_1832] : memref<8x56x224xf32, #tpu.memory_space<vmem>> -> memref<1x56x224xf32, #tpu.memory_space<vmem>>
    %dma_wait3A_1834 = tpu.memref_squeeze %dma_wait3A_1833 : memref<1x56x224xf32, #tpu.memory_space<vmem>> -> memref<56x224xf32, #tpu.memory_space<vmem>>
    tpu.wait_dma2 semaphore(%arg25 : memref<!tpu.dma_semaphore, #tpu.memory_space<semaphore_mem>>) src(%dma_wait3A_1834 : memref<56x224xf32, #tpu.memory_space<vmem>>) dst(%dma_wait3A_1830 : memref<56x224xf32, #tpu.memory_space<hbm>>)
    %dma_wait3A_1835 = arith.constant 0 : i32
    %dma_wait3A_1836 = arith.constant 0 : i32
    %dma_wait3A_1837 = arith.constant 0 : i32
    %dma_wait3A_1838 = tpu.memref_slice %arg9[%dma_wait3A_1835, %dma_wait3A_1836, %dma_wait3A_1837] : memref<8x56x224xf32, #tpu.memory_space<vmem>> -> memref<1x56x224xf32, #tpu.memory_space<vmem>>
    %dma_wait3A_1839 = tpu.memref_squeeze %dma_wait3A_1838 : memref<1x56x224xf32, #tpu.memory_space<vmem>> -> memref<56x224xf32, #tpu.memory_space<vmem>>
    %dma_wait3A_1840 = arith.constant 0 : i32
    %dma_wait3A_1841 = tpu.memref_slice %arg8[%shift_right_arithmetic3A_1264, %mul3A_1292, %dma_wait3A_1840] : memref<120x224x224xf32, #tpu.memory_space<hbm>> -> memref<1x56x224xf32, #tpu.memory_space<hbm>>
    %dma_wait3A_1842 = tpu.memref_squeeze %dma_wait3A_1841 : memref<1x56x224xf32, #tpu.memory_space<hbm>> -> memref<56x224xf32, #tpu.memory_space<hbm>>
    %dma_wait3A_1843 = arith.constant 0 : i32
    %dma_wait3A_1844 = tpu.memref_slice %arg8[%shift_right_arithmetic3A_1264, %mul3A_1292, %dma_wait3A_1843] : memref<120x224x224xf32, #tpu.memory_space<hbm>> -> memref<1x56x224xf32, #tpu.memory_space<hbm>>
    %dma_wait3A_1845 = tpu.memref_squeeze %dma_wait3A_1844 : memref<1x56x224xf32, #tpu.memory_space<hbm>> -> memref<56x224xf32, #tpu.memory_space<hbm>>
    %dma_wait3A_1846 = arith.constant 0 : i32
    %dma_wait3A_1847 = arith.constant 0 : i32
    %dma_wait3A_1848 = tpu.memref_slice %arg9[%dma_wait3A_1835, %dma_wait3A_1846, %dma_wait3A_1847] : memref<8x56x224xf32, #tpu.memory_space<vmem>> -> memref<1x56x224xf32, #tpu.memory_space<vmem>>
    %dma_wait3A_1849 = tpu.memref_squeeze %dma_wait3A_1848 : memref<1x56x224xf32, #tpu.memory_space<vmem>> -> memref<56x224xf32, #tpu.memory_space<vmem>>
    tpu.wait_dma2 semaphore(%arg18 : memref<!tpu.dma_semaphore, #tpu.memory_space<semaphore_mem>>) src(%dma_wait3A_1849 : memref<56x224xf32, #tpu.memory_space<vmem>>) dst(%dma_wait3A_1845 : memref<56x224xf32, #tpu.memory_space<hbm>>)
    %dma_wait3A_1850 = arith.constant 1 : i32
    %dma_wait3A_1851 = arith.constant 0 : i32
    %dma_wait3A_1852 = arith.constant 0 : i32
    %dma_wait3A_1853 = tpu.memref_slice %arg9[%dma_wait3A_1850, %dma_wait3A_1851, %dma_wait3A_1852] : memref<8x56x224xf32, #tpu.memory_space<vmem>> -> memref<1x56x224xf32, #tpu.memory_space<vmem>>
    %dma_wait3A_1854 = tpu.memref_squeeze %dma_wait3A_1853 : memref<1x56x224xf32, #tpu.memory_space<vmem>> -> memref<56x224xf32, #tpu.memory_space<vmem>>
    %dma_wait3A_1855 = arith.constant 0 : i32
    %dma_wait3A_1856 = tpu.memref_slice %arg8[%shift_right_arithmetic3A_1392, %mul3A_1420, %dma_wait3A_1855] : memref<120x224x224xf32, #tpu.memory_space<hbm>> -> memref<1x56x224xf32, #tpu.memory_space<hbm>>
    %dma_wait3A_1857 = tpu.memref_squeeze %dma_wait3A_1856 : memref<1x56x224xf32, #tpu.memory_space<hbm>> -> memref<56x224xf32, #tpu.memory_space<hbm>>
    %dma_wait3A_1858 = arith.constant 0 : i32
    %dma_wait3A_1859 = tpu.memref_slice %arg8[%shift_right_arithmetic3A_1392, %mul3A_1420, %dma_wait3A_1858] : memref<120x224x224xf32, #tpu.memory_space<hbm>> -> memref<1x56x224xf32, #tpu.memory_space<hbm>>
    %dma_wait3A_1860 = tpu.memref_squeeze %dma_wait3A_1859 : memref<1x56x224xf32, #tpu.memory_space<hbm>> -> memref<56x224xf32, #tpu.memory_space<hbm>>
    %dma_wait3A_1861 = arith.constant 0 : i32
    %dma_wait3A_1862 = arith.constant 0 : i32
    %dma_wait3A_1863 = tpu.memref_slice %arg9[%dma_wait3A_1850, %dma_wait3A_1861, %dma_wait3A_1862] : memref<8x56x224xf32, #tpu.memory_space<vmem>> -> memref<1x56x224xf32, #tpu.memory_space<vmem>>
    %dma_wait3A_1864 = tpu.memref_squeeze %dma_wait3A_1863 : memref<1x56x224xf32, #tpu.memory_space<vmem>> -> memref<56x224xf32, #tpu.memory_space<vmem>>
    tpu.wait_dma2 semaphore(%arg19 : memref<!tpu.dma_semaphore, #tpu.memory_space<semaphore_mem>>) src(%dma_wait3A_1864 : memref<56x224xf32, #tpu.memory_space<vmem>>) dst(%dma_wait3A_1860 : memref<56x224xf32, #tpu.memory_space<hbm>>)
    %dma_wait3A_1865 = arith.constant 2 : i32
    %dma_wait3A_1866 = arith.constant 0 : i32
    %dma_wait3A_1867 = arith.constant 0 : i32
    %dma_wait3A_1868 = tpu.memref_slice %arg9[%dma_wait3A_1865, %dma_wait3A_1866, %dma_wait3A_1867] : memref<8x56x224xf32, #tpu.memory_space<vmem>> -> memref<1x56x224xf32, #tpu.memory_space<vmem>>
    %dma_wait3A_1869 = tpu.memref_squeeze %dma_wait3A_1868 : memref<1x56x224xf32, #tpu.memory_space<vmem>> -> memref<56x224xf32, #tpu.memory_space<vmem>>
    %dma_wait3A_1870 = arith.constant 0 : i32
    %dma_wait3A_1871 = tpu.memref_slice %arg8[%shift_right_arithmetic3A_1520, %mul3A_1548, %dma_wait3A_1870] : memref<120x224x224xf32, #tpu.memory_space<hbm>> -> memref<1x56x224xf32, #tpu.memory_space<hbm>>
    %dma_wait3A_1872 = tpu.memref_squeeze %dma_wait3A_1871 : memref<1x56x224xf32, #tpu.memory_space<hbm>> -> memref<56x224xf32, #tpu.memory_space<hbm>>
    %dma_wait3A_1873 = arith.constant 0 : i32
    %dma_wait3A_1874 = tpu.memref_slice %arg8[%shift_right_arithmetic3A_1520, %mul3A_1548, %dma_wait3A_1873] : memref<120x224x224xf32, #tpu.memory_space<hbm>> -> memref<1x56x224xf32, #tpu.memory_space<hbm>>
    %dma_wait3A_1875 = tpu.memref_squeeze %dma_wait3A_1874 : memref<1x56x224xf32, #tpu.memory_space<hbm>> -> memref<56x224xf32, #tpu.memory_space<hbm>>
    %dma_wait3A_1876 = arith.constant 0 : i32
    %dma_wait3A_1877 = arith.constant 0 : i32
    %dma_wait3A_1878 = tpu.memref_slice %arg9[%dma_wait3A_1865, %dma_wait3A_1876, %dma_wait3A_1877] : memref<8x56x224xf32, #tpu.memory_space<vmem>> -> memref<1x56x224xf32, #tpu.memory_space<vmem>>
    %dma_wait3A_1879 = tpu.memref_squeeze %dma_wait3A_1878 : memref<1x56x224xf32, #tpu.memory_space<vmem>> -> memref<56x224xf32, #tpu.memory_space<vmem>>
    tpu.wait_dma2 semaphore(%arg20 : memref<!tpu.dma_semaphore, #tpu.memory_space<semaphore_mem>>) src(%dma_wait3A_1879 : memref<56x224xf32, #tpu.memory_space<vmem>>) dst(%dma_wait3A_1875 : memref<56x224xf32, #tpu.memory_space<hbm>>)
    %dma_wait3A_1880 = arith.constant 3 : i32
    %dma_wait3A_1881 = arith.constant 0 : i32
    %dma_wait3A_1882 = arith.constant 0 : i32
    %dma_wait3A_1883 = tpu.memref_slice %arg9[%dma_wait3A_1880, %dma_wait3A_1881, %dma_wait3A_1882] : memref<8x56x224xf32, #tpu.memory_space<vmem>> -> memref<1x56x224xf32, #tpu.memory_space<vmem>>
    %dma_wait3A_1884 = tpu.memref_squeeze %dma_wait3A_1883 : memref<1x56x224xf32, #tpu.memory_space<vmem>> -> memref<56x224xf32, #tpu.memory_space<vmem>>
    %dma_wait3A_1885 = arith.constant 0 : i32
    %dma_wait3A_1886 = tpu.memref_slice %arg8[%shift_right_arithmetic3A_1584, %mul3A_1612, %dma_wait3A_1885] : memref<120x224x224xf32, #tpu.memory_space<hbm>> -> memref<1x56x224xf32, #tpu.memory_space<hbm>>
    %dma_wait3A_1887 = tpu.memref_squeeze %dma_wait3A_1886 : memref<1x56x224xf32, #tpu.memory_space<hbm>> -> memref<56x224xf32, #tpu.memory_space<hbm>>
    %dma_wait3A_1888 = arith.constant 0 : i32
    %dma_wait3A_1889 = tpu.memref_slice %arg8[%shift_right_arithmetic3A_1584, %mul3A_1612, %dma_wait3A_1888] : memref<120x224x224xf32, #tpu.memory_space<hbm>> -> memref<1x56x224xf32, #tpu.memory_space<hbm>>
    %dma_wait3A_1890 = tpu.memref_squeeze %dma_wait3A_1889 : memref<1x56x224xf32, #tpu.memory_space<hbm>> -> memref<56x224xf32, #tpu.memory_space<hbm>>
    %dma_wait3A_1891 = arith.constant 0 : i32
    %dma_wait3A_1892 = arith.constant 0 : i32
    %dma_wait3A_1893 = tpu.memref_slice %arg9[%dma_wait3A_1880, %dma_wait3A_1891, %dma_wait3A_1892] : memref<8x56x224xf32, #tpu.memory_space<vmem>> -> memref<1x56x224xf32, #tpu.memory_space<vmem>>
    %dma_wait3A_1894 = tpu.memref_squeeze %dma_wait3A_1893 : memref<1x56x224xf32, #tpu.memory_space<vmem>> -> memref<56x224xf32, #tpu.memory_space<vmem>>
    tpu.wait_dma2 semaphore(%arg21 : memref<!tpu.dma_semaphore, #tpu.memory_space<semaphore_mem>>) src(%dma_wait3A_1894 : memref<56x224xf32, #tpu.memory_space<vmem>>) dst(%dma_wait3A_1890 : memref<56x224xf32, #tpu.memory_space<hbm>>)
    %dma_wait3A_1895 = arith.constant 4 : i32
    %dma_wait3A_1896 = arith.constant 0 : i32
    %dma_wait3A_1897 = arith.constant 0 : i32
    %dma_wait3A_1898 = tpu.memref_slice %arg9[%dma_wait3A_1895, %dma_wait3A_1896, %dma_wait3A_1897] : memref<8x56x224xf32, #tpu.memory_space<vmem>> -> memref<1x56x224xf32, #tpu.memory_space<vmem>>
    %dma_wait3A_1899 = tpu.memref_squeeze %dma_wait3A_1898 : memref<1x56x224xf32, #tpu.memory_space<vmem>> -> memref<56x224xf32, #tpu.memory_space<vmem>>
    %dma_wait3A_1900 = arith.constant 0 : i32
    %dma_wait3A_1901 = tpu.memref_slice %arg8[%shift_right_arithmetic3A_1648, %mul3A_1676, %dma_wait3A_1900] : memref<120x224x224xf32, #tpu.memory_space<hbm>> -> memref<1x56x224xf32, #tpu.memory_space<hbm>>
    %dma_wait3A_1902 = tpu.memref_squeeze %dma_wait3A_1901 : memref<1x56x224xf32, #tpu.memory_space<hbm>> -> memref<56x224xf32, #tpu.memory_space<hbm>>
    %dma_wait3A_1903 = arith.constant 0 : i32
    %dma_wait3A_1904 = tpu.memref_slice %arg8[%shift_right_arithmetic3A_1648, %mul3A_1676, %dma_wait3A_1903] : memref<120x224x224xf32, #tpu.memory_space<hbm>> -> memref<1x56x224xf32, #tpu.memory_space<hbm>>
    %dma_wait3A_1905 = tpu.memref_squeeze %dma_wait3A_1904 : memref<1x56x224xf32, #tpu.memory_space<hbm>> -> memref<56x224xf32, #tpu.memory_space<hbm>>
    %dma_wait3A_1906 = arith.constant 0 : i32
    %dma_wait3A_1907 = arith.constant 0 : i32
    %dma_wait3A_1908 = tpu.memref_slice %arg9[%dma_wait3A_1895, %dma_wait3A_1906, %dma_wait3A_1907] : memref<8x56x224xf32, #tpu.memory_space<vmem>> -> memref<1x56x224xf32, #tpu.memory_space<vmem>>
    %dma_wait3A_1909 = tpu.memref_squeeze %dma_wait3A_1908 : memref<1x56x224xf32, #tpu.memory_space<vmem>> -> memref<56x224xf32, #tpu.memory_space<vmem>>
    tpu.wait_dma2 semaphore(%arg22 : memref<!tpu.dma_semaphore, #tpu.memory_space<semaphore_mem>>) src(%dma_wait3A_1909 : memref<56x224xf32, #tpu.memory_space<vmem>>) dst(%dma_wait3A_1905 : memref<56x224xf32, #tpu.memory_space<hbm>>)
    %dma_wait3A_1910 = arith.constant 5 : i32
    %dma_wait3A_1911 = arith.constant 0 : i32
    %dma_wait3A_1912 = arith.constant 0 : i32
    %dma_wait3A_1913 = tpu.memref_slice %arg9[%dma_wait3A_1910, %dma_wait3A_1911, %dma_wait3A_1912] : memref<8x56x224xf32, #tpu.memory_space<vmem>> -> memref<1x56x224xf32, #tpu.memory_space<vmem>>
    %dma_wait3A_1914 = tpu.memref_squeeze %dma_wait3A_1913 : memref<1x56x224xf32, #tpu.memory_space<vmem>> -> memref<56x224xf32, #tpu.memory_space<vmem>>
    %dma_wait3A_1915 = arith.constant 0 : i32
    %dma_wait3A_1916 = tpu.memref_slice %arg8[%shift_right_arithmetic3A_1712, %mul3A_1740, %dma_wait3A_1915] : memref<120x224x224xf32, #tpu.memory_space<hbm>> -> memref<1x56x224xf32, #tpu.memory_space<hbm>>
    %dma_wait3A_1917 = tpu.memref_squeeze %dma_wait3A_1916 : memref<1x56x224xf32, #tpu.memory_space<hbm>> -> memref<56x224xf32, #tpu.memory_space<hbm>>
    %dma_wait3A_1918 = arith.constant 0 : i32
    %dma_wait3A_1919 = tpu.memref_slice %arg8[%shift_right_arithmetic3A_1712, %mul3A_1740, %dma_wait3A_1918] : memref<120x224x224xf32, #tpu.memory_space<hbm>> -> memref<1x56x224xf32, #tpu.memory_space<hbm>>
    %dma_wait3A_1920 = tpu.memref_squeeze %dma_wait3A_1919 : memref<1x56x224xf32, #tpu.memory_space<hbm>> -> memref<56x224xf32, #tpu.memory_space<hbm>>
    %dma_wait3A_1921 = arith.constant 0 : i32
    %dma_wait3A_1922 = arith.constant 0 : i32
    %dma_wait3A_1923 = tpu.memref_slice %arg9[%dma_wait3A_1910, %dma_wait3A_1921, %dma_wait3A_1922] : memref<8x56x224xf32, #tpu.memory_space<vmem>> -> memref<1x56x224xf32, #tpu.memory_space<vmem>>
    %dma_wait3A_1924 = tpu.memref_squeeze %dma_wait3A_1923 : memref<1x56x224xf32, #tpu.memory_space<vmem>> -> memref<56x224xf32, #tpu.memory_space<vmem>>
    tpu.wait_dma2 semaphore(%arg23 : memref<!tpu.dma_semaphore, #tpu.memory_space<semaphore_mem>>) src(%dma_wait3A_1924 : memref<56x224xf32, #tpu.memory_space<vmem>>) dst(%dma_wait3A_1920 : memref<56x224xf32, #tpu.memory_space<hbm>>)
    %dma_wait3A_1925 = arith.constant 6 : i32
    %dma_wait3A_1926 = arith.constant 0 : i32
    %dma_wait3A_1927 = arith.constant 0 : i32
    %dma_wait3A_1928 = tpu.memref_slice %arg9[%dma_wait3A_1925, %dma_wait3A_1926, %dma_wait3A_1927] : memref<8x56x224xf32, #tpu.memory_space<vmem>> -> memref<1x56x224xf32, #tpu.memory_space<vmem>>
    %dma_wait3A_1929 = tpu.memref_squeeze %dma_wait3A_1928 : memref<1x56x224xf32, #tpu.memory_space<vmem>> -> memref<56x224xf32, #tpu.memory_space<vmem>>
    %dma_wait3A_1930 = arith.constant 0 : i32
    %dma_wait3A_1931 = tpu.memref_slice %arg8[%shift_right_arithmetic3A_1776, %mul3A_1804, %dma_wait3A_1930] : memref<120x224x224xf32, #tpu.memory_space<hbm>> -> memref<1x56x224xf32, #tpu.memory_space<hbm>>
    %dma_wait3A_1932 = tpu.memref_squeeze %dma_wait3A_1931 : memref<1x56x224xf32, #tpu.memory_space<hbm>> -> memref<56x224xf32, #tpu.memory_space<hbm>>
    %dma_wait3A_1933 = arith.constant 0 : i32
    %dma_wait3A_1934 = tpu.memref_slice %arg8[%shift_right_arithmetic3A_1776, %mul3A_1804, %dma_wait3A_1933] : memref<120x224x224xf32, #tpu.memory_space<hbm>> -> memref<1x56x224xf32, #tpu.memory_space<hbm>>
    %dma_wait3A_1935 = tpu.memref_squeeze %dma_wait3A_1934 : memref<1x56x224xf32, #tpu.memory_space<hbm>> -> memref<56x224xf32, #tpu.memory_space<hbm>>
    %dma_wait3A_1936 = arith.constant 0 : i32
    %dma_wait3A_1937 = arith.constant 0 : i32
    %dma_wait3A_1938 = tpu.memref_slice %arg9[%dma_wait3A_1925, %dma_wait3A_1936, %dma_wait3A_1937] : memref<8x56x224xf32, #tpu.memory_space<vmem>> -> memref<1x56x224xf32, #tpu.memory_space<vmem>>
    %dma_wait3A_1939 = tpu.memref_squeeze %dma_wait3A_1938 : memref<1x56x224xf32, #tpu.memory_space<vmem>> -> memref<56x224xf32, #tpu.memory_space<vmem>>
    tpu.wait_dma2 semaphore(%arg24 : memref<!tpu.dma_semaphore, #tpu.memory_space<semaphore_mem>>) src(%dma_wait3A_1939 : memref<56x224xf32, #tpu.memory_space<vmem>>) dst(%dma_wait3A_1935 : memref<56x224xf32, #tpu.memory_space<hbm>>)
    return
  }
}

</mosaic_0001>

<sc_bundles>
// kernel: kernel.3.cloned.1.call-start
scs
__scs_entry_jumppad:
0x0: {  	(pc) =	sbr.rel $0x88, $3  }
0x1: {  	(tag) =	ssettag $0x0;
	lr =	simm.s32 $0x1  }
0x2: {  	[smem:$0x3FA0] =	sst lr;
	_ =	strace $0xD0000000  }
0x3: {  	_ = 	snop  }
0x4: {  	_ = 	snop  }
0x5: {  	_ = 	snop  }
0x6: {  	_ = 	snop  }
0x7: {  	_ = 	snop  }
__scs_overlays_trampoline_lowered:
0x8: {  	[smem:$0x3FAF] =	sst s0  }
0x9: {  	[smem:$0x3FB0] =	sst s1  }
0xa: {  	[smem:$0x3FB1] =	sst s2  }
0xb: {  	[smem:$0x3FB2] =	sst s3  }
0xc: {  	[smem:$0x3FB3] =	sst s4  }
0xd: {  	[smem:$0x3FB4] =	sst s5  }
0xe: {  	[smem:$0x3FB5] =	sst s6  }
0xf: {  	[smem:$0x3FB6] =	sst s7  }
0x10: {  	[smem:$0x3FB7] =	sst s8  }
0x11: {  	[smem:$0x3FB8] =	sst s9;
	s0 =	simm.s32 @!p0 $0x0  }
0x12: {  	s1 =	sld [smem:$0x3F9E];
	s0 =	simm.s32 @p0 $0x1  }
0x13: {  	[smem:$0x3FB9] =	sst s0;
	s0 =	simm.s32 @!p1 $0x0  }
0x14: {  	s2 =	sld [smem:$0x3F9D];
	s0 =	simm.s32 @p1 $0x1  }
0x15: {  	[smem:$0x3FBA] =	sst s0;
	s0 =	simm.s32 @!p2 $0x0  }
0x16: {  	s3 =	sld [smem:$0x3FDB];
	s0 =	simm.s32 @p2 $0x1  }
0x17: {  	s4 =	simm.s32 $0x1BF5;
	[smem:$0x3FBC] =	sst s0  }
0x18: {  	s0 =	sld [smem:$0x3F9F];
	_ =	swait.ge [sflag:s4], $0x0  }
0x19: {  	s7 =	sld [smem:$0x3FA0]  }
0x1a: {  	s8 =	sadd.s32 $0xFFFFE003, lr  }
0x1b: {  	s9 =	sadd.s32 $0xFFFFFEF7, lr;
	s5 =	simm.s32 $0xFFFFFFFF;
	p2 =	slt.u32 s8, $0xFFFFF086  }
0x1c: {  	p1 =	slt.u32 s9, $0xF7A;
	s5 =	simm.s32 @!p2 $0x0  }
0x1d: {  	s5 =	simm.s32 @p1 $0x1;
	p0 =	seq.s32 s7, s2  }
0x1e: {  	s7 =	smul.u32 @!p0 $0xF7A, s2;
	p2 =	seq.s32 @!p0 s5, $0x0  }
0x1f: {  	s9 =	smul.u32 $0xF7A, s1;
	s8 =	simm.s32 @!p0 $0x1BF5;
	p2 =	por !p2, p0  }
0x20: {  	[sflag:s8] =	ssyncset.s32 @!p0 $0xFFFFF086;
	s6 =	sadd.s32 @!p0 s3, s7;
	s7 =	simm.s32 @!p0 $0x108  }
0x21: {  	s3 =	sadd.s32 s3, s9;
	s6 =	sadd.s32 @!p0 $0x88, s6;
	s7 =	simm.s32 @p2 $0x1082  }
0x22: {  	[simem:s7], [sflag:s8] =	dma.local @!p0 [hbm:s6], $0xF7A  }
0x23: {  	s9 =	sor.u32 $0xD0000000, s2;
	s6 =	simm.s32 $0x108;
	_ =	swait.ge @!p0 [sflag:s8], $0x0  }
0x24: {  	s3 =	sadd.s32 $0x88, s3;
	s6 =	simm.s32 @!p1 $0x1082;
	[sflag:s4] =	ssyncset.s32 $0xFFFFF086  }
0x25: {  	[simem:s6], [sflag:s4] =	dma.local [hbm:s3], $0xF7A  }
0x26: {  	[smem:$0x3FA0] =	sst s1;
	(tag) =	ssettag s2;
	_ =	strace s9  }
0x27: {  	s1 =	sld [smem:$0x3FB0]  }
0x28: {  	s2 =	sld [smem:$0x3FB1]  }
0x29: {  	s4 =	sld [smem:$0x3FB3]  }
0x2a: {  	p0 =	seq.s32 s5, $0x0;
	s5 =	sld [smem:$0x3FB4]  }
0x2b: {  	s6 =	sld [smem:$0x3FB5]  }
0x2c: {  	s7 =	sld [smem:$0x3FB6]  }
0x2d: {  	s3 =	simm.s32 $0x108;
	s8 =	sld [smem:$0x3FB7]  }
0x2e: {  	s3 =	simm.s32 @!p0 $0x1082;
	s9 =	sld [smem:$0x3FB8]  }
0x2f: {  	lr =	sadd.s32 s0, s3;
	s0 =	sld [smem:$0x3FAF]  }
0x30: {  	s3 =	sld [smem:$0x3FB2]  }
0x31: {  	[smem:$0x3FBB] =	sst s10  }
0x32: {  	s10 =	sld [smem:$0x3FB9];
	_ =	sdelay $0x3  }
0x33: {  	p0 =	seq.s32 s10, $0x1;
	s10 =	sld [smem:$0x3FBB];
	_ =	sdelay $0x3  }
0x34: {  	[smem:$0x3FBB] =	sst s10  }
0x35: {  	s10 =	sld [smem:$0x3FBA];
	_ =	sdelay $0x3  }
0x36: {  	p1 =	seq.s32 s10, $0x1;
	s10 =	sld [smem:$0x3FBB];
	_ =	sdelay $0x3  }
0x37: {  	[smem:$0x3FBB] =	sst s10  }
0x38: {  	s10 =	sld [smem:$0x3FBC]  }
0x39: {  	_ = 	snop;
	(pc) =	sbr.ind lr, $3  }
0x3a: {  	_ = 	snop  }
0x3b: {  	_ = 	snop  }
0x3c: {  	p2 =	seq.s32 s10, $0x1;
	s10 =	sld [smem:$0x3FBB]  }
0x3d: {  	_ =	shalt  }
0x3e: {  	_ =	shalt  }
0x3f: {  	_ =	shalt  }
0x40: {  	_ =	shalt  }
0x41: {  	_ =	shalt  }
0x42: {  	_ =	shalt  }
0x43: {  	_ =	shalt  }
0x44: {  	_ =	shalt  }
0x45: {  	_ =	shalt  }
0x46: {  	_ =	shalt  }
0x47: {  	_ =	shalt  }
0x48: {  	_ =	shalt  }
0x49: {  	_ =	shalt  }
0x4a: {  	_ =	shalt  }
0x4b: {  	_ =	shalt  }
0x4c: {  	_ =	shalt  }
0x4d: {  	_ =	shalt  }
0x4e: {  	_ =	shalt  }
0x4f: {  	_ =	shalt  }
0x50: {  	_ =	shalt  }
0x51: {  	_ =	shalt  }
0x52: {  	_ =	shalt  }
0x53: {  	_ =	shalt  }
0x54: {  	_ =	shalt  }
0x55: {  	_ =	shalt  }
0x56: {  	_ =	shalt  }
0x57: {  	_ =	shalt  }
0x58: {  	_ =	shalt  }
0x59: {  	_ =	shalt  }
0x5a: {  	_ =	shalt  }
0x5b: {  	_ =	shalt  }
0x5c: {  	_ =	shalt  }
0x5d: {  	_ =	shalt  }
0x5e: {  	_ =	shalt  }
0x5f: {  	_ =	shalt  }
0x60: {  	_ =	shalt  }
0x61: {  	_ =	shalt  }
0x62: {  	_ =	shalt  }
0x63: {  	_ =	shalt  }
0x64: {  	_ =	shalt  }
0x65: {  	_ =	shalt  }
0x66: {  	_ =	shalt  }
0x67: {  	_ =	shalt  }
0x68: {  	_ =	shalt  }
0x69: {  	_ =	shalt  }
0x6a: {  	_ =	shalt  }
0x6b: {  	_ =	shalt  }
0x6c: {  	_ =	shalt  }
0x6d: {  	_ =	shalt  }
0x6e: {  	_ =	shalt  }
0x6f: {  	_ =	shalt  }
0x70: {  	_ =	shalt  }
0x71: {  	_ =	shalt  }
0x72: {  	_ =	shalt  }
0x73: {  	_ =	shalt  }
0x74: {  	_ =	shalt  }
0x75: {  	_ =	shalt  }
0x76: {  	_ =	shalt  }
0x77: {  	_ =	shalt  }
0x78: {  	_ =	shalt  }
0x79: {  	_ =	shalt  }
0x7a: {  	_ =	shalt  }
0x7b: {  	_ =	shalt  }
0x7c: {  	_ =	shalt  }
0x7d: {  	_ =	shalt  }
0x7e: {  	_ =	shalt  }
0x7f: {  	_ =	shalt  }
0x80: {  	_ =	shalt  }
0x81: {  	_ =	shalt  }
0x82: {  	_ =	shalt  }
0x83: {  	_ =	shalt  }
0x84: {  	_ =	shalt  }
0x85: {  	_ =	shalt  }
0x86: {  	_ =	shalt  }
0x87: {  	_ =	shalt  }
.Lfunc_end0:
.L_simem_size_0:
called_computation_lowered:
.L_overlay_start_0:
0x88: {  	s2 =	sld [smem:$0x3FD9]  }
0x89: {  	s3 =	sld [smem:$0x3FFE];
	_ =	sdelay $0x1  }
0x8a: {  	s1 =	srdreg.scid  }
0x8b: {  	s0 =	sand.u32 $0x1, s1  }
0x8c: {  	s17 =	sshll.u32 s0, $0xA;
	s2 =	sadd.s32 s3, s2  }
0x8d: {  	s2 =	sadd.s32 s2, s17  }
0x8e: {  	[smem:$0x3FC7] =	sst s2  }
0x8f: {  	_ = 	snop  }
0x90: {  	s2 =	sld [smem:$0x3FC9]  }
0x91: {  	s18 =	sld [smem:$0x3FD0];
	(tm) =	ssettm $0x1  }
0x92: {  	s4 =	sld [smem:$0x3FFB];
	_ =	sdelay $0x3  }
0x93: {  	_ =	strace s4  }
0x94: {  	s4 =	sld [smem:$0x3FFC];
	_ =	sdelay $0x3  }
0x95: {  	_ =	strace s4  }
0x96: {  	s4 =	sld [smem:$0x3FFD];
	_ =	sdelay $0x3  }
0x97: {  	_ =	strace s4  }
0x98: {  	_ =	strace $0x8FFFFFFF  }
0x99: {  	s19 =	sld [smem:$0x3FDB];
	_ =	sdelay $0x1  }
0x9a: {  	s5 =	simm.s32 $_scs_section_size  }
0x9b: {  	s6 =	simm.s32 $_size__tile_overlayer_lowered;
	s7 =	simm.s32 $_tile_overlayer_lowered  }
0x9c: {  	s22 =	simm.s32 $0x1BFF;
	s21 =	sshll.u32 s7, $0x1;
	s4 =	sadd.s32 s5, s19  }
0x9d: {  	s8 =	simm.s32 $0x0;
	s20 =	sshll.u32 s6, $0x1;
	s6 =	sadd.s32 s21, s4  }
0x9e: {  	[timem:s8], [sflag:s22] =	dma.local [hbm:s6], s20  }
0x9f: {  	_ =	swait.ge [sflag:s22], s20  }
0xa0: {  	s5 =	ssub.s32 $0x0, s20;
	[sflag:s22] =	ssyncset.done $0x0  }
0xa1: {  	[sflag:s22] =	ssyncadd.s32 s5;
	_ =	sdelay $0x1  }
0xa2: {  	s23 =	simm.s32 $0x1B8B  }
0xa3: {  	_ =	swait.ge [sflag:s23], $0x1  }
0xa4: {  	[sflag:s23] =	ssyncset.done $0x0  }
0xa5: {  	s25 =	simm.s32 $0x1B8E;
	s24 =	sld [smem:$0x3FFE];
	[sflag:s23] =	ssyncadd.s32 $0xFFFFFFFF  }
0xa6: {  	s26 =	simm.s32 $execute0_lowered;
	[smem:$0x3FD2] =	sst s25  }
0xa7: {  	s6 =	sshll.u32 s26, $0x1;
	_ =	strace $0x80000046;
	[dreg:$0x1] =	wrdreg $0xFFFFFFFF  }
0xa8: {  	s28 =	simm.s32 $_size_execute0_lowered;
	s4 =	sadd.s32 s4, s6;
	[dreg:$0x0] =	wrdreg $0x0  }
0xa9: {  	s6 =	sshll.u32 s28, $0x1;
	[dreg:$0x2] =	wrdreg s4  }
0xaa: {  	[dreg:$0x3] =	wrdreg s6  }
0xab: {  	[dreg:$0x4] =	wrdreg $0xC0  }
0xac: {  	_ =	task [dreg:s8], $0x5FFFF  }
0xad: {  	[dreg:$0x1] =	wrdreg $0xFFFFFFFF  }
0xae: {  	[dreg:$0x0] =	wrdreg $0x60  }
0xaf: {  	[dreg:$0x2] =	wrdreg s2  }
0xb0: {  	[dreg:$0x3] =	wrdreg s24  }
0xb1: {  	[dreg:$0x4] =	wrdreg s18  }
0xb2: {  	[dreg:$0x5] =	wrdreg $0x9  }
0xb3: {  	_ =	task.clear_ibuf [dreg:s8], $0x6FFFF;
	_ =	strace $0x90000046  }
0xb4: {  	s29 =	simm.s32 $0x9;
	_ =	strace $0x80000048  }
0xb5: {  	_ =	swait.ge [sflag:s29], $0x1  }
0xb6: {  	[sflag:s29] =	ssyncadd.s32 $0xFFFFFFFF  }
0xb7: {  	_ =	strace $0x90000048  }
0xb8: {  	_ =	sfence  }
0xb9: {  	s30 =	sld [smem:$0x0];
	_ =	sdelay $0x2  }
0xba: {  	s31 =	sshll.u32 s1, $0xD;
	s1 =	sshrl.u32 s1, $0x2  }
0xbb: {  	s3 =	sand.u32 $0x4000, s31;
	s1 =	sadd.s32 s1, s30  }
0xbc: {  	s0 =	sor.u32 s3, s0;
	s1 =	sshll.u32 s1, $0x11  }
0xbd: {  	s0 =	sor.u32 s1, s0  }
0xbe: {  	s0 =	sadd.s32 $0x8F2B, s0  }
0xbf: {  	[sflag:s0] =	ssyncadd.remote.s32 $0x1  }
0xc0: {  	_ =	sfence.sel $0xFFFF  }
0xc1: {  	[dreg:$0x0] =	wrdreg $0xFFFFFFFF;
	(pc) =	sbr.abs _section_cstart, $3  }
0xc2: {  	[dreg:$0x1] =	wrdreg $0xFFFFFFFF  }
0xc3: {  	_ =	task.clear_ibuf [dreg:s8], $0x2FFFF;
	_ =	strace $0x9FFFFFFF  }
0xc4: {  	(tm) =	ssettm $0x7FFFFFFF  }
0xc5: {  	_ =	shalt  }
tec
execute0_lowered:
.L_overlay_start_1:
0x0: {  	(tag) =	ssettag $0x1  }
0x1: {  	s1 =	rddreg [dreg:$0x0]  }
0x2: {  	s7 =	rddreg [dreg:$0x1]  }
0x3: {  	s2 =	rddreg [dreg:$0x2]  }
0x4: {  	s4 =	simm.s32 $0x0;
	s0 =	srdreg.scid;
	s5 =	stileid.u32  }
0x5: {  	[smem:$0x7FF] =	sst s4;
	s0 =	sand.u32 $0x1, s0;
	s5 =	sshll.u32 s5, $0x1  }
0x6: {  	s3 =	sadd.s32 $0x600, s7;
	s17 =	sadd.s32 $0x800, s7;
	s5 =	sor.u32 s0, s5  }
0x7: {  	_ =	strace $0x80000047;
	[dreg:$0x4] =	wrdreg s3;
	s3 =	smul.u32 $0xF, s5  }
0x8: {  	s6 =	sadd.s32 $0x400, s7;
	[dreg:$0x5] =	wrdreg s17  }
0x9: {  	s18 =	sadd.s32 $0x200, s7;
	[dreg:$0x6] =	wrdreg s6;
	s6 =	sshrl.u32 s3, $0x2  }
0xa: {  	s0 =	ssub.s32 $0x2, s0;
	s20 =	sand.u32 $0x3, s3;
	s8 =	smul.u32 $0xCCCD, s6  }
0xb: {  	s19 =	sshrl.u32 s0, $0x1;
	s21 =	sadd.s32 $0x1, s3;
	s5 =	smul.u32 $0x3800, s20  }
0xc: {  	s9 =	sshrl.u32 s21, $0x2;
	s7 =	sand.u32 $0x3, s21;
	s21 =	smul.u32 $0xE000, s6  }
0xd: {  	s0 =	ssub.s32 s0, s19;
	s17 =	sadd.s32 $0x3, s3;
	s12 =	smul.u32 $0xCCCD, s9  }
0xe: {  	s14 =	sadd.s32 $0x4, s3;
	s19 =	sshrl.u32 s17, $0x2;
	s25 =	smul.u32 $0x3800, s7  }
0xf: {  	[dreg:$0x7] =	wrdreg s18;
	s14 =	sshrl.u32 s14, $0x2;
	s24 =	smul.u32 $0xCCCD, s19  }
0x10: {  	s13 =	sadd.s32 $0x2, s3;
	s28 =	smul.u32 $0xCCCD, s14;
	s10 =	sshrl.u32 s8, $0x12  }
0x11: {  	s11 =	sshll.u32 s10, $0x5;
	s16 =	sshrl.u32 s12, $0x12;
	[smem:$0x7C7] =	sst s25  }
0x12: {  	s20 =	sshrl.u32 s24, $0x12;
	s10 =	smul.u32 $0xFFFFFFFB, s10;
	[dreg:$0x8] =	wrdreg s11  }
0x13: {  	s11 =	sshrl.u32 s13, $0x2;
	s23 =	sshll.u32 s16, $0x5;
	s30 =	smul.u32 $0xFFFFFFFB, s16  }
0x14: {  	s12 =	sshll.u32 s20, $0x5;
	s20 =	smul.u32 $0xFFFFFFFB, s20;
	[dreg:$0x9] =	wrdreg s23  }
0x15: {  	s22 =	smul.u32 $0xCCCD, s11;
	[dreg:$0xb] =	wrdreg s12  }
0x16: {  	s23 =	sshrl.u32 s28, $0x12;
	s12 =	sadd.s32 s5, s21;
	s28 =	sand.u32 $0x3, s13  }
0x17: {  	s7 =	sshll.u32 s23, $0x5;
	s24 =	sshrl.u32 s12, $0x3;
	s20 =	sadd.s32 s19, s20  }
0x18: {  	s18 =	sshrl.u32 s22, $0x12;
	s22 =	sadd.s32 $0x5, s3;
	[dreg:$0xc] =	wrdreg s7  }
0x19: {  	s16 =	sadd.s32 s2, s24;
	s7 =	sadd.s32 s9, s30;
	[smem:$0x7CB] =	sst s20  }
0x1a: {  	s24 =	smul.u32 $0xE000, s9;
	s26 =	sshll.u32 s18, $0x5;
	[smem:$0x7C6] =	sst s7  }
0x1b: {  	s15 =	sshrl.u32 s22, $0x2;
	[dreg:$0xd] =	wrdreg s16;
	s7 =	smul.u32 $0x3800, s28  }
0x1c: {  	s8 =	sadd.s32 $0x1999A, s8;
	[dreg:$0xa] =	wrdreg s26;
	s29 =	smul.u32 $0xCCCD, s15  }
0x1d: {  	s20 =	sshrl.u32 s8, $0x12;
	s30 =	smul.u32 $0xFFFFFFFB, s18;
	[smem:$0x7C9] =	sst s7  }
0x1e: {  	s21 =	sshrl.u32 s29, $0x12;
	s29 =	sadd.s32 s25, s24;
	s24 =	sadd.s32 $0x6, s3  }
0x1f: {  	s26 =	sshll.u32 s21, $0x5;
	s13 =	sshrl.u32 s29, $0x3;
	s25 =	sshrl.u32 s24, $0x2  }
0x20: {  	s29 =	sand.u32 $0x3, s17;
	s17 =	sadd.s32 $0x7, s3;
	s9 =	smul.u32 $0xFFFFFFFB, s21  }
0x21: {  	[dreg:$0xe] =	wrdreg s26;
	s18 =	sadd.s32 s2, s13;
	s28 =	smul.u32 $0xCCCD, s25  }
0x22: {  	s26 =	sadd.s32 s11, s30;
	s30 =	smul.u32 $0x3800, s29;
	[dreg:$0xf] =	wrdreg s18  }
0x23: {  	s29 =	sand.u32 $0x3, s22;
	s22 =	sshll.u32 s20, $0x5;
	[smem:$0x7C8] =	sst s26  }
0x24: {  	s11 =	smul.u32 $0xE000, s11;
	s18 =	sshrl.u32 s17, $0x2;
	[dreg:$0x14] =	wrdreg s22  }
0x25: {  	s17 =	sand.u32 $0x3, s17;
	s16 =	sshrl.u32 s28, $0x12;
	s26 =	smul.u32 $0xCCCD, s18  }
0x26: {  	s11 =	sadd.s32 s7, s11;
	s7 =	smul.u32 $0xE000, s19;
	[smem:$0x7CA] =	sst s30  }
0x27: {  	s13 =	sshll.u32 s16, $0x5;
	s11 =	sshrl.u32 s11, $0x3;
	s8 =	smul.u32 $0xFFFFFFFB, s16  }
0x28: {  	[dreg:$0x10] =	wrdreg s13;
	s11 =	sadd.s32 s2, s11;
	s26 =	sshrl.u32 s26, $0x12  }
0x29: {  	s13 =	sadd.s32 s30, s7;
	s7 =	smul.u32 $0x3800, s29;
	[dreg:$0x11] =	wrdreg s11  }
0x2a: {  	s28 =	sshll.u32 s26, $0x5;
	s13 =	sshrl.u32 s13, $0x3;
	s11 =	sand.u32 $0x3, s24  }
0x2b: {  	[dreg:$0x12] =	wrdreg s28;
	s28 =	smul.u32 $0xFFFFFFFB, s23;
	s13 =	sadd.s32 s2, s13  }
0x2c: {  	s23 =	sadd.s32 s15, s9;
	s9 =	smul.u32 $0x3800, s11;
	[smem:$0x7CE] =	sst s7  }
0x2d: {  	s21 =	sadd.s32 $0x9, s3;
	s11 =	smul.u32 $0x3800, s17;
	[dreg:$0x13] =	wrdreg s13  }
0x2e: {  	s13 =	smul.u32 $0xE000, s14;
	[smem:$0x7CD] =	sst s23;
	s30 =	sadd.s32 s14, s28  }
0x2f: {  	s28 =	smul.u32 $0xE000, s15;
	s15 =	sshrl.u32 s21, $0x2;
	[smem:$0x7D0] =	sst s9  }
0x30: {  	[smem:$0x7D1] =	sst s11;
	s24 =	sadd.s32 s5, s13;
	s29 =	smul.u32 $0xCCCD, s15  }
0x31: {  	s23 =	sadd.s32 $0xA, s3;
	[smem:$0x7CC] =	sst s30;
	s16 =	sshrl.u32 s24, $0x3  }
0x32: {  	s30 =	sadd.s32 s7, s28;
	s16 =	sadd.s32 s2, s16;
	s22 =	sshrl.u32 s29, $0x12  }
0x33: {  	s17 =	sshrl.u32 s30, $0x3;
	s29 =	smul.u32 $0xFFFFFFFB, s26;
	[dreg:$0x15] =	wrdreg s16  }
0x34: {  	s16 =	sshrl.u32 s23, $0x2;
	s7 =	sshll.u32 s22, $0x5;
	s14 =	sadd.s32 s2, s17  }
0x35: {  	s17 =	smul.u32 $0xE000, s25;
	s25 =	sadd.s32 s25, s8;
	[dreg:$0x16] =	wrdreg s7  }
0x36: {  	s12 =	sadd.s32 $0x1C000, s12;
	s13 =	smul.u32 $0xCCCD, s16;
	[smem:$0x7CF] =	sst s25  }
0x37: {  	[dreg:$0x17] =	wrdreg s14;
	s25 =	sadd.s32 $0xB, s3;
	s8 =	sadd.s32 s18, s29  }
0x38: {  	s18 =	smul.u32 $0xE000, s18;
	s14 =	sadd.s32 $0xC, s3;
	s19 =	sshrl.u32 s25, $0x2  }
0x39: {  	s28 =	sshrl.u32 s14, $0x2;
	s24 =	sshrl.u32 s13, $0x12;
	s13 =	smul.u32 $0xCCCD, s19  }
0x3a: {  	s30 =	sadd.s32 s9, s17;
	s25 =	sand.u32 $0x3, s25;
	s17 =	smul.u32 $0xCCCD, s28  }
0x3b: {  	s7 =	sshrl.u32 s30, $0x3;
	s18 =	sadd.s32 s11, s18;
	s30 =	smul.u32 $0xFFFFFFFB, s20  }
0x3c: {  	s20 =	sadd.s32 s6, s10;
	s9 =	sshll.u32 s24, $0x5;
	s26 =	sadd.s32 s2, s7  }
0x3d: {  	s18 =	sshrl.u32 s18, $0x3;
	s7 =	sand.u32 $0x3, s21;
	[dreg:$0x18] =	wrdreg s9  }
0x3e: {  	s21 =	smul.u32 $0xFFFFFFFB, s22;
	s22 =	sadd.s32 $0xD, s3;
	[dreg:$0x19] =	wrdreg s26  }
0x3f: {  	s26 =	sshrl.u32 s13, $0x12;
	s18 =	sadd.s32 s2, s18;
	s7 =	smul.u32 $0x3800, s7  }
0x40: {  	s9 =	sand.u32 $0x3, s23;
	s23 =	smul.u32 $0xFFFFFFFB, s24;
	s24 =	sshrl.u32 s22, $0x2  }
0x41: {  	s13 =	sshrl.u32 s12, $0x3;
	s6 =	sadd.s32 s30, s6;
	s22 =	sand.u32 $0x3, s22  }
0x42: {  	s29 =	sshll.u32 s26, $0x5;
	[dreg:$0x1b] =	wrdreg s18;
	s9 =	smul.u32 $0x3800, s9  }
0x43: {  	s14 =	smul.u32 $0xCCCD, s24;
	s10 =	sadd.s32 s2, s13;
	[dreg:$0x1a] =	wrdreg s29  }
0x44: {  	s18 =	sshrl.u32 s17, $0x12;
	s17 =	smul.u32 $0xE000, s15;
	[dreg:$0x1d] =	wrdreg s10  }
0x45: {  	s26 =	smul.u32 $0xFFFFFFFB, s26;
	s11 =	sshll.u32 s18, $0x5;
	[smem:$0x7D2] =	sst s7  }
0x46: {  	[dreg:$0x1c] =	wrdreg s11;
	s11 =	smul.u32 $0x3800, s25;
	s25 =	sadd.s32 $0xE, s3  }
0x47: {  	s3 =	sadd.s32 s15, s21;
	s15 =	sadd.s32 s16, s23;
	s16 =	smul.u32 $0xE000, s16  }
0x48: {  	s10 =	sshrl.u32 s14, $0x12;
	s30 =	sadd.s32 s7, s17;
	s23 =	smul.u32 $0x3800, s22  }
0x49: {  	s12 =	sadd.s32 s19, s26;
	s19 =	smul.u32 $0xE000, s19;
	s7 =	sshrl.u32 s30, $0x3  }
0x4a: {  	s13 =	sshll.u32 s10, $0x5;
	s29 =	sshrl.u32 s25, $0x2;
	s25 =	sand.u32 $0x3, s25  }
0x4b: {  	[dreg:$0x1e] =	wrdreg s13;
	s14 =	sadd.s32 s2, s7;
	s17 =	smul.u32 $0xCCCD, s29  }
0x4c: {  	s16 =	sadd.s32 s9, s16;
	s26 =	smul.u32 $0x3800, s25;
	[smem:$0x7D6] =	sst s11  }
0x4d: {  	s30 =	sadd.s32 s11, s19;
	s11 =	smul.u32 $0xE000, s28;
	[smem:$0x7D9] =	sst s23  }
0x4e: {  	s13 =	smul.u32 $0xE000, s24;
	[dreg:$0x1f] =	wrdreg s14;
	s16 =	sshrl.u32 s16, $0x3  }
0x4f: {  	s7 =	sshrl.u32 s17, $0x12;
	s16 =	sadd.s32 s2, s16;
	s14 =	sadd.s32 s5, s11  }
0x50: {  	s22 =	sadd.s32 s23, s13;
	s17 =	sshll.u32 s7, $0x5;
	[smem:$0x7D5] =	sst s16  }
0x51: {  	s16 =	sshrl.u32 s30, $0x3;
	[smem:$0x7D3] =	sst s17;
	s17 =	smul.u32 $0xE000, s29  }
0x52: {  	s21 =	smul.u32 $0xFFFFFFFB, s7;
	s22 =	sshrl.u32 s22, $0x3;
	s16 =	sadd.s32 s2, s16  }
0x53: {  	s23 =	sadd.s32 s2, s22;
	[smem:$0x7D7] =	sst s16;
	s19 =	sadd.s32 s26, s17  }
0x54: {  	s16 =	sshrl.u32 s14, $0x3;
	s21 =	sadd.s32 s29, s21;
	s19 =	sshrl.u32 s19, $0x3  }
0x55: {  	s16 =	sadd.s32 s2, s16;
	p0 =	seq.s32 s21, $0x1;
	s2 =	sadd.s32 s2, s19  }
0x56: {  	[smem:$0x7DD] =	sst s2;
	s2 =	simm.s32 @!p0 $0x0  }
0x57: {  	s2 =	simm.s32 @p0 $0x1;
	p0 =	seq.s32 s21, $0x2  }
0x58: {  	[smem:$0x7DE] =	sst s2;
	s2 =	simm.s32 @!p0 $0x0  }
0x59: {  	s2 =	simm.s32 @p0 $0x1;
	p0 =	seq.s32 s21, $0x3  }
0x5a: {  	s10 =	smul.u32 $0xFFFFFFFB, s10;
	[smem:$0x7DF] =	sst s2;
	s2 =	simm.s32 @!p0 $0x0  }
0x5b: {  	s2 =	simm.s32 @p0 $0x1;
	p0 =	seq.s32 s21, $0x4  }
0x5c: {  	s10 =	sadd.s32 s24, s10;
	[smem:$0x7E0] =	sst s2;
	s2 =	simm.s32 @!p0 $0x0  }
0x5d: {  	s2 =	simm.s32 @p0 $0x1;
	p0 =	seq.s32 s10, $0x1  }
0x5e: {  	[smem:$0x7E1] =	sst s2;
	s2 =	simm.s32 @!p0 $0x0  }
0x5f: {  	s2 =	simm.s32 @p0 $0x1;
	p0 =	seq.s32 s10, $0x2  }
0x60: {  	[smem:$0x7E2] =	sst s2;
	s2 =	simm.s32 @!p0 $0x0  }
0x61: {  	s2 =	simm.s32 @p0 $0x1;
	p0 =	seq.s32 s10, $0x3  }
0x62: {  	s18 =	smul.u32 $0xFFFFFFFB, s18;
	[smem:$0x7E3] =	sst s2;
	s2 =	simm.s32 @!p0 $0x0  }
0x63: {  	s2 =	simm.s32 @p0 $0x1;
	p0 =	seq.s32 s10, $0x4  }
0x64: {  	s18 =	sadd.s32 s28, s18;
	[smem:$0x7E4] =	sst s2;
	s2 =	simm.s32 @!p0 $0x0  }
0x65: {  	s2 =	simm.s32 @p0 $0x1;
	p0 =	seq.s32 s18, $0x1  }
0x66: {  	[smem:$0x7E5] =	sst s2;
	s2 =	simm.s32 @!p0 $0x0  }
0x67: {  	s2 =	simm.s32 @p0 $0x1;
	p0 =	seq.s32 s18, $0x2  }
0x68: {  	[smem:$0x7E6] =	sst s2;
	s2 =	simm.s32 @!p0 $0x0  }
0x69: {  	s2 =	simm.s32 @p0 $0x1;
	p0 =	seq.s32 s18, $0x3  }
0x6a: {  	s31 =	simm.s32 $0x7000;
	[smem:$0x7E7] =	sst s2;
	s2 =	simm.s32 @!p0 $0x0  }
0x6b: {  	[smem:$0x7D8] =	sst s5;
	s2 =	simm.s32 @p0 $0x1;
	p0 =	seq.s32 s18, $0x4  }
0x6c: {  	p1 =	seq.s32 s8, $0x2;
	[smem:$0x7E8] =	sst s2;
	s2 =	simm.s32 @!p0 $0x0  }
0x6d: {  	p2 =	seq.s32 s8, $0x3;
	s2 =	simm.s32 @p0 $0x1;
	p0 =	seq.s32 s12, $0x1  }
0x6e: {  	p3 =	seq.s32 s8, $0x4;
	[smem:$0x7E9] =	sst s2;
	s2 =	simm.s32 @!p0 $0x0  }
0x6f: {  	[smem:$0x7D4] =	sst s9;
	s2 =	simm.s32 @p0 $0x1;
	p0 =	seq.s32 s12, $0x2  }
0x70: {  	s25 =	simm.s32 $0x1C080;
	[smem:$0x7EA] =	sst s2;
	s2 =	simm.s32 @!p0 $0x0  }
0x71: {  	[smem:$0x7F3] =	sst s25;
	s2 =	simm.s32 @p0 $0x1;
	p0 =	seq.s32 s12, $0x3  }
0x72: {  	s28 =	simm.s32 $0x1C100;
	[smem:$0x7EB] =	sst s2;
	s2 =	simm.s32 @!p0 $0x0  }
0x73: {  	[smem:$0x7F8] =	sst s28;
	s2 =	simm.s32 @p0 $0x1;
	p0 =	seq.s32 s12, $0x4  }
0x74: {  	s24 =	simm.s32 $0x1C000;
	[smem:$0x7EC] =	sst s2;
	s2 =	simm.s32 @!p0 $0x0  }
0x75: {  	[smem:$0x7DA] =	sst s26;
	s2 =	simm.s32 @p0 $0x1;
	p0 =	seq.s32 s15, $0x1  }
0x76: {  	s25 =	simm.s32 $0x11;
	[smem:$0x7ED] =	sst s2;
	s2 =	simm.s32 @!p0 $0x0  }
0x77: {  	[smem:$0x7F2] =	sst s24;
	s2 =	simm.s32 @p0 $0x1;
	p0 =	seq.s32 s15, $0x2  }
0x78: {  	s30 =	simm.s32 $0x1C200;
	[smem:$0x7EE] =	sst s2;
	s2 =	simm.s32 @!p0 $0x0  }
0x79: {  	[smem:$0x7FD] =	sst s30;
	s2 =	simm.s32 @p0 $0x1;
	p0 =	seq.s32 s15, $0x3  }
0x7a: {  	s24 =	smax.u32 s0, $0x1;
	[smem:$0x7EF] =	sst s2;
	s2 =	simm.s32 @!p0 $0x0  }
0x7b: {  	s22 =	simm.s32 $0x6;
	s2 =	simm.s32 @p0 $0x1;
	p0 =	seq.s32 s15, $0x4  }
0x7c: {  	[smem:$0x7DC] =	sst s23;
	s29 =	simm.s32 $0x1C180;
	s5 =	simm.s32 @!p0 $0x0  }
0x7d: {  	s23 =	simm.s32 $0x7;
	s5 =	simm.s32 @p0 $0x1;
	p0 =	seq.s32 s3, $0x1  }
0x7e: {  	s26 =	sadd.s32 $0x2, s6;
	[smem:$0x7F1] =	sst s5;
	s5 =	simm.s32 @!p0 $0x0  }
0x7f: {  	[smem:$0x7FC] =	sst s29;
	s5 =	simm.s32 @p0 $0x1;
	p0 =	seq.s32 s3, $0x2  }
0x80: {  	s17 =	simm.s32 $0x3800;
	[smem:$0x7F4] =	sst s5;
	s5 =	simm.s32 @!p0 $0x0  }
0x81: {  	[smem:$0x7DB] =	sst s16;
	s5 =	simm.s32 @p0 $0x1;
	p0 =	seq.s32 s3, $0x3  }
0x82: {  	p6 =	seq.s32 s26, $0x4;
	[smem:$0x7F5] =	sst s5;
	s5 =	simm.s32 @!p0 $0x0  }
0x83: {  	s16 =	simm.s32 $0x4;
	s5 =	simm.s32 @p0 $0x1;
	p0 =	seq.s32 s3, $0x4  }
0x84: {  	s19 =	simm.s32 $0x5;
	s21 =	simm.s32 $0xA;
	s3 =	simm.s32 @!p0 $0x0  }
0x85: {  	s10 =	simm.s32 $0x11800;
	s3 =	simm.s32 @p0 $0x1;
	p0 =	seq.s32 s26, $0x1  }
0x86: {  	s18 =	simm.s32 $0x9;
	[smem:$0x7F7] =	sst s3;
	s3 =	simm.s32 @!p0 $0x0  }
0x87: {  	[smem:$0x7F0] =	sst s2;
	s3 =	simm.s32 @p0 $0x1;
	p0 =	seq.s32 s26, $0x2  }
0x88: {  	s12 =	simm.s32 $0x2;
	[smem:$0x7F9] =	sst s3;
	s3 =	simm.s32 @!p0 $0x0  }
0x89: {  	[smem:$0x7F6] =	sst s5;
	s3 =	simm.s32 @p0 $0x1;
	p0 =	seq.s32 s26, $0x3  }
0x8a: {  	s15 =	simm.s32 $0x3;
	[smem:$0x7FA] =	sst s3;
	s3 =	simm.s32 @!p0 $0x0  }
0x8b: {  	s26 =	simm.s32 $0xC;
	s3 =	simm.s32 @p0 $0x1;
	p0 =	seq.s32 s8, $0x1  }
0x8c: {  	s8 =	simm.s32 $0xB;
	[smem:$0x7FB] =	sst s3;
	s3 =	simm.s32 $0xE000  }
.LBB2_1:
0x8d: {  	s0 =	rddreg [dreg:$0x4]  }
0x8e: {  	s2 =	sld [smem:$0x7F2]  }
0x8f: {  	s28 =	rddreg [dreg:$0x5]  }
0x90: {  	s29 =	sld [smem:$0x7F3]  }
0x91: {  	s11 =	rddreg [dreg:$0x6]  }
0x92: {  	s13 =	sld [smem:$0x7F8]  }
0x93: {  	[tilespmem:s2], [sflag:$0x11] =	stream.linear.gather [hbm4b:s0+s4], $0x1, $0x38;
	[tilespmem:$0x1C280] =	vst v63  }
0x94: {  	s14 =	rddreg [dreg:$0x7]  }
0x95: {  	[tilespmem:s29], [sflag:$0x11] =	stream.linear.gather [hbm4b:s28+s4], $0x1, $0x38;
	[tilespmem:$0x1C280] =	vst v63  }
0x96: {  	s30 =	sld [smem:$0x7FC]  }
0x97: {  	[tilespmem:s13], [sflag:$0x11] =	stream.linear.gather [hbm4b:s11+s4], $0x1, $0x38;
	[tilespmem:$0x1C280] =	vst v63  }
0x98: {  	s2 =	sld [smem:$0x7FD]  }
0x99: {  	[tilespmem:s30], [sflag:$0x11] =	stream.linear.gather [hbm4b:s14+s4], $0x1, $0x38;
	[tilespmem:$0x1C280] =	vst v63  }
0x9a: {  	s5 =	rddreg [dreg:$0x1]  }
0x9b: {  	[tilespmem:s2], [sflag:$0x11] =	stream.linear.gather [hbm4b:s5+s4], $0x1, $0x38;
	[tilespmem:$0x1C280] =	vst v63  }
0x9c: {  	_ =	swait.ge [sflag:s25], $0x1  }
0x9d: {  	[sflag:s25] =	ssyncset.done $0x0  }
0x9e: {  	[sflag:s25] =	ssyncadd.s32 $0xFFFFFFFF  }
0x9f: {  	_ =	swait.ge [sflag:s25], $0x1  }
0xa0: {  	[sflag:s25] =	ssyncset.done $0x0  }
0xa1: {  	[sflag:s25] =	ssyncadd.s32 $0xFFFFFFFF  }
0xa2: {  	_ =	swait.ge [sflag:s25], $0x1  }
0xa3: {  	[sflag:s25] =	ssyncset.done $0x0  }
0xa4: {  	[sflag:s25] =	ssyncadd.s32 $0xFFFFFFFF  }
0xa5: {  	_ =	swait.ge [sflag:s25], $0x1  }
0xa6: {  	[sflag:s25] =	ssyncset.done $0x0  }
0xa7: {  	[sflag:s25] =	ssyncadd.s32 $0xFFFFFFFF  }
0xa8: {  	_ =	swait.ge [sflag:s25], $0x1  }
0xa9: {  	[sflag:s25] =	ssyncset.done $0x0  }
0xaa: {  	[sflag:s25] =	ssyncadd.s32 $0xFFFFFFFF  }
0xab: {  	v0 =	vld [tilespmem:$0x1C000]  }
0xac: {  	v1 =	vld [tilespmem:$0x1C080];
	_ =	sdelay $0x1  }
0xad: {  	v2 =	vld [tilespmem:$0x1C100]  }
0xae: {  	v3 =	vld [tilespmem:$0x1C180]  }
0xaf: {  	v63 =	vld [tilespmem:$0x1C200];
	(v2sf) =	vpush v0, $0x0  }
0xb0: {  	(v2sf) =	vpush v1, $0x0;
	_ =	sdelay $0x1  }
0xb1: {  	(v2sf) =	vpush v2, $0x0  }
0xb2: {  	(v2sf) =	vpush v3, $0x0  }
0xb3: {  	(v2sf) =	vpush v63, $0x0;
	_ =	sdelay $0x9  }
0xb4: {  	s29 =	spop (v2sf)  }
0xb5: {  	s5 =	spop (v2sf)  }
0xb6: {  	p4 =	seq.s32 s20, $0x1;
	p5 =	seq.s32 s20, $0x2;
	s28 =	smov.u32 s5  }
0xb7: {  	s11 =	sld [smem:$0x7C6];
	s30 =	spop (v2sf);
	s28 =	smov.u32 @p4 s29  }
0xb8: {  	s0 =	spop (v2sf);
	p4 =	seq.s32 s20, $0x3;
	s28 =	smov.u32 @p5 s30  }
0xb9: {  	p5 =	seq.s32 s20, $0x4;
	s2 =	spop (v2sf);
	s28 =	smov.u32 @p4 s0  }
0xba: {  	s7 =	rddreg [dreg:$0x8];
	s28 =	smov.u32 @p5 s2  }
0xbb: {  	p4 =	seq.s32 s11, $0x1;
	s7 =	sadd.s32 s7, s28;
	s28 =	smov.u32 s5  }
0xbc: {  	p5 =	seq.s32 s11, $0x2;
	s28 =	smov.u32 @p4 s29;
	p4 =	seq.s32 s11, $0x3  }
0xbd: {  	s28 =	smov.u32 @p5 s30;
	p5 =	seq.s32 s11, $0x4;
	s11 =	sld [smem:$0x7D8]  }
0xbe: {  	s7 =	smul.u32 $0xE000, s7  }
0xbf: {  	s28 =	smov.u32 @p4 s0  }
0xc0: {  	s9 =	rddreg [dreg:$0x9];
	s28 =	smov.u32 @p5 s2;
	s7 =	sadd.s32 s11, s7  }
0xc1: {  	s6 =	sld [smem:$0x7C7];
	s9 =	sadd.s32 s9, s28;
	s7 =	sshrl.u32 s7, $0x3  }
0xc2: {  	s9 =	smul.u32 $0xE000, s9;
	s7 =	sadd.s32 s1, s7  }
0xc3: {  	[tilespmem:s4], [sflag:$0x1] =	stream.linear.gather [hbm4b:s7+s4], $0x3800, $0x38;
	[tilespmem:$0x1C280] =	vst v63  }
0xc4: {  	s7 =	sadd.s32 s6, s9  }
0xc5: {  	s13 =	sld [smem:$0x7C8];
	s7 =	sshrl.u32 s7, $0x3  }
0xc6: {  	s7 =	sadd.s32 s1, s7  }
0xc7: {  	[tilespmem:s17], [sflag:$0x2] =	stream.linear.gather [hbm4b:s7+s4], $0x3800, $0x38;
	[tilespmem:$0x1C280] =	vst v63  }
0xc8: {  	p4 =	seq.s32 s13, $0x1;
	s7 =	smov.u32 s5  }
0xc9: {  	p5 =	seq.s32 s13, $0x2;
	s7 =	smov.u32 @p4 s29  }
0xca: {  	p4 =	seq.s32 s13, $0x3;
	s7 =	smov.u32 @p5 s30  }
0xcb: {  	s14 =	rddreg [dreg:$0xa];
	p5 =	seq.s32 s13, $0x4;
	s7 =	smov.u32 @p4 s0  }
0xcc: {  	s13 =	sld [smem:$0x7CB];
	s7 =	smov.u32 @p5 s2  }
0xcd: {  	s6 =	sld [smem:$0x7C9];
	s7 =	sadd.s32 s14, s7  }
0xce: {  	s7 =	smul.u32 $0xE000, s7  }
0xcf: {  	s9 =	smov.u32 s5;
	p4 =	seq.s32 s13, $0x1;
	s14 =	sld [smem:$0x7CC]  }
0xd0: {  	p5 =	seq.s32 s13, $0x2;
	s9 =	smov.u32 @p4 s29;
	s7 =	sadd.s32 s6, s7  }
0xd1: {  	p4 =	seq.s32 s13, $0x3;
	s9 =	smov.u32 @p5 s30;
	s7 =	sshrl.u32 s7, $0x3  }
0xd2: {  	p5 =	seq.s32 s14, $0x1;
	s9 =	smov.u32 @p4 s0;
	s7 =	sadd.s32 s1, s7  }
0xd3: {  	[tilespmem:s31], [sflag:$0x3] =	stream.linear.gather [hbm4b:s7+s4], $0x3800, $0x38;
	[tilespmem:$0x1C280] =	vst v63  }
0xd4: {  	p4 =	seq.s32 s13, $0x4;
	s13 =	rddreg [dreg:$0xb];
	s7 =	smov.u32 s5  }
0xd5: {  	s9 =	smov.u32 @p4 s2;
	p4 =	seq.s32 s14, $0x2;
	s7 =	smov.u32 @p5 s29  }
0xd6: {  	s9 =	sadd.s32 s13, s9;
	s7 =	smov.u32 @p4 s30;
	p4 =	seq.s32 s14, $0x3  }
0xd7: {  	s7 =	smov.u32 @p4 s0;
	p4 =	seq.s32 s14, $0x4;
	s14 =	sld [smem:$0x7CA]  }
0xd8: {  	s6 =	rddreg [dreg:$0xc];
	s9 =	smul.u32 $0xE000, s9;
	s7 =	smov.u32 @p4 s2  }
0xd9: {  	s7 =	sadd.s32 s6, s7  }
0xda: {  	s9 =	sadd.s32 s14, s9;
	s7 =	smul.u32 $0xE000, s7  }
0xdb: {  	s9 =	sshrl.u32 s9, $0x3  }
0xdc: {  	s14 =	simm.s32 $0xA800;
	s9 =	sadd.s32 s1, s9;
	s7 =	sadd.s32 s11, s7  }
0xdd: {  	[tilespmem:s14], [sflag:$0x4] =	stream.linear.gather [hbm4b:s9+s4], $0x3800, $0x38;
	[tilespmem:$0x1C280] =	vst v63  }
0xde: {  	s28 =	sld [smem:$0x7CD];
	s7 =	sshrl.u32 s7, $0x3  }
0xdf: {  	s7 =	sadd.s32 s1, s7  }
0xe0: {  	[tilespmem:s3], [sflag:$0x5] =	stream.linear.gather [hbm4b:s7+s4], $0x3800, $0x38;
	[tilespmem:$0x1C280] =	vst v63  }
0xe1: {  	p4 =	seq.s32 s28, $0x1;
	s6 =	simm.s32 $0x1;
	s7 =	smov.u32 s5  }
0xe2: {  	s7 =	smov.u32 @p4 s29;
	p4 =	seq.s32 s28, $0x2;
	_ =	swait.ge [sflag:s6], $0x3800  }
0xe3: {  	s7 =	smov.u32 @p4 s30;
	p4 =	seq.s32 s28, $0x3;
	s9 =	rddreg [dreg:$0xe]  }
0xe4: {  	[sflag:s6] =	ssyncset.done $0x0;
	s7 =	smov.u32 @p4 s0;
	p4 =	seq.s32 s28, $0x4  }
0xe5: {  	s13 =	rddreg [dreg:$0xd];
	[sflag:s6] =	ssyncadd.s32 $0xFFFFC800;
	s7 =	smov.u32 @p4 s2  }
0xe6: {  	[hbm4b:s13+s4] =	stream.linear.scatter [tilespmem:s4], [sflag:$0x9], $0x3800, $0x38;
	[tilespmem:$0x1C280] =	vst v63  }
0xe7: {  	s13 =	sld [smem:$0x7CE];
	s7 =	sadd.s32 s9, s7  }
0xe8: {  	s7 =	smul.u32 $0xE000, s7;
	_ =	sdelay $0x1  }
0xe9: {  	s7 =	sadd.s32 s13, s7  }
0xea: {  	s28 =	sld [smem:$0x7CF];
	s7 =	sshrl.u32 s7, $0x3  }
0xeb: {  	s7 =	sadd.s32 s1, s7  }
0xec: {  	[tilespmem:s10], [sflag:$0x6] =	stream.linear.gather [hbm4b:s7+s4], $0x3800, $0x38;
	[tilespmem:$0x1C280] =	vst v63  }
0xed: {  	p4 =	seq.s32 s28, $0x1;
	s7 =	smov.u32 s5  }
0xee: {  	s7 =	smov.u32 @p4 s29;
	p4 =	seq.s32 s28, $0x2;
	_ =	swait.ge [sflag:s12], $0x3800  }
0xef: {  	s7 =	smov.u32 @p4 s30;
	p4 =	seq.s32 s28, $0x3;
	s9 =	rddreg [dreg:$0x10]  }
0xf0: {  	[sflag:s12] =	ssyncset.done $0x0;
	s7 =	smov.u32 @p4 s0;
	p4 =	seq.s32 s28, $0x4  }
0xf1: {  	s13 =	rddreg [dreg:$0xf];
	[sflag:s12] =	ssyncadd.s32 $0xFFFFC800;
	s7 =	smov.u32 @p4 s2  }
0xf2: {  	[hbm4b:s13+s4] =	stream.linear.scatter [tilespmem:s17], [sflag:$0xA], $0x3800, $0x38;
	[tilespmem:$0x1C280] =	vst v63  }
0xf3: {  	s13 =	sld [smem:$0x7D0];
	s7 =	sadd.s32 s9, s7  }
0xf4: {  	s7 =	smul.u32 $0xE000, s7;
	_ =	sdelay $0x1  }
0xf5: {  	s7 =	sadd.s32 s13, s7  }
0xf6: {  	s7 =	sshrl.u32 s7, $0x3  }
0xf7: {  	s13 =	simm.s32 $0x15000;
	s7 =	sadd.s32 s1, s7  }
0xf8: {  	[tilespmem:s13], [sflag:$0x7] =	stream.linear.gather [hbm4b:s7+s4], $0x3800, $0x38;
	[tilespmem:$0x1C280] =	vst v63  }
0xf9: {  	s7 =	smov.u32 s5  }
0xfa: {  	s7 =	smov.u32 @p0 s29  }
0xfb: {  	_ =	swait.ge [sflag:s15], $0x3800;
	s7 =	smov.u32 @p1 s30  }
0xfc: {  	s9 =	rddreg [dreg:$0x12];
	[sflag:s15] =	ssyncset.done $0x0;
	s7 =	smov.u32 @p2 s0  }
0xfd: {  	s28 =	rddreg [dreg:$0x11];
	[sflag:s15] =	ssyncadd.s32 $0xFFFFC800;
	s7 =	smov.u32 @p3 s2  }
0xfe: {  	[hbm4b:s28+s4] =	stream.linear.scatter [tilespmem:s31], [sflag:$0xB], $0x3800, $0x38;
	[tilespmem:$0x1C280] =	vst v63  }
0xff: {  	s28 =	sld [smem:$0x7D1];
	s7 =	sadd.s32 s9, s7  }
0x100: {  	s7 =	smul.u32 $0xE000, s7;
	_ =	sdelay $0x1  }
0x101: {  	s7 =	sadd.s32 s28, s7  }
0x102: {  	s7 =	sshrl.u32 s7, $0x3  }
0x103: {  	s28 =	simm.s32 $0x18800;
	s7 =	sadd.s32 s1, s7  }
0x104: {  	[tilespmem:s28], [sflag:$0x8] =	stream.linear.gather [hbm4b:s7+s4], $0x3800, $0x38;
	[tilespmem:$0x1C280] =	vst v63  }
0x105: {  	_ =	swait.ge [sflag:s16], $0x3800  }
0x106: {  	[sflag:s16] =	ssyncset.done $0x0  }
0x107: {  	s9 =	rddreg [dreg:$0x13];
	[sflag:s16] =	ssyncadd.s32 $0xFFFFC800  }
0x108: {  	[hbm4b:s9+s4] =	stream.linear.scatter [tilespmem:s14], [sflag:$0xC], $0x3800, $0x38;
	[tilespmem:$0x1C280] =	vst v63  }
0x109: {  	_ =	swait.ge [sflag:s18], $0x3800  }
0x10a: {  	s9 =	sld [smem:$0x7F9];
	_ =	sdelay $0x2  }
0x10b: {  	p4 =	seq.s32 s9, $0x1;
	s9 =	sld [smem:$0x7FA];
	_ =	sdelay $0x1  }
0x10c: {  	s7 =	smov.u32 s5  }
0x10d: {  	s7 =	smov.u32 @p4 s29;
	p4 =	seq.s32 s9, $0x1;
	s9 =	rddreg [dreg:$0x14]  }
0x10e: {  	[smem:$0x7C5] =	sst s0  }
0x10f: {  	s0 =	sld [smem:$0x7FB];
	_ =	sdelay $0x2  }
0x110: {  	s7 =	smov.u32 @p4 s30;
	p4 =	seq.s32 s0, $0x1;
	s0 =	sld [smem:$0x7C5]  }
0x111: {  	_ =	sdelay $0x1  }
0x112: {  	s7 =	smov.u32 @p4 s0  }
0x113: {  	s7 =	smov.u32 @p6 s2  }
0x114: {  	s7 =	sadd.s32 s9, s7  }
0x115: {  	s7 =	smul.u32 $0xE000, s7;
	_ =	sdelay $0x1  }
0x116: {  	s7 =	sadd.s32 s11, s7  }
0x117: {  	[sflag:s18] =	ssyncset.done $0x0;
	s7 =	sshrl.u32 s7, $0x3  }
0x118: {  	[sflag:s18] =	ssyncadd.s32 $0xFFFFC800;
	s7 =	sadd.s32 s1, s7  }
0x119: {  	[tilespmem:s4], [sflag:$0x1] =	stream.linear.gather [hbm4b:s7+s4], $0x3800, $0x38;
	[tilespmem:$0x1C280] =	vst v63  }
0x11a: {  	_ =	swait.ge [sflag:s19], $0x3800  }
0x11b: {  	[sflag:s19] =	ssyncset.done $0x0  }
0x11c: {  	s9 =	rddreg [dreg:$0x15];
	[sflag:s19] =	ssyncadd.s32 $0xFFFFC800  }
0x11d: {  	[hbm4b:s9+s4] =	stream.linear.scatter [tilespmem:s3], [sflag:$0xD], $0x3800, $0x38;
	[tilespmem:$0x1C280] =	vst v63  }
0x11e: {  	_ =	swait.ge [sflag:s21], $0x3800  }
0x11f: {  	s9 =	sld [smem:$0x7F4];
	_ =	sdelay $0x2  }
0x120: {  	p4 =	seq.s32 s9, $0x1;
	s9 =	sld [smem:$0x7F5];
	_ =	sdelay $0x1  }
0x121: {  	s7 =	smov.u32 s5  }
0x122: {  	s7 =	smov.u32 @p4 s29;
	p4 =	seq.s32 s9, $0x1;
	s9 =	rddreg [dreg:$0x16]  }
0x123: {  	[smem:$0x7C5] =	sst s6  }
0x124: {  	s6 =	sld [smem:$0x7F6];
	_ =	sdelay $0x2  }
0x125: {  	s7 =	smov.u32 @p4 s30;
	p4 =	seq.s32 s6, $0x1;
	s6 =	sld [smem:$0x7C5]  }
0x126: {  	_ =	sdelay $0x1  }
0x127: {  	[smem:$0x7C5] =	sst s6  }
0x128: {  	s6 =	sld [smem:$0x7F7];
	_ =	sdelay $0x2  }
0x129: {  	s7 =	smov.u32 @p4 s0;
	p4 =	seq.s32 s6, $0x1  }
0x12a: {  	s6 =	sld [smem:$0x7C5];
	s7 =	smov.u32 @p4 s2  }
0x12b: {  	s7 =	sadd.s32 s9, s7;
	s9 =	sld [smem:$0x7D2]  }
0x12c: {  	s7 =	smul.u32 $0xE000, s7;
	_ =	sdelay $0x1  }
0x12d: {  	s7 =	sadd.s32 s9, s7  }
0x12e: {  	[sflag:s21] =	ssyncset.done $0x0;
	s7 =	sshrl.u32 s7, $0x3  }
0x12f: {  	[sflag:s21] =	ssyncadd.s32 $0xFFFFC800;
	s7 =	sadd.s32 s1, s7  }
0x130: {  	[tilespmem:s17], [sflag:$0x2] =	stream.linear.gather [hbm4b:s7+s4], $0x3800, $0x38;
	[tilespmem:$0x1C280] =	vst v63  }
0x131: {  	_ =	swait.ge [sflag:s22], $0x3800  }
0x132: {  	[sflag:s22] =	ssyncset.done $0x0  }
0x133: {  	s9 =	rddreg [dreg:$0x17];
	[sflag:s22] =	ssyncadd.s32 $0xFFFFC800  }
0x134: {  	[hbm4b:s9+s4] =	stream.linear.scatter [tilespmem:s10], [sflag:$0xE], $0x3800, $0x38;
	[tilespmem:$0x1C280] =	vst v63  }
0x135: {  	_ =	swait.ge [sflag:s8], $0x3800  }
0x136: {  	s9 =	sld [smem:$0x7EE];
	_ =	sdelay $0x2  }
0x137: {  	p4 =	seq.s32 s9, $0x1;
	s9 =	sld [smem:$0x7EF];
	_ =	sdelay $0x1  }
0x138: {  	s7 =	smov.u32 s5  }
0x139: {  	s7 =	smov.u32 @p4 s29;
	p4 =	seq.s32 s9, $0x1;
	s9 =	rddreg [dreg:$0x18]  }
0x13a: {  	[smem:$0x7C5] =	sst s3  }
0x13b: {  	s3 =	sld [smem:$0x7F0];
	_ =	sdelay $0x2  }
0x13c: {  	s7 =	smov.u32 @p4 s30;
	p4 =	seq.s32 s3, $0x1;
	s3 =	sld [smem:$0x7C5]  }
0x13d: {  	_ =	sdelay $0x1  }
0x13e: {  	[smem:$0x7C5] =	sst s3  }
0x13f: {  	s3 =	sld [smem:$0x7F1];
	_ =	sdelay $0x2  }
0x140: {  	s7 =	smov.u32 @p4 s0;
	p4 =	seq.s32 s3, $0x1  }
0x141: {  	s3 =	sld [smem:$0x7C5];
	s7 =	smov.u32 @p4 s2  }
0x142: {  	s7 =	sadd.s32 s9, s7;
	s9 =	sld [smem:$0x7D4]  }
0x143: {  	s7 =	smul.u32 $0xE000, s7;
	_ =	sdelay $0x1  }
0x144: {  	s7 =	sadd.s32 s9, s7  }
0x145: {  	[sflag:s8] =	ssyncset.done $0x0;
	s7 =	sshrl.u32 s7, $0x3  }
0x146: {  	[sflag:s8] =	ssyncadd.s32 $0xFFFFC800;
	s7 =	sadd.s32 s1, s7  }
0x147: {  	[tilespmem:s31], [sflag:$0x3] =	stream.linear.gather [hbm4b:s7+s4], $0x3800, $0x38;
	[tilespmem:$0x1C280] =	vst v63  }
0x148: {  	_ =	swait.ge [sflag:s23], $0x3800  }
0x149: {  	[sflag:s23] =	ssyncset.done $0x0  }
0x14a: {  	s9 =	rddreg [dreg:$0x19];
	[sflag:s23] =	ssyncadd.s32 $0xFFFFC800  }
0x14b: {  	[hbm4b:s9+s4] =	stream.linear.scatter [tilespmem:s13], [sflag:$0xF], $0x3800, $0x38;
	[tilespmem:$0x1C280] =	vst v63  }
0x14c: {  	_ =	swait.ge [sflag:s26], $0x3800  }
0x14d: {  	s9 =	sld [smem:$0x7EA];
	_ =	sdelay $0x2  }
0x14e: {  	p4 =	seq.s32 s9, $0x1;
	s9 =	sld [smem:$0x7EB];
	_ =	sdelay $0x1  }
0x14f: {  	s7 =	smov.u32 s5  }
0x150: {  	s7 =	smov.u32 @p4 s29;
	p4 =	seq.s32 s9, $0x1;
	s9 =	rddreg [dreg:$0x1a]  }
0x151: {  	[smem:$0x7C5] =	sst s3  }
0x152: {  	s3 =	sld [smem:$0x7EC];
	_ =	sdelay $0x2  }
0x153: {  	s7 =	smov.u32 @p4 s30;
	p4 =	seq.s32 s3, $0x1;
	s3 =	sld [smem:$0x7C5]  }
0x154: {  	_ =	sdelay $0x1  }
0x155: {  	[smem:$0x7C5] =	sst s3  }
0x156: {  	s3 =	sld [smem:$0x7ED];
	_ =	sdelay $0x2  }
0x157: {  	s7 =	smov.u32 @p4 s0;
	p4 =	seq.s32 s3, $0x1  }
0x158: {  	s3 =	sld [smem:$0x7C5];
	s7 =	smov.u32 @p4 s2  }
0x159: {  	s7 =	sadd.s32 s9, s7;
	s9 =	sld [smem:$0x7D6]  }
0x15a: {  	s7 =	smul.u32 $0xE000, s7;
	_ =	sdelay $0x1  }
0x15b: {  	s7 =	sadd.s32 s9, s7  }
0x15c: {  	[sflag:s26] =	ssyncset.done $0x0;
	s7 =	sshrl.u32 s7, $0x3  }
0x15d: {  	[sflag:s26] =	ssyncadd.s32 $0xFFFFC800;
	s9 =	simm.s32 $0x8;
	s7 =	sadd.s32 s1, s7  }
0x15e: {  	[tilespmem:s14], [sflag:$0x4] =	stream.linear.gather [hbm4b:s7+s4], $0x3800, $0x38;
	[tilespmem:$0x1C280] =	vst v63  }
0x15f: {  	_ =	swait.ge [sflag:s9], $0x3800  }
0x160: {  	[sflag:s9] =	ssyncset.done $0x0  }
0x161: {  	s7 =	rddreg [dreg:$0x1b];
	[sflag:s9] =	ssyncadd.s32 $0xFFFFC800  }
0x162: {  	[hbm4b:s7+s4] =	stream.linear.scatter [tilespmem:s28], [sflag:$0x10], $0x3800, $0x38;
	[tilespmem:$0x1C280] =	vst v63  }
0x163: {  	s28 =	simm.s32 $0xD  }
0x164: {  	_ =	swait.ge [sflag:s28], $0x3800  }
0x165: {  	s9 =	sld [smem:$0x7E6];
	_ =	sdelay $0x2  }
0x166: {  	p4 =	seq.s32 s9, $0x1;
	s9 =	sld [smem:$0x7E7];
	_ =	sdelay $0x1  }
0x167: {  	s7 =	smov.u32 s5  }
0x168: {  	s7 =	smov.u32 @p4 s29;
	p4 =	seq.s32 s9, $0x1;
	s9 =	rddreg [dreg:$0x1c]  }
0x169: {  	[smem:$0x7C5] =	sst s0  }
0x16a: {  	s0 =	sld [smem:$0x7E8];
	_ =	sdelay $0x2  }
0x16b: {  	s7 =	smov.u32 @p4 s30;
	p4 =	seq.s32 s0, $0x1;
	s0 =	sld [smem:$0x7C5]  }
0x16c: {  	[smem:$0x7C5] =	sst s2  }
0x16d: {  	s2 =	sld [smem:$0x7E9];
	_ =	sdelay $0x2  }
0x16e: {  	s7 =	smov.u32 @p4 s0;
	p4 =	seq.s32 s2, $0x1;
	s2 =	sld [smem:$0x7C5]  }
0x16f: {  	_ =	sdelay $0x1  }
0x170: {  	s7 =	smov.u32 @p4 s2  }
0x171: {  	s7 =	sadd.s32 s9, s7  }
0x172: {  	s7 =	smul.u32 $0xE000, s7;
	_ =	sdelay $0x1  }
0x173: {  	s7 =	sadd.s32 s11, s7  }
0x174: {  	[sflag:s28] =	ssyncset.done $0x0;
	s7 =	sshrl.u32 s7, $0x3  }
0x175: {  	[sflag:s28] =	ssyncadd.s32 $0xFFFFC800;
	s7 =	sadd.s32 s1, s7  }
0x176: {  	[tilespmem:s3], [sflag:$0x5] =	stream.linear.gather [hbm4b:s7+s4], $0x3800, $0x38;
	[tilespmem:$0x1C280] =	vst v63  }
0x177: {  	_ =	swait.ge [sflag:s6], $0x3800  }
0x178: {  	[sflag:s6] =	ssyncset.done $0x0  }
0x179: {  	s9 =	rddreg [dreg:$0x1d];
	[sflag:s6] =	ssyncadd.s32 $0xFFFFC800;
	s6 =	simm.s32 $0xE  }
0x17a: {  	[hbm4b:s9+s4] =	stream.linear.scatter [tilespmem:s4], [sflag:$0x9], $0x3800, $0x38;
	[tilespmem:$0x1C280] =	vst v63  }
0x17b: {  	_ =	swait.ge [sflag:s6], $0x3800  }
0x17c: {  	s11 =	sld [smem:$0x7E2];
	_ =	sdelay $0x2  }
0x17d: {  	p4 =	seq.s32 s11, $0x1;
	s11 =	sld [smem:$0x7E3];
	_ =	sdelay $0x1  }
0x17e: {  	s7 =	smov.u32 s5  }
0x17f: {  	s7 =	smov.u32 @p4 s29;
	p4 =	seq.s32 s11, $0x1;
	s11 =	sld [smem:$0x7E4]  }
0x180: {  	_ =	sdelay $0x1  }
0x181: {  	s7 =	smov.u32 @p4 s30;
	p4 =	seq.s32 s11, $0x1;
	s11 =	sld [smem:$0x7E5]  }
0x182: {  	_ =	sdelay $0x1  }
0x183: {  	s7 =	smov.u32 @p4 s0;
	p4 =	seq.s32 s11, $0x1  }
0x184: {  	s9 =	rddreg [dreg:$0x1e];
	s7 =	smov.u32 @p4 s2  }
0x185: {  	s11 =	sld [smem:$0x7D9];
	s7 =	sadd.s32 s9, s7  }
0x186: {  	s7 =	smul.u32 $0xE000, s7;
	_ =	sdelay $0x1  }
0x187: {  	s7 =	sadd.s32 s11, s7  }
0x188: {  	[sflag:s6] =	ssyncset.done $0x0;
	s7 =	sshrl.u32 s7, $0x3  }
0x189: {  	[sflag:s6] =	ssyncadd.s32 $0xFFFFC800;
	s7 =	sadd.s32 s1, s7  }
0x18a: {  	[tilespmem:s10], [sflag:$0x6] =	stream.linear.gather [hbm4b:s7+s4], $0x3800, $0x38;
	[tilespmem:$0x1C280] =	vst v63  }
0x18b: {  	_ =	swait.ge [sflag:s12], $0x3800  }
0x18c: {  	[sflag:s12] =	ssyncset.done $0x0;
	s9 =	sld [smem:$0x7DE]  }
0x18d: {  	s11 =	rddreg [dreg:$0x1f];
	[sflag:s12] =	ssyncadd.s32 $0xFFFFC800  }
0x18e: {  	[hbm4b:s11+s4] =	stream.linear.scatter [tilespmem:s17], [sflag:$0xA], $0x3800, $0x38;
	[tilespmem:$0x1C280] =	vst v63  }
0x18f: {  	p4 =	seq.s32 s9, $0x1;
	s9 =	simm.s32 $0xF  }
0x190: {  	_ =	swait.ge [sflag:s9], $0x3800  }
0x191: {  	s11 =	sld [smem:$0x7DF];
	_ =	sdelay $0x2  }
0x192: {  	s5 =	smov.u32 @p4 s29;
	p4 =	seq.s32 s11, $0x1  }
0x193: {  	s5 =	smov.u32 @p4 s30;
	s30 =	sld [smem:$0x7E0]  }
0x194: {  	s11 =	sld [smem:$0x7E1];
	_ =	sdelay $0x1  }
0x195: {  	s29 =	sld [smem:$0x7D3];
	p4 =	seq.s32 s30, $0x1  }
0x196: {  	s5 =	smov.u32 @p4 s0;
	p4 =	seq.s32 s11, $0x1  }
0x197: {  	s5 =	smov.u32 @p4 s2  }
0x198: {  	s30 =	sld [smem:$0x7DA];
	s29 =	sadd.s32 s29, s5  }
0x199: {  	s0 =	smul.u32 $0xE000, s29;
	_ =	sdelay $0x1  }
0x19a: {  	s0 =	sadd.s32 s30, s0  }
0x19b: {  	[sflag:s9] =	ssyncset.done $0x0;
	s0 =	sshrl.u32 s0, $0x3  }
0x19c: {  	[sflag:s9] =	ssyncadd.s32 $0xFFFFC800;
	s0 =	sadd.s32 s1, s0  }
0x19d: {  	[tilespmem:s13], [sflag:$0x7] =	stream.linear.gather [hbm4b:s0+s4], $0x3800, $0x38;
	[tilespmem:$0x1C280] =	vst v63  }
0x19e: {  	_ =	swait.ge [sflag:s15], $0x3800  }
0x19f: {  	s5 =	sld [smem:$0x7D5]  }
0x1a0: {  	[sflag:s15] =	ssyncset.done $0x0  }
0x1a1: {  	[sflag:s15] =	ssyncadd.s32 $0xFFFFC800  }
0x1a2: {  	[hbm4b:s5+s4] =	stream.linear.scatter [tilespmem:s31], [sflag:$0xB], $0x3800, $0x38;
	[tilespmem:$0x1C280] =	vst v63  }
0x1a3: {  	_ =	swait.ge [sflag:s16], $0x3800  }
0x1a4: {  	s7 =	sld [smem:$0x7D7]  }
0x1a5: {  	[sflag:s16] =	ssyncset.done $0x0  }
0x1a6: {  	[sflag:s16] =	ssyncadd.s32 $0xFFFFC800  }
0x1a7: {  	[hbm4b:s7+s4] =	stream.linear.scatter [tilespmem:s14], [sflag:$0xC], $0x3800, $0x38;
	[tilespmem:$0x1C280] =	vst v63  }
0x1a8: {  	_ =	swait.ge [sflag:s19], $0x3800  }
0x1a9: {  	s11 =	sld [smem:$0x7DB]  }
0x1aa: {  	[sflag:s19] =	ssyncset.done $0x0  }
0x1ab: {  	[sflag:s19] =	ssyncadd.s32 $0xFFFFC800  }
0x1ac: {  	[hbm4b:s11+s4] =	stream.linear.scatter [tilespmem:s3], [sflag:$0xD], $0x3800, $0x38;
	[tilespmem:$0x1C280] =	vst v63  }
0x1ad: {  	_ =	swait.ge [sflag:s22], $0x3800  }
0x1ae: {  	s14 =	sld [smem:$0x7DC]  }
0x1af: {  	[sflag:s22] =	ssyncset.done $0x0  }
0x1b0: {  	[sflag:s22] =	ssyncadd.s32 $0xFFFFC800  }
0x1b1: {  	[hbm4b:s14+s4] =	stream.linear.scatter [tilespmem:s10], [sflag:$0xE], $0x3800, $0x38;
	[tilespmem:$0x1C280] =	vst v63  }
0x1b2: {  	_ =	swait.ge [sflag:s23], $0x3800  }
0x1b3: {  	s29 =	sld [smem:$0x7DD]  }
0x1b4: {  	[sflag:s23] =	ssyncset.done $0x0  }
0x1b5: {  	s30 =	simm.s32 $0x10;
	[sflag:s23] =	ssyncadd.s32 $0xFFFFC800  }
0x1b6: {  	[hbm4b:s29+s4] =	stream.linear.scatter [tilespmem:s13], [sflag:$0xF], $0x3800, $0x38;
	[tilespmem:$0x1C280] =	vst v63  }
0x1b7: {  	_ =	swait.ge [sflag:s30], $0x3800  }
0x1b8: {  	[sflag:s30] =	ssyncset.done $0x0  }
0x1b9: {  	[sflag:s30] =	ssyncadd.s32 $0xFFFFC800  }
0x1ba: {  	_ =	swait.ge [sflag:s18], $0x3800  }
0x1bb: {  	[sflag:s18] =	ssyncset.done $0x0  }
0x1bc: {  	[sflag:s18] =	ssyncadd.s32 $0xFFFFC800  }
0x1bd: {  	_ =	swait.ge [sflag:s21], $0x3800  }
0x1be: {  	[sflag:s21] =	ssyncset.done $0x0  }
0x1bf: {  	[sflag:s21] =	ssyncadd.s32 $0xFFFFC800  }
0x1c0: {  	_ =	swait.ge [sflag:s8], $0x3800  }
0x1c1: {  	[sflag:s8] =	ssyncset.done $0x0  }
0x1c2: {  	[sflag:s8] =	ssyncadd.s32 $0xFFFFC800  }
0x1c3: {  	_ =	swait.ge [sflag:s26], $0x3800  }
0x1c4: {  	[sflag:s26] =	ssyncset.done $0x0  }
0x1c5: {  	[sflag:s26] =	ssyncadd.s32 $0xFFFFC800  }
0x1c6: {  	_ =	swait.ge [sflag:s28], $0x3800  }
0x1c7: {  	[sflag:s28] =	ssyncset.done $0x0  }
0x1c8: {  	[sflag:s28] =	ssyncadd.s32 $0xFFFFC800  }
0x1c9: {  	p4 =	sne.s32 s24, $0x1;
	_ =	swait.ge [sflag:s6], $0x3800  }
.Ltmp0:
0x1ca: {  	[sflag:s6] =	ssyncset.done $0x0;
	(pc) =	sbr.rel @p4 .LBB2_1-.Ltmp0, $4  }
0x1cb: {  	[sflag:s6] =	ssyncadd.s32 $0xFFFFC800  }
0x1cc: {  	_ =	swait.ge [sflag:s9], $0x3800  }
0x1cd: {  	[sflag:s9] =	ssyncset.done $0x0  }
0x1ce: {  	s24 =	sadd.s32 $0xFFFFFFFF, s24;
	[sflag:s9] =	ssyncadd.s32 $0xFFFFC800  }
0x1cf: {  	_ =	sfence.sel $0x180000  }
0x1d0: {  	[bflag:$0x0] =	sbarrier.arrive $0xFFFF  }
0x1d1: {  	_ =	strace $0x90000047  }
0x1d2: {  	s0 =	stileid.u32;
	[bflag:$0x2] =	sbarrier.arrive $0xFFFF  }
0x1d3: {  	p0 =	sne.s32 s0, $0x0;
	s0 =	rddreg [dreg:$0x3]  }
0x1d4: {  	s0 =	sadd.s32 @!p0 $0x100000, s0  }
0x1d5: {  	[sflag:s0] =	ssyncadd.tile.s32 @!p0 $0x1;
	_ =	shalt  }
.Lfunc_end2:
_tile_overlayer_lowered:
.L_overlay_start_2:
0x1d6: {  	(tag) =	ssettag $0x2  }
0x1d7: {  	s0 =	rddreg [dreg:$0x0];
	s2 =	stileid.u32  }
0x1d8: {  	s1 =	rddreg [dreg:$0x1];
	p0 =	sne.s32 s2, $0x0  }
0x1d9: {  	s3 =	rddreg [dreg:$0x2];
	[bflag:$0x3] =	sbarrier.arrive $0xFFFF;
	s2 =	simm.s32 @!p0 $0x1C11  }
0x1da: {  	[timem:s3], [sflag:s2] =	dma.local @!p0 [hbm:s0], s1  }
0x1db: {  	s0 =	simm.s32 @!p0 $0x11  }
0x1dc: {  	_ =	swait.ge @!p0 [sflag:s0], s1  }
0x1dd: {  	s1 =	ssub.s32 @!p0 $0x0, s1;
	[sflag:s0] =	ssyncset.done @!p0 $0x0  }
0x1de: {  	[sflag:s0] =	ssyncadd.s32 @!p0 s1  }
0x1df: {  	[bflag:$0x3] =	sbarrier.arrive $0xFFFF  }
0x1e0: {  	_ =	shalt  }

</sc_bundles>
